<compile_context>
chip_gen: v7x
topology: tpu7x:2x2x1
jax: 0.10.2.dev20260603
libtpu: 0.0.44.dev20260713+nightly
codegen_flags: <defaults>
</compile_context>

<pallas_src>
import functools
import math

import jax
import jax.numpy as jnp
from jax import lax
from jax.experimental import pallas as pl
from jax.experimental.pallas import tpu as pltpu
from jax.experimental.pallas import tpu_sc as plsc

_N = 10000
_E = 320000
_D = 128
_ALPHA = 0.1
_BETA = math.log(1.0 / 2.0 + 1.0)

_NC = 2
_NS = 16
_NW = _NC * _NS
_CH = 40
_NCH = _E // _CH
_CPT = _NCH // _NW
_NB = 5
_NP = 10240
_RPT = _NP // _NS
_ZRD = 128
_ZRA = 16
_CPP = _NCH // _NS
_GRW = _NP // _NW
_FT = 80

_mesh = plsc.VectorSubcoreMesh(core_axis_name="c", subcore_axis_name="s")
_sc_params = pltpu.CompilerParams(use_tc_tiling_on_sc=False)


def _prep_body(dst2_hbm, feat_hbm, g_hbm, normb_hbm,
               shared, idx_v, ones_v, zer_v, dbuf, nbuf,
               f0b, f1b, f2b, f3b, g0b, g1b, g2b, g3b,
               s0, s1, s2, s3, s4, f0s, f1s, f2s, f3s, w0s, w1s, w2s, w3s):
    cid = lax.axis_index("c")
    sid = lax.axis_index("s")
    ssem = (s0, s1, s2, s3, s4)
    fbufs = (f0b, f1b, f2b, f3b)
    gbufs = (g0b, g1b, g2b, g3b)
    fsem = (f0s, f1s, f2s, f3s)
    wsem = (w0s, w1s, w2s, w3s)
    ntile = _GRW // _FT

    base = (cid * _NS + sid) * _GRW
    for t in range(ntile):
        @pl.when(base + t * _FT < _N)
        def _():
            pltpu.async_copy(
                feat_hbm.at[pl.ds(base + t * _FT, _FT)], fbufs[t], fsem[t])

    @pl.loop(0, _ZRD)
    def _(i):
        zer_v[i] = jnp.zeros((16,), jnp.float32)

    @pl.loop(0, _CH)
    def _(i):
        ones_v[i] = jnp.ones((16,), jnp.float32)

    rbase = sid * _RPT

    @pl.loop(0, _RPT // _ZRD)
    def _(j):
        pltpu.sync_copy(zer_v, shared.at[pl.ds(rbase + j * _ZRD, _ZRD)])

    plsc.subcore_barrier()

    crow = sid * _CPP
    pltpu.sync_copy(dst2_hbm.at[pl.ds(crow, _CPP)], idx_v)

    @pl.loop(0, _CPP // _NB)
    def _(g):
        for b in range(_NB):
            @pl.when(g > 0)
            def _():
                pltpu.make_async_copy(
                    ones_v, shared.at[idx_v.at[0]], ssem[b]).wait()

            pltpu.async_copy(
                ones_v, shared.at[idx_v.at[g * _NB + b]], ssem[b], add=True)

    for b in range(_NB):
        pltpu.make_async_copy(ones_v, shared.at[idx_v.at[0]], ssem[b]).wait()

    plsc.subcore_barrier()

    pltpu.sync_copy(shared.at[pl.ds(base, _GRW)], dbuf)

    @pl.loop(0, _GRW)
    def _(r):
        d = jnp.maximum(dbuf[r], 1.0)
        i = lax.bitcast_convert_type(d, jnp.int32)
        i = jnp.int32(0x5F3759DF) - lax.shift_right_logical(i, 1)
        y = lax.bitcast_convert_type(i, jnp.float32)
        y = y * (1.5 - 0.5 * d * y * y)
        y = y * (1.5 - 0.5 * d * y * y)
        y = y * (1.5 - 0.5 * d * y * y)
        nbuf[r] = y

    pltpu.sync_copy(nbuf, normb_hbm.at[pl.ds(base, _GRW)])

    for t in range(ntile):
        row0 = base + t * _FT

        @pl.when(row0 < _N)
        def _():
            pltpu.make_async_copy(
                feat_hbm.at[pl.ds(row0, _FT)], fbufs[t], fsem[t]).wait()

            @pl.loop(0, _FT)
            def _(r):
                nv = nbuf[t * _FT + r]
                for j in range(_D // 16):
                    gbufs[t][r, pl.ds(j * 16, 16)] = (
                        fbufs[t][r, pl.ds(j * 16, 16)] * nv)

            pltpu.async_copy(gbufs[t], g_hbm.at[pl.ds(row0, _FT)], wsem[t])

    for t in range(ntile):
        @pl.when(base + t * _FT < _N)
        def _():
            pltpu.make_async_copy(
                gbufs[t], g_hbm.at[pl.ds(base + t * _FT, _FT)],
                wsem[t]).wait()


def _agg_body(g_hbm, src2_hbm, dst2_hbm, aggp_hbm,
              shared, sidx_v, didx_v, r0, r1, r2, r3, r4, zer_v,
              g0, g1, g2, g3, g4, t0, t1, t2, t3, t4):
    cid = lax.axis_index("c")
    sid = lax.axis_index("s")
    rows = (r0, r1, r2, r3, r4)
    gsem = (g0, g1, g2, g3, g4)
    ssem = (t0, t1, t2, t3, t4)

    @pl.loop(0, _ZRA)
    def _(i):
        @pl.loop(0, _D // 16)
        def _(j):
            zer_v[i, pl.ds(j * 16, 16)] = jnp.zeros((16,), jnp.float32)

    crow = (sid * _NC + cid) * _CPT
    pltpu.async_copy(src2_hbm.at[pl.ds(crow, _CPT)], sidx_v, gsem[0])
    pltpu.async_copy(dst2_hbm.at[pl.ds(crow, _CPT)], didx_v, gsem[1])

    rbase = sid * _RPT

    @pl.loop(0, _RPT // _ZRA)
    def _(j):
        pltpu.sync_copy(zer_v, shared.at[pl.ds(rbase + j * _ZRA, _ZRA)])

    pltpu.make_async_copy(src2_hbm.at[pl.ds(crow, _CPT)], sidx_v,
                          gsem[0]).wait()
    pltpu.make_async_copy(dst2_hbm.at[pl.ds(crow, _CPT)], didx_v,
                          gsem[1]).wait()
    plsc.subcore_barrier()

    def issue_gather(t, b):
        pltpu.async_copy(g_hbm.at[sidx_v.at[t]], rows[b], gsem[b])

    def wait_gather(t, b):
        pltpu.make_async_copy(g_hbm.at[sidx_v.at[t]], rows[b], gsem[b]).wait()

    def issue_scatter(t, b):
        pltpu.async_copy(rows[b], shared.at[didx_v.at[t]], ssem[b], add=True)

    def wait_scatter(b):
        pltpu.make_async_copy(rows[b], shared.at[didx_v.at[0]], ssem[b]).wait()

    for b in range(_NB - 1):
        issue_gather(b, b)

    wait_gather(0, 0)
    issue_scatter(0, 0)
    issue_gather(_NB - 1, _NB - 1)
    for u in range(1, _NB):
        b = u % _NB
        wait_gather(u, b)
        issue_scatter(u, b)
        pb = (b + _NB - 1) % _NB
        wait_scatter(pb)
        issue_gather(u + _NB - 1, pb)

    @pl.loop(0, (_CPT - _NB) // _NB)
    def _(gg):
        for b in range(_NB):
            u = _NB + gg * _NB + b
            wait_gather(u, b)
            issue_scatter(u, b)
            pb = (b + _NB - 1) % _NB
            wait_scatter(pb)

            @pl.when(u + _NB - 1 <= _CPT - 1)
            def _():
                issue_gather(u + _NB - 1, pb)

    wait_scatter((_CPT - 1) % _NB)

    plsc.subcore_barrier()
    pltpu.sync_copy(shared.at[pl.ds(rbase, _RPT)],
                    aggp_hbm.at[cid].at[pl.ds(rbase, _RPT)])


def _final_body(aggp_ref, normb_ref, f0_ref, w_ref, b_ref, out_ref):
    norm = normb_ref[0:_N, 0:1]
    agg = aggp_ref[0, 0:_N, :] + aggp_ref[1, 0:_N, :]
    rst0 = agg * norm * (1.0 - _ALPHA) + _ALPHA * f0_ref[...]
    rst = (1.0 - _BETA) * rst0 + _BETA * jnp.dot(
        rst0, w_ref[...], preferred_element_type=jnp.float32)
    out_ref[...] = rst + b_ref[...]


_prep_call = functools.partial(
    pl.kernel,
    out_type=(
        jax.ShapeDtypeStruct((_NP, _D), jnp.float32),
        jax.ShapeDtypeStruct((_NP, 16), jnp.float32),
    ),
    mesh=_mesh,
    compiler_params=_sc_params,
    scratch_types=[
        pltpu.VMEM_SHARED((_NP, 16), jnp.float32),
        pltpu.VMEM((_CPP, _CH), jnp.int32),
        pltpu.VMEM((_CH, 16), jnp.float32),
        pltpu.VMEM((_ZRD, 16), jnp.float32),
        pltpu.VMEM((_GRW, 16), jnp.float32),
        pltpu.VMEM((_GRW, 16), jnp.float32),
    ] + [pltpu.VMEM((_FT, _D), jnp.float32)] * (2 * (_GRW // _FT))
    + [pltpu.SemaphoreType.DMA] * (_NB + 2 * (_GRW // _FT)),
)(_prep_body)


_agg_call = functools.partial(
    pl.kernel,
    out_type=jax.ShapeDtypeStruct((_NC, _NP, _D), jnp.float32),
    mesh=_mesh,
    compiler_params=_sc_params,
    scratch_types=[
        pltpu.VMEM_SHARED((_NP, _D), jnp.float32),
        pltpu.VMEM((_CPT, _CH), jnp.int32),
        pltpu.VMEM((_CPT, _CH), jnp.int32),
    ] + [pltpu.VMEM((_CH, _D), jnp.float32)] * _NB + [
        pltpu.VMEM((_ZRA, _D), jnp.float32),
    ] + [pltpu.SemaphoreType.DMA] * (2 * _NB),
)(_agg_body)


def kernel(feat, feat_0, edge_index, weight1, bias):
    src2 = edge_index[0].reshape(_NCH, _CH)
    dst2 = edge_index[1].reshape(_NCH, _CH)

    g, normb = _prep_call(dst2, feat)
    aggp = _agg_call(g, src2, dst2)

    out = pl.pallas_call(
        _final_body,
        out_shape=jax.ShapeDtypeStruct((_N, _D), jnp.float32),
    )(aggp, normb, feat_0, weight1, bias.reshape(1, _D))
    return out

# --- scband reference (transcript-rebuilt; emitter-appended) ---
"""Pipeline reference for scband-gcnii-87978110091513 (READ-ONLY COPY).

The authoritative reference and input builder live on the scoring server;
editing this copy changes nothing except your own understanding.
"""

import jax, jax.numpy as jnp
import numpy as np
import math

N = 10000
E = 320000
D = 128
ALPHA = 0.1
LAMBDA = 1.0
LAYER = 2
BETA = math.log(LAMBDA / LAYER + 1.0)


def setup_inputs(seed: int = 0) -> dict:
    key = jax.random.key(seed)
    k1, k2, k3, k4 = jax.random.split(key, 4)
    feat = jax.random.normal(k1, (N, D), dtype=jnp.float32)
    feat_0 = jax.random.normal(k2, (N, D), dtype=jnp.float32)
    edge_index = jax.random.randint(k3, (2, E), 0, N, dtype=jnp.int32)
    # learned params: weight1 init ~ N(0,1) per reset_parameters; bias zeros
    weight1 = jax.random.normal(k4, (D, D), dtype=jnp.float32)
    bias = jnp.zeros((D,), dtype=jnp.float32)
    return {"feat": feat, "feat_0": feat_0, "edge_index": edge_index, "weight1": weight1, "bias": bias}


def reference(feat, feat_0, edge_index, weight1, bias):
    src = edge_index[0]
    dst = edge_index[1]
    # in-degrees (dst side), clamp(min=1), symmetric norm D^{-1/2} A D^{-1/2}
    deg = jnp.zeros((N,), dtype=jnp.float32).at[dst].add(1.0)
    deg = jnp.clip(deg, 1.0, None)
    norm = jnp.power(deg, -0.5)[:, None]
    h = feat * norm
    # copy_u + sum aggregation: scatter-add messages h[src] into dst
    agg = jax.ops.segment_sum(h[src], dst, num_segments=N)
    h = agg * norm
    h = h * (1.0 - ALPHA)
    rst0 = h + feat_0 * ALPHA
    # addmm(rst0, rst0, W1, beta=1-BETA, alpha=BETA)
    rst = (1.0 - BETA) * rst0 + BETA * (rst0 @ weight1)
    rst = rst + bias
    return rst

if __name__ == "__main__":
    import jax
    _d = setup_inputs()
    print(jax.jit(kernel)(*tuple(_d.values())))

</pallas_src>

<mosaic_0001>
#map = affine_map<(d0, d1) -> (0, 0)>
module attributes {stable_mosaic.version = 14 : i64} {
  func.func @_prep_body(%arg0: i32, %arg1: i32, %arg2: memref<8000x40xi32, #tpu.memory_space<hbm>>, %arg3: memref<10000x128xf32, #tpu.memory_space<hbm>>, %arg4: memref<10240x128xf32, #tpu.memory_space<hbm>>, %arg5: memref<10240x16xf32, #tpu.memory_space<hbm>>, %arg6: memref<10240x16xf32, #tpu.memory_space<vmem_shared>>, %arg7: memref<500x40xi32, #tpu.memory_space<vmem>>, %arg8: memref<40x16xf32, #tpu.memory_space<vmem>>, %arg9: memref<128x16xf32, #tpu.memory_space<vmem>>, %arg10: memref<320x16xf32, #tpu.memory_space<vmem>>, %arg11: memref<320x16xf32, #tpu.memory_space<vmem>>, %arg12: memref<80x128xf32, #tpu.memory_space<vmem>>, %arg13: memref<80x128xf32, #tpu.memory_space<vmem>>, %arg14: memref<80x128xf32, #tpu.memory_space<vmem>>, %arg15: memref<80x128xf32, #tpu.memory_space<vmem>>, %arg16: memref<80x128xf32, #tpu.memory_space<vmem>>, %arg17: memref<80x128xf32, #tpu.memory_space<vmem>>, %arg18: memref<80x128xf32, #tpu.memory_space<vmem>>, %arg19: memref<80x128xf32, #tpu.memory_space<vmem>>, %arg20: memref<!tpu.dma_semaphore, #tpu.memory_space<semaphore_mem>>, %arg21: memref<!tpu.dma_semaphore, #tpu.memory_space<semaphore_mem>>, %arg22: memref<!tpu.dma_semaphore, #tpu.memory_space<semaphore_mem>>, %arg23: memref<!tpu.dma_semaphore, #tpu.memory_space<semaphore_mem>>, %arg24: memref<!tpu.dma_semaphore, #tpu.memory_space<semaphore_mem>>, %arg25: memref<!tpu.dma_semaphore, #tpu.memory_space<semaphore_mem>>, %arg26: memref<!tpu.dma_semaphore, #tpu.memory_space<semaphore_mem>>, %arg27: memref<!tpu.dma_semaphore, #tpu.memory_space<semaphore_mem>>, %arg28: memref<!tpu.dma_semaphore, #tpu.memory_space<semaphore_mem>>, %arg29: memref<!tpu.dma_semaphore, #tpu.memory_space<semaphore_mem>>, %arg30: memref<!tpu.dma_semaphore, #tpu.memory_space<semaphore_mem>>, %arg31: memref<!tpu.dma_semaphore, #tpu.memory_space<semaphore_mem>>, %arg32: memref<!tpu.dma_semaphore, #tpu.memory_space<semaphore_mem>>) attributes {dimension_semantics = [#tpu.dimension_semantics<core_parallel>, #tpu.dimension_semantics<subcore_parallel>], iteration_bounds = array<i64: 2, 16>, scalar_prefetch = 0 : i64, scratch_operands = 27 : i64, tpu.core_type = #tpu.core_type<sc_vector_subcore>, window_params = [{transform_indices = #map}, {transform_indices = #map}, {transform_indices = #map}, {transform_indices = #map}]} {
    %mul3A = arith.constant 16 : i32
    %mul3A_0 = arith.muli %arg0, %mul3A : i32
    %add3A = arith.addi %mul3A_0, %arg1 : i32
    %mul3A_1 = arith.constant 320 : i32
    %mul3A_2 = arith.muli %add3A, %mul3A_1 : i32
    %add3A_3 = arith.constant 0 : i32
    %add3A_4 = arith.addi %mul3A_2, %add3A_3 : i32
    %lt3A = arith.constant 10000 : i32
    %lt3A_5 = arith.cmpi slt, %add3A_4, %lt3A : i32
    %convert_element_type3A = arith.extui %lt3A_5 : i1 to i32
    %cond3A = arith.constant 0 : i32
    %cond3A_6 = arith.cmpi ne, %convert_element_type3A, %cond3A : i32
    scf.if %cond3A_6 {
      %add3A_147 = arith.constant 0 : i32
      %add3A_148 = arith.addi %mul3A_2, %add3A_147 : i32
      %dma_start3A = arith.constant 0 : i32
      %dma_start3A_149 = tpu.memref_slice %arg3[%add3A_148, %dma_start3A] : memref<10000x128xf32, #tpu.memory_space<hbm>> -> memref<80x128xf32, #tpu.memory_space<hbm>>
      %dma_start3A_150 = arith.constant 0 : i32
      %dma_start3A_151 = tpu.memref_slice %arg3[%add3A_148, %dma_start3A_150] : memref<10000x128xf32, #tpu.memory_space<hbm>> -> memref<80x128xf32, #tpu.memory_space<hbm>>
      tpu.enqueue_dma source(%dma_start3A_151 : memref<80x128xf32, #tpu.memory_space<hbm>>) target(%arg12 : memref<80x128xf32, #tpu.memory_space<vmem>>) target_semaphore(%arg25 : memref<!tpu.dma_semaphore, #tpu.memory_space<semaphore_mem>>)
    } else {
    }
    %add3A_7 = arith.constant 80 : i32
    %add3A_8 = arith.addi %mul3A_2, %add3A_7 : i32
    %lt3A_9 = arith.constant 10000 : i32
    %lt3A_10 = arith.cmpi slt, %add3A_8, %lt3A_9 : i32
    %convert_element_type3A_11 = arith.extui %lt3A_10 : i1 to i32
    %cond3A_12 = arith.constant 0 : i32
    %cond3A_13 = arith.cmpi ne, %convert_element_type3A_11, %cond3A_12 : i32
    scf.if %cond3A_13 {
      %add3A_147 = arith.constant 80 : i32
      %add3A_148 = arith.addi %mul3A_2, %add3A_147 : i32
      %dma_start3A = arith.constant 0 : i32
      %dma_start3A_149 = tpu.memref_slice %arg3[%add3A_148, %dma_start3A] : memref<10000x128xf32, #tpu.memory_space<hbm>> -> memref<80x128xf32, #tpu.memory_space<hbm>>
      %dma_start3A_150 = arith.constant 0 : i32
      %dma_start3A_151 = tpu.memref_slice %arg3[%add3A_148, %dma_start3A_150] : memref<10000x128xf32, #tpu.memory_space<hbm>> -> memref<80x128xf32, #tpu.memory_space<hbm>>
      tpu.enqueue_dma source(%dma_start3A_151 : memref<80x128xf32, #tpu.memory_space<hbm>>) target(%arg13 : memref<80x128xf32, #tpu.memory_space<vmem>>) target_semaphore(%arg26 : memref<!tpu.dma_semaphore, #tpu.memory_space<semaphore_mem>>)
    } else {
    }
    %add3A_14 = arith.constant 160 : i32
    %add3A_15 = arith.addi %mul3A_2, %add3A_14 : i32
    %lt3A_16 = arith.constant 10000 : i32
    %lt3A_17 = arith.cmpi slt, %add3A_15, %lt3A_16 : i32
    %convert_element_type3A_18 = arith.extui %lt3A_17 : i1 to i32
    %cond3A_19 = arith.constant 0 : i32
    %cond3A_20 = arith.cmpi ne, %convert_element_type3A_18, %cond3A_19 : i32
    scf.if %cond3A_20 {
      %add3A_147 = arith.constant 160 : i32
      %add3A_148 = arith.addi %mul3A_2, %add3A_147 : i32
      %dma_start3A = arith.constant 0 : i32
      %dma_start3A_149 = tpu.memref_slice %arg3[%add3A_148, %dma_start3A] : memref<10000x128xf32, #tpu.memory_space<hbm>> -> memref<80x128xf32, #tpu.memory_space<hbm>>
      %dma_start3A_150 = arith.constant 0 : i32
      %dma_start3A_151 = tpu.memref_slice %arg3[%add3A_148, %dma_start3A_150] : memref<10000x128xf32, #tpu.memory_space<hbm>> -> memref<80x128xf32, #tpu.memory_space<hbm>>
      tpu.enqueue_dma source(%dma_start3A_151 : memref<80x128xf32, #tpu.memory_space<hbm>>) target(%arg14 : memref<80x128xf32, #tpu.memory_space<vmem>>) target_semaphore(%arg27 : memref<!tpu.dma_semaphore, #tpu.memory_space<semaphore_mem>>)
    } else {
    }
    %add3A_21 = arith.constant 240 : i32
    %add3A_22 = arith.addi %mul3A_2, %add3A_21 : i32
    %lt3A_23 = arith.constant 10000 : i32
    %lt3A_24 = arith.cmpi slt, %add3A_22, %lt3A_23 : i32
    %convert_element_type3A_25 = arith.extui %lt3A_24 : i1 to i32
    %cond3A_26 = arith.constant 0 : i32
    %cond3A_27 = arith.cmpi ne, %convert_element_type3A_25, %cond3A_26 : i32
    scf.if %cond3A_27 {
      %add3A_147 = arith.constant 240 : i32
      %add3A_148 = arith.addi %mul3A_2, %add3A_147 : i32
      %dma_start3A = arith.constant 0 : i32
      %dma_start3A_149 = tpu.memref_slice %arg3[%add3A_148, %dma_start3A] : memref<10000x128xf32, #tpu.memory_space<hbm>> -> memref<80x128xf32, #tpu.memory_space<hbm>>
      %dma_start3A_150 = arith.constant 0 : i32
      %dma_start3A_151 = tpu.memref_slice %arg3[%add3A_148, %dma_start3A_150] : memref<10000x128xf32, #tpu.memory_space<hbm>> -> memref<80x128xf32, #tpu.memory_space<hbm>>
      tpu.enqueue_dma source(%dma_start3A_151 : memref<80x128xf32, #tpu.memory_space<hbm>>) target(%arg15 : memref<80x128xf32, #tpu.memory_space<vmem>>) target_semaphore(%arg28 : memref<!tpu.dma_semaphore, #tpu.memory_space<semaphore_mem>>)
    } else {
    }
    %scan3A = arith.constant 0 : i32
    %scan3A_28 = arith.constant 128 : i32
    %scan3A_29 = arith.addi %scan3A, %scan3A_28 : i32
    %scan3A_30 = arith.constant 1 : i32
    scf.for %scan3A_147 = %scan3A to %scan3A_29 step %scan3A_30  : i32 {
      %mul3A_148 = arith.constant 1 : i32
      %mul3A_149 = arith.muli %scan3A_147, %mul3A_148 : i32
      %add3A_150 = arith.constant 0 : i32
      %add3A_151 = arith.addi %add3A_150, %mul3A_149 : i32
      %broadcast_in_dim3A = arith.constant 0.000000e+00 : f32
      %broadcast_in_dim3A_152 = vector.broadcast %broadcast_in_dim3A : f32 to vector<16xf32>
      %swap3A = arith.index_cast %add3A_151 : i32 to index
      %swap3A_153 = arith.constant 0 : index
      %swap3A_154 = tpu.vector_load %arg9[%swap3A, %swap3A_153] {strides = array<i32>} : memref<128x16xf32, #tpu.memory_space<vmem>>, vector<1x16xf32>,
      %swap3A_155 = vector.shape_cast %swap3A_154 : vector<1x16xf32> to vector<16xf32>
      %swap3A_156 = vector.shape_cast %broadcast_in_dim3A_152 : vector<16xf32> to vector<1x16xf32>
      tpu.vector_store %arg9[%swap3A, %swap3A_153], %swap3A_156 {strides = array<i32>} : memref<128x16xf32, #tpu.memory_space<vmem>>, vector<1x16xf32>,
    }
    %scan3A_31 = arith.constant 128 : i32
    %scan3A_32 = arith.constant 0 : i32
    %scan3A_33 = arith.constant 40 : i32
    %scan3A_34 = arith.addi %scan3A_32, %scan3A_33 : i32
    %scan3A_35 = arith.constant 1 : i32
    scf.for %scan3A_147 = %scan3A_32 to %scan3A_34 step %scan3A_35  : i32 {
      %mul3A_148 = arith.constant 1 : i32
      %mul3A_149 = arith.muli %scan3A_147, %mul3A_148 : i32
      %add3A_150 = arith.constant 0 : i32
      %add3A_151 = arith.addi %add3A_150, %mul3A_149 : i32
      %broadcast_in_dim3A = arith.constant 1.000000e+00 : f32
      %broadcast_in_dim3A_152 = vector.broadcast %broadcast_in_dim3A : f32 to vector<16xf32>
      %swap3A = arith.index_cast %add3A_151 : i32 to index
      %swap3A_153 = arith.constant 0 : index
      %swap3A_154 = tpu.vector_load %arg8[%swap3A, %swap3A_153] {strides = array<i32>} : memref<40x16xf32, #tpu.memory_space<vmem>>, vector<1x16xf32>,
      %swap3A_155 = vector.shape_cast %swap3A_154 : vector<1x16xf32> to vector<16xf32>
      %swap3A_156 = vector.shape_cast %broadcast_in_dim3A_152 : vector<16xf32> to vector<1x16xf32>
      tpu.vector_store %arg8[%swap3A, %swap3A_153], %swap3A_156 {strides = array<i32>} : memref<40x16xf32, #tpu.memory_space<vmem>>, vector<1x16xf32>,
    }
    %scan3A_36 = arith.constant 40 : i32
    %mul3A_37 = arith.constant 640 : i32
    %mul3A_38 = arith.muli %arg1, %mul3A_37 : i32
    %scan3A_39 = arith.constant 0 : i32
    %scan3A_40 = arith.constant 5 : i32
    %scan3A_41 = arith.addi %scan3A_39, %scan3A_40 : i32
    %scan3A_42 = arith.constant 1 : i32
    scf.for %scan3A_147 = %scan3A_39 to %scan3A_41 step %scan3A_42  : i32 {
      %mul3A_148 = arith.constant 1 : i32
      %mul3A_149 = arith.muli %scan3A_147, %mul3A_148 : i32
      %add3A_150 = arith.constant 0 : i32
      %add3A_151 = arith.addi %add3A_150, %mul3A_149 : i32
      %mul3A_152 = arith.constant 128 : i32
      %mul3A_153 = arith.muli %add3A_151, %mul3A_152 : i32
      %add3A_154 = arith.addi %mul3A_38, %mul3A_153 : i32
      "tpu.region"() ({
        %run_scoped3A = tpu.sem_alloc : memref<!tpu.dma_semaphore, #tpu.memory_space<semaphore_mem>>
        %dma_start3A = arith.constant 0 : i32
        %dma_start3A_155 = tpu.memref_slice %arg6[%add3A_154, %dma_start3A] : memref<10240x16xf32, #tpu.memory_space<vmem_shared>> -> memref<128x16xf32, #tpu.memory_space<vmem_shared>>
        %dma_start3A_156 = arith.constant 0 : i32
        %dma_start3A_157 = tpu.memref_slice %arg6[%add3A_154, %dma_start3A_156] : memref<10240x16xf32, #tpu.memory_space<vmem_shared>> -> memref<128x16xf32, #tpu.memory_space<vmem_shared>>
        tpu.enqueue_dma source(%arg9 : memref<128x16xf32, #tpu.memory_space<vmem>>) target(%dma_start3A_157 : memref<128x16xf32, #tpu.memory_space<vmem_shared>>) target_semaphore(%run_scoped3A : memref<!tpu.dma_semaphore, #tpu.memory_space<semaphore_mem>>)
        %dma_wait3A_158 = arith.constant 0 : i32
        %dma_wait3A_159 = tpu.memref_slice %arg6[%add3A_154, %dma_wait3A_158] : memref<10240x16xf32, #tpu.memory_space<vmem_shared>> -> memref<128x16xf32, #tpu.memory_space<vmem_shared>>
        %dma_wait3A_160 = arith.constant 0 : i32
        %dma_wait3A_161 = tpu.memref_slice %arg6[%add3A_154, %dma_wait3A_160] : memref<10240x16xf32, #tpu.memory_space<vmem_shared>> -> memref<128x16xf32, #tpu.memory_space<vmem_shared>>
        tpu.wait_dma2 semaphore(%run_scoped3A : memref<!tpu.dma_semaphore, #tpu.memory_space<semaphore_mem>>) src(%arg9 : memref<128x16xf32, #tpu.memory_space<vmem>>) dst(%dma_wait3A_161 : memref<128x16xf32, #tpu.memory_space<vmem_shared>>)
        tpu.yield
      }) : () -> ()
    }
    %scan3A_43 = arith.constant 5 : i32
    %barrier3A = arith.constant 0 : index
    tpu.barrier barrier_id(%barrier3A)
    %mul3A_44 = arith.constant 500 : i32
    %mul3A_45 = arith.muli %arg1, %mul3A_44 : i32
    "tpu.region"() ({
      %run_scoped3A = tpu.sem_alloc : memref<!tpu.dma_semaphore, #tpu.memory_space<semaphore_mem>>
      %dma_start3A = arith.constant 0 : i32
      %dma_start3A_147 = tpu.memref_slice %arg2[%mul3A_45, %dma_start3A] : memref<8000x40xi32, #tpu.memory_space<hbm>> -> memref<500x40xi32, #tpu.memory_space<hbm>>
      %dma_start3A_148 = arith.constant 0 : i32
      %dma_start3A_149 = tpu.memref_slice %arg2[%mul3A_45, %dma_start3A_148] : memref<8000x40xi32, #tpu.memory_space<hbm>> -> memref<500x40xi32, #tpu.memory_space<hbm>>
      tpu.enqueue_dma source(%dma_start3A_149 : memref<500x40xi32, #tpu.memory_space<hbm>>) target(%arg7 : memref<500x40xi32, #tpu.memory_space<vmem>>) target_semaphore(%run_scoped3A : memref<!tpu.dma_semaphore, #tpu.memory_space<semaphore_mem>>)
      %dma_wait3A_150 = arith.constant 0 : i32
      %dma_wait3A_151 = tpu.memref_slice %arg2[%mul3A_45, %dma_wait3A_150] : memref<8000x40xi32, #tpu.memory_space<hbm>> -> memref<500x40xi32, #tpu.memory_space<hbm>>
      %dma_wait3A_152 = arith.constant 0 : i32
      %dma_wait3A_153 = tpu.memref_slice %arg2[%mul3A_45, %dma_wait3A_152] : memref<8000x40xi32, #tpu.memory_space<hbm>> -> memref<500x40xi32, #tpu.memory_space<hbm>>
      tpu.wait_dma2 semaphore(%run_scoped3A : memref<!tpu.dma_semaphore, #tpu.memory_space<semaphore_mem>>) src(%dma_wait3A_153 : memref<500x40xi32, #tpu.memory_space<hbm>>) dst(%arg7 : memref<500x40xi32, #tpu.memory_space<vmem>>)
      tpu.yield
    }) : () -> ()
    %scan3A_46 = arith.constant 0 : i32
    %scan3A_47 = arith.constant 100 : i32
    %scan3A_48 = arith.addi %scan3A_46, %scan3A_47 : i32
    %scan3A_49 = arith.constant 1 : i32
    scf.for %scan3A_147 = %scan3A_46 to %scan3A_48 step %scan3A_49  : i32 {
      %mul3A_148 = arith.constant 1 : i32
      %mul3A_149 = arith.muli %scan3A_147, %mul3A_148 : i32
      %add3A_150 = arith.constant 0 : i32
      %add3A_151 = arith.addi %add3A_150, %mul3A_149 : i32
      %gt3A = arith.constant 0 : i32
      %gt3A_152 = arith.cmpi sgt, %add3A_151, %gt3A : i32
      %convert_element_type3A_153 = arith.extui %gt3A_152 : i1 to i32
      %cond3A_154 = arith.constant 0 : i32
      %cond3A_155 = arith.cmpi ne, %convert_element_type3A_153, %cond3A_154 : i32
      scf.if %cond3A_155 {
        %dma_wait3A_225 = arith.constant 0 : i32
        %dma_wait3A_226 = arith.constant 0 : i32
        %dma_wait3A_227 = tpu.memref_slice %arg7[%dma_wait3A_225, %dma_wait3A_226] : memref<500x40xi32, #tpu.memory_space<vmem>> -> memref<1x40xi32, #tpu.memory_space<vmem>>
        %dma_wait3A_228 = tpu.memref_squeeze %dma_wait3A_227 : memref<1x40xi32, #tpu.memory_space<vmem>> -> memref<40xi32, #tpu.memory_space<vmem>>
        %dma_wait3A_229 = arith.constant 0 : i32
        %dma_wait3A_230 = arith.constant 0 : i32
        %dma_wait3A_231 = tpu.memref_slice %arg6[%dma_wait3A_229, %dma_wait3A_230] : memref<10240x16xf32, #tpu.memory_space<vmem_shared>> -> memref<10240x16xf32, #tpu.memory_space<vmem_shared>>
        tpu.wait_indirect_dma semaphore(%arg20 : memref<!tpu.dma_semaphore, #tpu.memory_space<semaphore_mem>>) src(%arg8 : memref<40x16xf32, #tpu.memory_space<vmem>>) dst(%dma_wait3A_231 : memref<10240x16xf32, #tpu.memory_space<vmem_shared>>)
      } else {
      }
      %mul3A_156 = arith.constant 5 : i32
      %mul3A_157 = arith.muli %add3A_151, %mul3A_156 : i32
      %add3A_158 = arith.constant 0 : i32
      %add3A_159 = arith.addi %mul3A_157, %add3A_158 : i32
      %dma_start3A = arith.constant 0 : i32
      %dma_start3A_160 = tpu.memref_slice %arg7[%add3A_159, %dma_start3A] : memref<500x40xi32, #tpu.memory_space<vmem>> -> memref<1x40xi32, #tpu.memory_space<vmem>>
      %dma_start3A_161 = tpu.memref_squeeze %dma_start3A_160 : memref<1x40xi32, #tpu.memory_space<vmem>> -> memref<40xi32, #tpu.memory_space<vmem>>
      %dma_start3A_162 = arith.constant 0 : i32
      %dma_start3A_163 = arith.constant 0 : i32
      %dma_start3A_164 = tpu.memref_slice %arg6[%dma_start3A_162, %dma_start3A_163] : memref<10240x16xf32, #tpu.memory_space<vmem_shared>> -> memref<10240x16xf32, #tpu.memory_space<vmem_shared>>
      tpu.enqueue_indirect_dma source(%arg8 : memref<40x16xf32, #tpu.memory_space<vmem>>) target(%dma_start3A_164 : memref<10240x16xf32, #tpu.memory_space<vmem_shared>>) offsets(%dma_start3A_161 : memref<40xi32, #tpu.memory_space<vmem>>) semaphore(%arg20 : memref<!tpu.dma_semaphore, #tpu.memory_space<semaphore_mem>>) {add = true}
      %gt3A_165 = arith.constant 0 : i32
      %gt3A_166 = arith.cmpi sgt, %add3A_151, %gt3A_165 : i32
      %convert_element_type3A_167 = arith.extui %gt3A_166 : i1 to i32
      %cond3A_168 = arith.constant 0 : i32
      %cond3A_169 = arith.cmpi ne, %convert_element_type3A_167, %cond3A_168 : i32
      scf.if %cond3A_169 {
        %dma_wait3A_225 = arith.constant 0 : i32
        %dma_wait3A_226 = arith.constant 0 : i32
        %dma_wait3A_227 = tpu.memref_slice %arg7[%dma_wait3A_225, %dma_wait3A_226] : memref<500x40xi32, #tpu.memory_space<vmem>> -> memref<1x40xi32, #tpu.memory_space<vmem>>
        %dma_wait3A_228 = tpu.memref_squeeze %dma_wait3A_227 : memref<1x40xi32, #tpu.memory_space<vmem>> -> memref<40xi32, #tpu.memory_space<vmem>>
        %dma_wait3A_229 = arith.constant 0 : i32
        %dma_wait3A_230 = arith.constant 0 : i32
        %dma_wait3A_231 = tpu.memref_slice %arg6[%dma_wait3A_229, %dma_wait3A_230] : memref<10240x16xf32, #tpu.memory_space<vmem_shared>> -> memref<10240x16xf32, #tpu.memory_space<vmem_shared>>
        tpu.wait_indirect_dma semaphore(%arg21 : memref<!tpu.dma_semaphore, #tpu.memory_space<semaphore_mem>>) src(%arg8 : memref<40x16xf32, #tpu.memory_space<vmem>>) dst(%dma_wait3A_231 : memref<10240x16xf32, #tpu.memory_space<vmem_shared>>)
      } else {
      }
      %mul3A_170 = arith.constant 5 : i32
      %mul3A_171 = arith.muli %add3A_151, %mul3A_170 : i32
      %add3A_172 = arith.constant 1 : i32
      %add3A_173 = arith.addi %mul3A_171, %add3A_172 : i32
      %dma_start3A_174 = arith.constant 0 : i32
      %dma_start3A_175 = tpu.memref_slice %arg7[%add3A_173, %dma_start3A_174] : memref<500x40xi32, #tpu.memory_space<vmem>> -> memref<1x40xi32, #tpu.memory_space<vmem>>
      %dma_start3A_176 = tpu.memref_squeeze %dma_start3A_175 : memref<1x40xi32, #tpu.memory_space<vmem>> -> memref<40xi32, #tpu.memory_space<vmem>>
      %dma_start3A_177 = arith.constant 0 : i32
      %dma_start3A_178 = arith.constant 0 : i32
      %dma_start3A_179 = tpu.memref_slice %arg6[%dma_start3A_177, %dma_start3A_178] : memref<10240x16xf32, #tpu.memory_space<vmem_shared>> -> memref<10240x16xf32, #tpu.memory_space<vmem_shared>>
      tpu.enqueue_indirect_dma source(%arg8 : memref<40x16xf32, #tpu.memory_space<vmem>>) target(%dma_start3A_179 : memref<10240x16xf32, #tpu.memory_space<vmem_shared>>) offsets(%dma_start3A_176 : memref<40xi32, #tpu.memory_space<vmem>>) semaphore(%arg21 : memref<!tpu.dma_semaphore, #tpu.memory_space<semaphore_mem>>) {add = true}
      %gt3A_180 = arith.constant 0 : i32
      %gt3A_181 = arith.cmpi sgt, %add3A_151, %gt3A_180 : i32
      %convert_element_type3A_182 = arith.extui %gt3A_181 : i1 to i32
      %cond3A_183 = arith.constant 0 : i32
      %cond3A_184 = arith.cmpi ne, %convert_element_type3A_182, %cond3A_183 : i32
      scf.if %cond3A_184 {
        %dma_wait3A_225 = arith.constant 0 : i32
        %dma_wait3A_226 = arith.constant 0 : i32
        %dma_wait3A_227 = tpu.memref_slice %arg7[%dma_wait3A_225, %dma_wait3A_226] : memref<500x40xi32, #tpu.memory_space<vmem>> -> memref<1x40xi32, #tpu.memory_space<vmem>>
        %dma_wait3A_228 = tpu.memref_squeeze %dma_wait3A_227 : memref<1x40xi32, #tpu.memory_space<vmem>> -> memref<40xi32, #tpu.memory_space<vmem>>
        %dma_wait3A_229 = arith.constant 0 : i32
        %dma_wait3A_230 = arith.constant 0 : i32
        %dma_wait3A_231 = tpu.memref_slice %arg6[%dma_wait3A_229, %dma_wait3A_230] : memref<10240x16xf32, #tpu.memory_space<vmem_shared>> -> memref<10240x16xf32, #tpu.memory_space<vmem_shared>>
        tpu.wait_indirect_dma semaphore(%arg22 : memref<!tpu.dma_semaphore, #tpu.memory_space<semaphore_mem>>) src(%arg8 : memref<40x16xf32, #tpu.memory_space<vmem>>) dst(%dma_wait3A_231 : memref<10240x16xf32, #tpu.memory_space<vmem_shared>>)
      } else {
      }
      %mul3A_185 = arith.constant 5 : i32
      %mul3A_186 = arith.muli %add3A_151, %mul3A_185 : i32
      %add3A_187 = arith.constant 2 : i32
      %add3A_188 = arith.addi %mul3A_186, %add3A_187 : i32
      %dma_start3A_189 = arith.constant 0 : i32
      %dma_start3A_190 = tpu.memref_slice %arg7[%add3A_188, %dma_start3A_189] : memref<500x40xi32, #tpu.memory_space<vmem>> -> memref<1x40xi32, #tpu.memory_space<vmem>>
      %dma_start3A_191 = tpu.memref_squeeze %dma_start3A_190 : memref<1x40xi32, #tpu.memory_space<vmem>> -> memref<40xi32, #tpu.memory_space<vmem>>
      %dma_start3A_192 = arith.constant 0 : i32
      %dma_start3A_193 = arith.constant 0 : i32
      %dma_start3A_194 = tpu.memref_slice %arg6[%dma_start3A_192, %dma_start3A_193] : memref<10240x16xf32, #tpu.memory_space<vmem_shared>> -> memref<10240x16xf32, #tpu.memory_space<vmem_shared>>
      tpu.enqueue_indirect_dma source(%arg8 : memref<40x16xf32, #tpu.memory_space<vmem>>) target(%dma_start3A_194 : memref<10240x16xf32, #tpu.memory_space<vmem_shared>>) offsets(%dma_start3A_191 : memref<40xi32, #tpu.memory_space<vmem>>) semaphore(%arg22 : memref<!tpu.dma_semaphore, #tpu.memory_space<semaphore_mem>>) {add = true}
      %gt3A_195 = arith.constant 0 : i32
      %gt3A_196 = arith.cmpi sgt, %add3A_151, %gt3A_195 : i32
      %convert_element_type3A_197 = arith.extui %gt3A_196 : i1 to i32
      %cond3A_198 = arith.constant 0 : i32
      %cond3A_199 = arith.cmpi ne, %convert_element_type3A_197, %cond3A_198 : i32
      scf.if %cond3A_199 {
        %dma_wait3A_225 = arith.constant 0 : i32
        %dma_wait3A_226 = arith.constant 0 : i32
        %dma_wait3A_227 = tpu.memref_slice %arg7[%dma_wait3A_225, %dma_wait3A_226] : memref<500x40xi32, #tpu.memory_space<vmem>> -> memref<1x40xi32, #tpu.memory_space<vmem>>
        %dma_wait3A_228 = tpu.memref_squeeze %dma_wait3A_227 : memref<1x40xi32, #tpu.memory_space<vmem>> -> memref<40xi32, #tpu.memory_space<vmem>>
        %dma_wait3A_229 = arith.constant 0 : i32
        %dma_wait3A_230 = arith.constant 0 : i32
        %dma_wait3A_231 = tpu.memref_slice %arg6[%dma_wait3A_229, %dma_wait3A_230] : memref<10240x16xf32, #tpu.memory_space<vmem_shared>> -> memref<10240x16xf32, #tpu.memory_space<vmem_shared>>
        tpu.wait_indirect_dma semaphore(%arg23 : memref<!tpu.dma_semaphore, #tpu.memory_space<semaphore_mem>>) src(%arg8 : memref<40x16xf32, #tpu.memory_space<vmem>>) dst(%dma_wait3A_231 : memref<10240x16xf32, #tpu.memory_space<vmem_shared>>)
      } else {
      }
      %mul3A_200 = arith.constant 5 : i32
      %mul3A_201 = arith.muli %add3A_151, %mul3A_200 : i32
      %add3A_202 = arith.constant 3 : i32
      %add3A_203 = arith.addi %mul3A_201, %add3A_202 : i32
      %dma_start3A_204 = arith.constant 0 : i32
      %dma_start3A_205 = tpu.memref_slice %arg7[%add3A_203, %dma_start3A_204] : memref<500x40xi32, #tpu.memory_space<vmem>> -> memref<1x40xi32, #tpu.memory_space<vmem>>
      %dma_start3A_206 = tpu.memref_squeeze %dma_start3A_205 : memref<1x40xi32, #tpu.memory_space<vmem>> -> memref<40xi32, #tpu.memory_space<vmem>>
      %dma_start3A_207 = arith.constant 0 : i32
      %dma_start3A_208 = arith.constant 0 : i32
      %dma_start3A_209 = tpu.memref_slice %arg6[%dma_start3A_207, %dma_start3A_208] : memref<10240x16xf32, #tpu.memory_space<vmem_shared>> -> memref<10240x16xf32, #tpu.memory_space<vmem_shared>>
      tpu.enqueue_indirect_dma source(%arg8 : memref<40x16xf32, #tpu.memory_space<vmem>>) target(%dma_start3A_209 : memref<10240x16xf32, #tpu.memory_space<vmem_shared>>) offsets(%dma_start3A_206 : memref<40xi32, #tpu.memory_space<vmem>>) semaphore(%arg23 : memref<!tpu.dma_semaphore, #tpu.memory_space<semaphore_mem>>) {add = true}
      %gt3A_210 = arith.constant 0 : i32
      %gt3A_211 = arith.cmpi sgt, %add3A_151, %gt3A_210 : i32
      %convert_element_type3A_212 = arith.extui %gt3A_211 : i1 to i32
      %cond3A_213 = arith.constant 0 : i32
      %cond3A_214 = arith.cmpi ne, %convert_element_type3A_212, %cond3A_213 : i32
      scf.if %cond3A_214 {
        %dma_wait3A_225 = arith.constant 0 : i32
        %dma_wait3A_226 = arith.constant 0 : i32
        %dma_wait3A_227 = tpu.memref_slice %arg7[%dma_wait3A_225, %dma_wait3A_226] : memref<500x40xi32, #tpu.memory_space<vmem>> -> memref<1x40xi32, #tpu.memory_space<vmem>>
        %dma_wait3A_228 = tpu.memref_squeeze %dma_wait3A_227 : memref<1x40xi32, #tpu.memory_space<vmem>> -> memref<40xi32, #tpu.memory_space<vmem>>
        %dma_wait3A_229 = arith.constant 0 : i32
        %dma_wait3A_230 = arith.constant 0 : i32
        %dma_wait3A_231 = tpu.memref_slice %arg6[%dma_wait3A_229, %dma_wait3A_230] : memref<10240x16xf32, #tpu.memory_space<vmem_shared>> -> memref<10240x16xf32, #tpu.memory_space<vmem_shared>>
        tpu.wait_indirect_dma semaphore(%arg24 : memref<!tpu.dma_semaphore, #tpu.memory_space<semaphore_mem>>) src(%arg8 : memref<40x16xf32, #tpu.memory_space<vmem>>) dst(%dma_wait3A_231 : memref<10240x16xf32, #tpu.memory_space<vmem_shared>>)
      } else {
      }
      %mul3A_215 = arith.constant 5 : i32
      %mul3A_216 = arith.muli %add3A_151, %mul3A_215 : i32
      %add3A_217 = arith.constant 4 : i32
      %add3A_218 = arith.addi %mul3A_216, %add3A_217 : i32
      %dma_start3A_219 = arith.constant 0 : i32
      %dma_start3A_220 = tpu.memref_slice %arg7[%add3A_218, %dma_start3A_219] : memref<500x40xi32, #tpu.memory_space<vmem>> -> memref<1x40xi32, #tpu.memory_space<vmem>>
      %dma_start3A_221 = tpu.memref_squeeze %dma_start3A_220 : memref<1x40xi32, #tpu.memory_space<vmem>> -> memref<40xi32, #tpu.memory_space<vmem>>
      %dma_start3A_222 = arith.constant 0 : i32
      %dma_start3A_223 = arith.constant 0 : i32
      %dma_start3A_224 = tpu.memref_slice %arg6[%dma_start3A_222, %dma_start3A_223] : memref<10240x16xf32, #tpu.memory_space<vmem_shared>> -> memref<10240x16xf32, #tpu.memory_space<vmem_shared>>
      tpu.enqueue_indirect_dma source(%arg8 : memref<40x16xf32, #tpu.memory_space<vmem>>) target(%dma_start3A_224 : memref<10240x16xf32, #tpu.memory_space<vmem_shared>>) offsets(%dma_start3A_221 : memref<40xi32, #tpu.memory_space<vmem>>) semaphore(%arg24 : memref<!tpu.dma_semaphore, #tpu.memory_space<semaphore_mem>>) {add = true}
    }
    %scan3A_50 = arith.constant 100 : i32
    %dma_wait3A = arith.constant 0 : i32
    %dma_wait3A_51 = arith.constant 0 : i32
    %dma_wait3A_52 = tpu.memref_slice %arg7[%dma_wait3A, %dma_wait3A_51] : memref<500x40xi32, #tpu.memory_space<vmem>> -> memref<1x40xi32, #tpu.memory_space<vmem>>
    %dma_wait3A_53 = tpu.memref_squeeze %dma_wait3A_52 : memref<1x40xi32, #tpu.memory_space<vmem>> -> memref<40xi32, #tpu.memory_space<vmem>>
    %dma_wait3A_54 = arith.constant 0 : i32
    %dma_wait3A_55 = arith.constant 0 : i32
    %dma_wait3A_56 = tpu.memref_slice %arg6[%dma_wait3A_54, %dma_wait3A_55] : memref<10240x16xf32, #tpu.memory_space<vmem_shared>> -> memref<10240x16xf32, #tpu.memory_space<vmem_shared>>
    tpu.wait_indirect_dma semaphore(%arg20 : memref<!tpu.dma_semaphore, #tpu.memory_space<semaphore_mem>>) src(%arg8 : memref<40x16xf32, #tpu.memory_space<vmem>>) dst(%dma_wait3A_56 : memref<10240x16xf32, #tpu.memory_space<vmem_shared>>)
    %dma_wait3A_57 = arith.constant 0 : i32
    %dma_wait3A_58 = arith.constant 0 : i32
    %dma_wait3A_59 = tpu.memref_slice %arg7[%dma_wait3A_57, %dma_wait3A_58] : memref<500x40xi32, #tpu.memory_space<vmem>> -> memref<1x40xi32, #tpu.memory_space<vmem>>
    %dma_wait3A_60 = tpu.memref_squeeze %dma_wait3A_59 : memref<1x40xi32, #tpu.memory_space<vmem>> -> memref<40xi32, #tpu.memory_space<vmem>>
    %dma_wait3A_61 = arith.constant 0 : i32
    %dma_wait3A_62 = arith.constant 0 : i32
    %dma_wait3A_63 = tpu.memref_slice %arg6[%dma_wait3A_61, %dma_wait3A_62] : memref<10240x16xf32, #tpu.memory_space<vmem_shared>> -> memref<10240x16xf32, #tpu.memory_space<vmem_shared>>
    tpu.wait_indirect_dma semaphore(%arg21 : memref<!tpu.dma_semaphore, #tpu.memory_space<semaphore_mem>>) src(%arg8 : memref<40x16xf32, #tpu.memory_space<vmem>>) dst(%dma_wait3A_63 : memref<10240x16xf32, #tpu.memory_space<vmem_shared>>)
    %dma_wait3A_64 = arith.constant 0 : i32
    %dma_wait3A_65 = arith.constant 0 : i32
    %dma_wait3A_66 = tpu.memref_slice %arg7[%dma_wait3A_64, %dma_wait3A_65] : memref<500x40xi32, #tpu.memory_space<vmem>> -> memref<1x40xi32, #tpu.memory_space<vmem>>
    %dma_wait3A_67 = tpu.memref_squeeze %dma_wait3A_66 : memref<1x40xi32, #tpu.memory_space<vmem>> -> memref<40xi32, #tpu.memory_space<vmem>>
    %dma_wait3A_68 = arith.constant 0 : i32
    %dma_wait3A_69 = arith.constant 0 : i32
    %dma_wait3A_70 = tpu.memref_slice %arg6[%dma_wait3A_68, %dma_wait3A_69] : memref<10240x16xf32, #tpu.memory_space<vmem_shared>> -> memref<10240x16xf32, #tpu.memory_space<vmem_shared>>
    tpu.wait_indirect_dma semaphore(%arg22 : memref<!tpu.dma_semaphore, #tpu.memory_space<semaphore_mem>>) src(%arg8 : memref<40x16xf32, #tpu.memory_space<vmem>>) dst(%dma_wait3A_70 : memref<10240x16xf32, #tpu.memory_space<vmem_shared>>)
    %dma_wait3A_71 = arith.constant 0 : i32
    %dma_wait3A_72 = arith.constant 0 : i32
    %dma_wait3A_73 = tpu.memref_slice %arg7[%dma_wait3A_71, %dma_wait3A_72] : memref<500x40xi32, #tpu.memory_space<vmem>> -> memref<1x40xi32, #tpu.memory_space<vmem>>
    %dma_wait3A_74 = tpu.memref_squeeze %dma_wait3A_73 : memref<1x40xi32, #tpu.memory_space<vmem>> -> memref<40xi32, #tpu.memory_space<vmem>>
    %dma_wait3A_75 = arith.constant 0 : i32
    %dma_wait3A_76 = arith.constant 0 : i32
    %dma_wait3A_77 = tpu.memref_slice %arg6[%dma_wait3A_75, %dma_wait3A_76] : memref<10240x16xf32, #tpu.memory_space<vmem_shared>> -> memref<10240x16xf32, #tpu.memory_space<vmem_shared>>
    tpu.wait_indirect_dma semaphore(%arg23 : memref<!tpu.dma_semaphore, #tpu.memory_space<semaphore_mem>>) src(%arg8 : memref<40x16xf32, #tpu.memory_space<vmem>>) dst(%dma_wait3A_77 : memref<10240x16xf32, #tpu.memory_space<vmem_shared>>)
    %dma_wait3A_78 = arith.constant 0 : i32
    %dma_wait3A_79 = arith.constant 0 : i32
    %dma_wait3A_80 = tpu.memref_slice %arg7[%dma_wait3A_78, %dma_wait3A_79] : memref<500x40xi32, #tpu.memory_space<vmem>> -> memref<1x40xi32, #tpu.memory_space<vmem>>
    %dma_wait3A_81 = tpu.memref_squeeze %dma_wait3A_80 : memref<1x40xi32, #tpu.memory_space<vmem>> -> memref<40xi32, #tpu.memory_space<vmem>>
    %dma_wait3A_82 = arith.constant 0 : i32
    %dma_wait3A_83 = arith.constant 0 : i32
    %dma_wait3A_84 = tpu.memref_slice %arg6[%dma_wait3A_82, %dma_wait3A_83] : memref<10240x16xf32, #tpu.memory_space<vmem_shared>> -> memref<10240x16xf32, #tpu.memory_space<vmem_shared>>
    tpu.wait_indirect_dma semaphore(%arg24 : memref<!tpu.dma_semaphore, #tpu.memory_space<semaphore_mem>>) src(%arg8 : memref<40x16xf32, #tpu.memory_space<vmem>>) dst(%dma_wait3A_84 : memref<10240x16xf32, #tpu.memory_space<vmem_shared>>)
    %barrier3A_85 = arith.constant 0 : index
    tpu.barrier barrier_id(%barrier3A_85)
    "tpu.region"() ({
      %run_scoped3A = tpu.sem_alloc : memref<!tpu.dma_semaphore, #tpu.memory_space<semaphore_mem>>
      %dma_start3A = arith.constant 0 : i32
      %dma_start3A_147 = tpu.memref_slice %arg6[%mul3A_2, %dma_start3A] : memref<10240x16xf32, #tpu.memory_space<vmem_shared>> -> memref<320x16xf32, #tpu.memory_space<vmem_shared>>
      %dma_start3A_148 = arith.constant 0 : i32
      %dma_start3A_149 = tpu.memref_slice %arg6[%mul3A_2, %dma_start3A_148] : memref<10240x16xf32, #tpu.memory_space<vmem_shared>> -> memref<320x16xf32, #tpu.memory_space<vmem_shared>>
      tpu.enqueue_dma source(%dma_start3A_149 : memref<320x16xf32, #tpu.memory_space<vmem_shared>>) target(%arg10 : memref<320x16xf32, #tpu.memory_space<vmem>>) target_semaphore(%run_scoped3A : memref<!tpu.dma_semaphore, #tpu.memory_space<semaphore_mem>>)
      %dma_wait3A_150 = arith.constant 0 : i32
      %dma_wait3A_151 = tpu.memref_slice %arg6[%mul3A_2, %dma_wait3A_150] : memref<10240x16xf32, #tpu.memory_space<vmem_shared>> -> memref<320x16xf32, #tpu.memory_space<vmem_shared>>
      %dma_wait3A_152 = arith.constant 0 : i32
      %dma_wait3A_153 = tpu.memref_slice %arg6[%mul3A_2, %dma_wait3A_152] : memref<10240x16xf32, #tpu.memory_space<vmem_shared>> -> memref<320x16xf32, #tpu.memory_space<vmem_shared>>
      tpu.wait_dma2 semaphore(%run_scoped3A : memref<!tpu.dma_semaphore, #tpu.memory_space<semaphore_mem>>) src(%dma_wait3A_153 : memref<320x16xf32, #tpu.memory_space<vmem_shared>>) dst(%arg10 : memref<320x16xf32, #tpu.memory_space<vmem>>)
      tpu.yield
    }) : () -> ()
    %scan3A_86 = arith.constant 0 : i32
    %scan3A_87 = arith.constant 320 : i32
    %scan3A_88 = arith.addi %scan3A_86, %scan3A_87 : i32
    %scan3A_89 = arith.constant 1 : i32
    scf.for %scan3A_147 = %scan3A_86 to %scan3A_88 step %scan3A_89  : i32 {
      %mul3A_148 = arith.constant 1 : i32
      %mul3A_149 = arith.muli %scan3A_147, %mul3A_148 : i32
      %add3A_150 = arith.constant 0 : i32
      %add3A_151 = arith.addi %add3A_150, %mul3A_149 : i32
      %get3A = arith.index_cast %add3A_151 : i32 to index
      %get3A_152 = arith.constant 0 : index
      %get3A_153 = tpu.vector_load %arg10[%get3A, %get3A_152] {strides = array<i32>} : memref<320x16xf32, #tpu.memory_space<vmem>>, vector<1x16xf32>,
      %get3A_154 = vector.shape_cast %get3A_153 : vector<1x16xf32> to vector<16xf32>
      %max3A = arith.constant 1.000000e+00 : f32
      %max3A_155 = vector.broadcast %max3A : f32 to vector<16xf32>
      %max3A_156 = arith.maximumf %get3A_154, %max3A_155 : vector<16xf32>
      %bitcast_convert_type3A = tpu.bitcast %max3A_156 : vector<16xf32> -> vector<16xi32>
      %shift_right_logical3A = arith.constant 1 : i32
      %shift_right_logical3A_157 = vector.broadcast %shift_right_logical3A : i32 to vector<16xi32>
      %shift_right_logical3A_158 = arith.shrui %bitcast_convert_type3A, %shift_right_logical3A_157 : vector<16xi32>
      %sub3A = arith.constant 1597463007 : i32
      %sub3A_159 = vector.broadcast %sub3A : i32 to vector<16xi32>
      %sub3A_160 = arith.subi %sub3A_159, %shift_right_logical3A_158 : vector<16xi32>
      %bitcast_convert_type3A_161 = tpu.bitcast %sub3A_160 : vector<16xi32> -> vector<16xf32>
      %mul3A_162 = arith.constant 5.000000e-01 : f32
      %mul3A_163 = vector.broadcast %mul3A_162 : f32 to vector<16xf32>
      %mul3A_164 = arith.mulf %mul3A_163, %max3A_156 : vector<16xf32>
      %mul3A_165 = arith.mulf %mul3A_164, %bitcast_convert_type3A_161 : vector<16xf32>
      %mul3A_166 = arith.mulf %mul3A_165, %bitcast_convert_type3A_161 : vector<16xf32>
      %sub3A_167 = arith.constant 1.500000e+00 : f32
      %sub3A_168 = vector.broadcast %sub3A_167 : f32 to vector<16xf32>
      %sub3A_169 = arith.subf %sub3A_168, %mul3A_166 : vector<16xf32>
      %mul3A_170 = arith.mulf %bitcast_convert_type3A_161, %sub3A_169 : vector<16xf32>
      %mul3A_171 = arith.constant 5.000000e-01 : f32
      %mul3A_172 = vector.broadcast %mul3A_171 : f32 to vector<16xf32>
      %mul3A_173 = arith.mulf %mul3A_172, %max3A_156 : vector<16xf32>
      %mul3A_174 = arith.mulf %mul3A_173, %mul3A_170 : vector<16xf32>
      %mul3A_175 = arith.mulf %mul3A_174, %mul3A_170 : vector<16xf32>
      %sub3A_176 = arith.constant 1.500000e+00 : f32
      %sub3A_177 = vector.broadcast %sub3A_176 : f32 to vector<16xf32>
      %sub3A_178 = arith.subf %sub3A_177, %mul3A_175 : vector<16xf32>
      %mul3A_179 = arith.mulf %mul3A_170, %sub3A_178 : vector<16xf32>
      %mul3A_180 = arith.constant 5.000000e-01 : f32
      %mul3A_181 = vector.broadcast %mul3A_180 : f32 to vector<16xf32>
      %mul3A_182 = arith.mulf %mul3A_181, %max3A_156 : vector<16xf32>
      %mul3A_183 = arith.mulf %mul3A_182, %mul3A_179 : vector<16xf32>
      %mul3A_184 = arith.mulf %mul3A_183, %mul3A_179 : vector<16xf32>
      %sub3A_185 = arith.constant 1.500000e+00 : f32
      %sub3A_186 = vector.broadcast %sub3A_185 : f32 to vector<16xf32>
      %sub3A_187 = arith.subf %sub3A_186, %mul3A_184 : vector<16xf32>
      %mul3A_188 = arith.mulf %mul3A_179, %sub3A_187 : vector<16xf32>
      %swap3A = arith.index_cast %add3A_151 : i32 to index
      %swap3A_189 = arith.constant 0 : index
      %swap3A_190 = tpu.vector_load %arg11[%swap3A, %swap3A_189] {strides = array<i32>} : memref<320x16xf32, #tpu.memory_space<vmem>>, vector<1x16xf32>,
      %swap3A_191 = vector.shape_cast %swap3A_190 : vector<1x16xf32> to vector<16xf32>
      %swap3A_192 = vector.shape_cast %mul3A_188 : vector<16xf32> to vector<1x16xf32>
      tpu.vector_store %arg11[%swap3A, %swap3A_189], %swap3A_192 {strides = array<i32>} : memref<320x16xf32, #tpu.memory_space<vmem>>, vector<1x16xf32>,
    }
    %scan3A_90 = arith.constant 320 : i32
    "tpu.region"() ({
      %run_scoped3A = tpu.sem_alloc : memref<!tpu.dma_semaphore, #tpu.memory_space<semaphore_mem>>
      %dma_start3A = arith.constant 0 : i32
      %dma_start3A_147 = tpu.memref_slice %arg5[%mul3A_2, %dma_start3A] : memref<10240x16xf32, #tpu.memory_space<hbm>> -> memref<320x16xf32, #tpu.memory_space<hbm>>
      %dma_start3A_148 = arith.constant 0 : i32
      %dma_start3A_149 = tpu.memref_slice %arg5[%mul3A_2, %dma_start3A_148] : memref<10240x16xf32, #tpu.memory_space<hbm>> -> memref<320x16xf32, #tpu.memory_space<hbm>>
      tpu.enqueue_dma source(%arg11 : memref<320x16xf32, #tpu.memory_space<vmem>>) target(%dma_start3A_149 : memref<320x16xf32, #tpu.memory_space<hbm>>) target_semaphore(%run_scoped3A : memref<!tpu.dma_semaphore, #tpu.memory_space<semaphore_mem>>)
      %dma_wait3A_150 = arith.constant 0 : i32
      %dma_wait3A_151 = tpu.memref_slice %arg5[%mul3A_2, %dma_wait3A_150] : memref<10240x16xf32, #tpu.memory_space<hbm>> -> memref<320x16xf32, #tpu.memory_space<hbm>>
      %dma_wait3A_152 = arith.constant 0 : i32
      %dma_wait3A_153 = tpu.memref_slice %arg5[%mul3A_2, %dma_wait3A_152] : memref<10240x16xf32, #tpu.memory_space<hbm>> -> memref<320x16xf32, #tpu.memory_space<hbm>>
      tpu.wait_dma2 semaphore(%run_scoped3A : memref<!tpu.dma_semaphore, #tpu.memory_space<semaphore_mem>>) src(%arg11 : memref<320x16xf32, #tpu.memory_space<vmem>>) dst(%dma_wait3A_153 : memref<320x16xf32, #tpu.memory_space<hbm>>)
      tpu.yield
    }) : () -> ()
    %add3A_91 = arith.constant 0 : i32
    %add3A_92 = arith.addi %mul3A_2, %add3A_91 : i32
    %lt3A_93 = arith.constant 10000 : i32
    %lt3A_94 = arith.cmpi slt, %add3A_92, %lt3A_93 : i32
    %convert_element_type3A_95 = arith.extui %lt3A_94 : i1 to i32
    %cond3A_96 = arith.constant 0 : i32
    %cond3A_97 = arith.cmpi ne, %convert_element_type3A_95, %cond3A_96 : i32
    scf.if %cond3A_97 {
      %dma_wait3A_147 = arith.constant 0 : i32
      %dma_wait3A_148 = tpu.memref_slice %arg3[%add3A_92, %dma_wait3A_147] : memref<10000x128xf32, #tpu.memory_space<hbm>> -> memref<80x128xf32, #tpu.memory_space<hbm>>
      %dma_wait3A_149 = arith.constant 0 : i32
      %dma_wait3A_150 = tpu.memref_slice %arg3[%add3A_92, %dma_wait3A_149] : memref<10000x128xf32, #tpu.memory_space<hbm>> -> memref<80x128xf32, #tpu.memory_space<hbm>>
      tpu.wait_dma2 semaphore(%arg25 : memref<!tpu.dma_semaphore, #tpu.memory_space<semaphore_mem>>) src(%dma_wait3A_150 : memref<80x128xf32, #tpu.memory_space<hbm>>) dst(%arg12 : memref<80x128xf32, #tpu.memory_space<vmem>>)
      %scan3A_151 = arith.constant 0 : i32
      %scan3A_152 = arith.constant 80 : i32
      %scan3A_153 = arith.addi %scan3A_151, %scan3A_152 : i32
      %scan3A_154 = arith.constant 1 : i32
      scf.for %scan3A_159 = %scan3A_151 to %scan3A_153 step %scan3A_154  : i32 {
        %mul3A_160 = arith.constant 1 : i32
        %mul3A_161 = arith.muli %scan3A_159, %mul3A_160 : i32
        %add3A_162 = arith.constant 0 : i32
        %add3A_163 = arith.addi %add3A_162, %mul3A_161 : i32
        %add3A_164 = arith.constant 0 : i32
        %add3A_165 = arith.addi %add3A_164, %add3A_163 : i32
        %get3A = arith.index_cast %add3A_165 : i32 to index
        %get3A_166 = arith.constant 0 : index
        %get3A_167 = tpu.vector_load %arg11[%get3A, %get3A_166] {strides = array<i32>} : memref<320x16xf32, #tpu.memory_space<vmem>>, vector<1x16xf32>,
        %get3A_168 = vector.shape_cast %get3A_167 : vector<1x16xf32> to vector<16xf32>
        %get3A_169 = arith.index_cast %add3A_163 : i32 to index
        %get3A_170 = arith.constant 0 : index
        %get3A_171 = tpu.vector_load %arg12[%get3A_169, %get3A_170] {strides = array<i32>} : memref<80x128xf32, #tpu.memory_space<vmem>>, vector<1x16xf32>,
        %get3A_172 = vector.shape_cast %get3A_171 : vector<1x16xf32> to vector<16xf32>
        %mul3A_173 = arith.mulf %get3A_172, %get3A_168 : vector<16xf32>
        %swap3A = arith.index_cast %add3A_163 : i32 to index
        %swap3A_174 = arith.constant 0 : index
        %swap3A_175 = tpu.vector_load %arg16[%swap3A, %swap3A_174] {strides = array<i32>} : memref<80x128xf32, #tpu.memory_space<vmem>>, vector<1x16xf32>,
        %swap3A_176 = vector.shape_cast %swap3A_175 : vector<1x16xf32> to vector<16xf32>
        %swap3A_177 = vector.shape_cast %mul3A_173 : vector<16xf32> to vector<1x16xf32>
        tpu.vector_store %arg16[%swap3A, %swap3A_174], %swap3A_177 {strides = array<i32>} : memref<80x128xf32, #tpu.memory_space<vmem>>, vector<1x16xf32>,
        %get3A_178 = arith.index_cast %add3A_163 : i32 to index
        %get3A_179 = arith.constant 16 : index
        %get3A_180 = tpu.vector_load %arg12[%get3A_178, %get3A_179] {strides = array<i32>} : memref<80x128xf32, #tpu.memory_space<vmem>>, vector<1x16xf32>,
        %get3A_181 = vector.shape_cast %get3A_180 : vector<1x16xf32> to vector<16xf32>
        %mul3A_182 = arith.mulf %get3A_181, %get3A_168 : vector<16xf32>
        %swap3A_183 = arith.index_cast %add3A_163 : i32 to index
        %swap3A_184 = arith.constant 16 : index
        %swap3A_185 = tpu.vector_load %arg16[%swap3A_183, %swap3A_184] {strides = array<i32>} : memref<80x128xf32, #tpu.memory_space<vmem>>, vector<1x16xf32>,
        %swap3A_186 = vector.shape_cast %swap3A_185 : vector<1x16xf32> to vector<16xf32>
        %swap3A_187 = vector.shape_cast %mul3A_182 : vector<16xf32> to vector<1x16xf32>
        tpu.vector_store %arg16[%swap3A_183, %swap3A_184], %swap3A_187 {strides = array<i32>} : memref<80x128xf32, #tpu.memory_space<vmem>>, vector<1x16xf32>,
        %get3A_188 = arith.index_cast %add3A_163 : i32 to index
        %get3A_189 = arith.constant 32 : index
        %get3A_190 = tpu.vector_load %arg12[%get3A_188, %get3A_189] {strides = array<i32>} : memref<80x128xf32, #tpu.memory_space<vmem>>, vector<1x16xf32>,
        %get3A_191 = vector.shape_cast %get3A_190 : vector<1x16xf32> to vector<16xf32>
        %mul3A_192 = arith.mulf %get3A_191, %get3A_168 : vector<16xf32>
        %swap3A_193 = arith.index_cast %add3A_163 : i32 to index
        %swap3A_194 = arith.constant 32 : index
        %swap3A_195 = tpu.vector_load %arg16[%swap3A_193, %swap3A_194] {strides = array<i32>} : memref<80x128xf32, #tpu.memory_space<vmem>>, vector<1x16xf32>,
        %swap3A_196 = vector.shape_cast %swap3A_195 : vector<1x16xf32> to vector<16xf32>
        %swap3A_197 = vector.shape_cast %mul3A_192 : vector<16xf32> to vector<1x16xf32>
        tpu.vector_store %arg16[%swap3A_193, %swap3A_194], %swap3A_197 {strides = array<i32>} : memref<80x128xf32, #tpu.memory_space<vmem>>, vector<1x16xf32>,
        %get3A_198 = arith.index_cast %add3A_163 : i32 to index
        %get3A_199 = arith.constant 48 : index
        %get3A_200 = tpu.vector_load %arg12[%get3A_198, %get3A_199] {strides = array<i32>} : memref<80x128xf32, #tpu.memory_space<vmem>>, vector<1x16xf32>,
        %get3A_201 = vector.shape_cast %get3A_200 : vector<1x16xf32> to vector<16xf32>
        %mul3A_202 = arith.mulf %get3A_201, %get3A_168 : vector<16xf32>
        %swap3A_203 = arith.index_cast %add3A_163 : i32 to index
        %swap3A_204 = arith.constant 48 : index
        %swap3A_205 = tpu.vector_load %arg16[%swap3A_203, %swap3A_204] {strides = array<i32>} : memref<80x128xf32, #tpu.memory_space<vmem>>, vector<1x16xf32>,
        %swap3A_206 = vector.shape_cast %swap3A_205 : vector<1x16xf32> to vector<16xf32>
        %swap3A_207 = vector.shape_cast %mul3A_202 : vector<16xf32> to vector<1x16xf32>
        tpu.vector_store %arg16[%swap3A_203, %swap3A_204], %swap3A_207 {strides = array<i32>} : memref<80x128xf32, #tpu.memory_space<vmem>>, vector<1x16xf32>,
        %get3A_208 = arith.index_cast %add3A_163 : i32 to index
        %get3A_209 = arith.constant 64 : index
        %get3A_210 = tpu.vector_load %arg12[%get3A_208, %get3A_209] {strides = array<i32>} : memref<80x128xf32, #tpu.memory_space<vmem>>, vector<1x16xf32>,
        %get3A_211 = vector.shape_cast %get3A_210 : vector<1x16xf32> to vector<16xf32>
        %mul3A_212 = arith.mulf %get3A_211, %get3A_168 : vector<16xf32>
        %swap3A_213 = arith.index_cast %add3A_163 : i32 to index
        %swap3A_214 = arith.constant 64 : index
        %swap3A_215 = tpu.vector_load %arg16[%swap3A_213, %swap3A_214] {strides = array<i32>} : memref<80x128xf32, #tpu.memory_space<vmem>>, vector<1x16xf32>,
        %swap3A_216 = vector.shape_cast %swap3A_215 : vector<1x16xf32> to vector<16xf32>
        %swap3A_217 = vector.shape_cast %mul3A_212 : vector<16xf32> to vector<1x16xf32>
        tpu.vector_store %arg16[%swap3A_213, %swap3A_214], %swap3A_217 {strides = array<i32>} : memref<80x128xf32, #tpu.memory_space<vmem>>, vector<1x16xf32>,
        %get3A_218 = arith.index_cast %add3A_163 : i32 to index
        %get3A_219 = arith.constant 80 : index
        %get3A_220 = tpu.vector_load %arg12[%get3A_218, %get3A_219] {strides = array<i32>} : memref<80x128xf32, #tpu.memory_space<vmem>>, vector<1x16xf32>,
        %get3A_221 = vector.shape_cast %get3A_220 : vector<1x16xf32> to vector<16xf32>
        %mul3A_222 = arith.mulf %get3A_221, %get3A_168 : vector<16xf32>
        %swap3A_223 = arith.index_cast %add3A_163 : i32 to index
        %swap3A_224 = arith.constant 80 : index
        %swap3A_225 = tpu.vector_load %arg16[%swap3A_223, %swap3A_224] {strides = array<i32>} : memref<80x128xf32, #tpu.memory_space<vmem>>, vector<1x16xf32>,
        %swap3A_226 = vector.shape_cast %swap3A_225 : vector<1x16xf32> to vector<16xf32>
        %swap3A_227 = vector.shape_cast %mul3A_222 : vector<16xf32> to vector<1x16xf32>
        tpu.vector_store %arg16[%swap3A_223, %swap3A_224], %swap3A_227 {strides = array<i32>} : memref<80x128xf32, #tpu.memory_space<vmem>>, vector<1x16xf32>,
        %get3A_228 = arith.index_cast %add3A_163 : i32 to index
        %get3A_229 = arith.constant 96 : index
        %get3A_230 = tpu.vector_load %arg12[%get3A_228, %get3A_229] {strides = array<i32>} : memref<80x128xf32, #tpu.memory_space<vmem>>, vector<1x16xf32>,
        %get3A_231 = vector.shape_cast %get3A_230 : vector<1x16xf32> to vector<16xf32>
        %mul3A_232 = arith.mulf %get3A_231, %get3A_168 : vector<16xf32>
        %swap3A_233 = arith.index_cast %add3A_163 : i32 to index
        %swap3A_234 = arith.constant 96 : index
        %swap3A_235 = tpu.vector_load %arg16[%swap3A_233, %swap3A_234] {strides = array<i32>} : memref<80x128xf32, #tpu.memory_space<vmem>>, vector<1x16xf32>,
        %swap3A_236 = vector.shape_cast %swap3A_235 : vector<1x16xf32> to vector<16xf32>
        %swap3A_237 = vector.shape_cast %mul3A_232 : vector<16xf32> to vector<1x16xf32>
        tpu.vector_store %arg16[%swap3A_233, %swap3A_234], %swap3A_237 {strides = array<i32>} : memref<80x128xf32, #tpu.memory_space<vmem>>, vector<1x16xf32>,
        %get3A_238 = arith.index_cast %add3A_163 : i32 to index
        %get3A_239 = arith.constant 112 : index
        %get3A_240 = tpu.vector_load %arg12[%get3A_238, %get3A_239] {strides = array<i32>} : memref<80x128xf32, #tpu.memory_space<vmem>>, vector<1x16xf32>,
        %get3A_241 = vector.shape_cast %get3A_240 : vector<1x16xf32> to vector<16xf32>
        %mul3A_242 = arith.mulf %get3A_241, %get3A_168 : vector<16xf32>
        %swap3A_243 = arith.index_cast %add3A_163 : i32 to index
        %swap3A_244 = arith.constant 112 : index
        %swap3A_245 = tpu.vector_load %arg16[%swap3A_243, %swap3A_244] {strides = array<i32>} : memref<80x128xf32, #tpu.memory_space<vmem>>, vector<1x16xf32>,
        %swap3A_246 = vector.shape_cast %swap3A_245 : vector<1x16xf32> to vector<16xf32>
        %swap3A_247 = vector.shape_cast %mul3A_242 : vector<16xf32> to vector<1x16xf32>
        tpu.vector_store %arg16[%swap3A_243, %swap3A_244], %swap3A_247 {strides = array<i32>} : memref<80x128xf32, #tpu.memory_space<vmem>>, vector<1x16xf32>,
      }
      %scan3A_155 = arith.constant 80 : i32
      %dma_start3A = arith.constant 0 : i32
      %dma_start3A_156 = tpu.memref_slice %arg4[%add3A_92, %dma_start3A] : memref<10240x128xf32, #tpu.memory_space<hbm>> -> memref<80x128xf32, #tpu.memory_space<hbm>>
      %dma_start3A_157 = arith.constant 0 : i32
      %dma_start3A_158 = tpu.memref_slice %arg4[%add3A_92, %dma_start3A_157] : memref<10240x128xf32, #tpu.memory_space<hbm>> -> memref<80x128xf32, #tpu.memory_space<hbm>>
      tpu.enqueue_dma source(%arg16 : memref<80x128xf32, #tpu.memory_space<vmem>>) target(%dma_start3A_158 : memref<80x128xf32, #tpu.memory_space<hbm>>) target_semaphore(%arg29 : memref<!tpu.dma_semaphore, #tpu.memory_space<semaphore_mem>>)
    } else {
    }
    %add3A_98 = arith.constant 80 : i32
    %add3A_99 = arith.addi %mul3A_2, %add3A_98 : i32
    %lt3A_100 = arith.constant 10000 : i32
    %lt3A_101 = arith.cmpi slt, %add3A_99, %lt3A_100 : i32
    %convert_element_type3A_102 = arith.extui %lt3A_101 : i1 to i32
    %cond3A_103 = arith.constant 0 : i32
    %cond3A_104 = arith.cmpi ne, %convert_element_type3A_102, %cond3A_103 : i32
    scf.if %cond3A_104 {
      %dma_wait3A_147 = arith.constant 0 : i32
      %dma_wait3A_148 = tpu.memref_slice %arg3[%add3A_99, %dma_wait3A_147] : memref<10000x128xf32, #tpu.memory_space<hbm>> -> memref<80x128xf32, #tpu.memory_space<hbm>>
      %dma_wait3A_149 = arith.constant 0 : i32
      %dma_wait3A_150 = tpu.memref_slice %arg3[%add3A_99, %dma_wait3A_149] : memref<10000x128xf32, #tpu.memory_space<hbm>> -> memref<80x128xf32, #tpu.memory_space<hbm>>
      tpu.wait_dma2 semaphore(%arg26 : memref<!tpu.dma_semaphore, #tpu.memory_space<semaphore_mem>>) src(%dma_wait3A_150 : memref<80x128xf32, #tpu.memory_space<hbm>>) dst(%arg13 : memref<80x128xf32, #tpu.memory_space<vmem>>)
      %scan3A_151 = arith.constant 0 : i32
      %scan3A_152 = arith.constant 80 : i32
      %scan3A_153 = arith.addi %scan3A_151, %scan3A_152 : i32
      %scan3A_154 = arith.constant 1 : i32
      scf.for %scan3A_159 = %scan3A_151 to %scan3A_153 step %scan3A_154  : i32 {
        %mul3A_160 = arith.constant 1 : i32
        %mul3A_161 = arith.muli %scan3A_159, %mul3A_160 : i32
        %add3A_162 = arith.constant 0 : i32
        %add3A_163 = arith.addi %add3A_162, %mul3A_161 : i32
        %add3A_164 = arith.constant 80 : i32
        %add3A_165 = arith.addi %add3A_164, %add3A_163 : i32
        %get3A = arith.index_cast %add3A_165 : i32 to index
        %get3A_166 = arith.constant 0 : index
        %get3A_167 = tpu.vector_load %arg11[%get3A, %get3A_166] {strides = array<i32>} : memref<320x16xf32, #tpu.memory_space<vmem>>, vector<1x16xf32>,
        %get3A_168 = vector.shape_cast %get3A_167 : vector<1x16xf32> to vector<16xf32>
        %get3A_169 = arith.index_cast %add3A_163 : i32 to index
        %get3A_170 = arith.constant 0 : index
        %get3A_171 = tpu.vector_load %arg13[%get3A_169, %get3A_170] {strides = array<i32>} : memref<80x128xf32, #tpu.memory_space<vmem>>, vector<1x16xf32>,
        %get3A_172 = vector.shape_cast %get3A_171 : vector<1x16xf32> to vector<16xf32>
        %mul3A_173 = arith.mulf %get3A_172, %get3A_168 : vector<16xf32>
        %swap3A = arith.index_cast %add3A_163 : i32 to index
        %swap3A_174 = arith.constant 0 : index
        %swap3A_175 = tpu.vector_load %arg17[%swap3A, %swap3A_174] {strides = array<i32>} : memref<80x128xf32, #tpu.memory_space<vmem>>, vector<1x16xf32>,
        %swap3A_176 = vector.shape_cast %swap3A_175 : vector<1x16xf32> to vector<16xf32>
        %swap3A_177 = vector.shape_cast %mul3A_173 : vector<16xf32> to vector<1x16xf32>
        tpu.vector_store %arg17[%swap3A, %swap3A_174], %swap3A_177 {strides = array<i32>} : memref<80x128xf32, #tpu.memory_space<vmem>>, vector<1x16xf32>,
        %get3A_178 = arith.index_cast %add3A_163 : i32 to index
        %get3A_179 = arith.constant 16 : index
        %get3A_180 = tpu.vector_load %arg13[%get3A_178, %get3A_179] {strides = array<i32>} : memref<80x128xf32, #tpu.memory_space<vmem>>, vector<1x16xf32>,
        %get3A_181 = vector.shape_cast %get3A_180 : vector<1x16xf32> to vector<16xf32>
        %mul3A_182 = arith.mulf %get3A_181, %get3A_168 : vector<16xf32>
        %swap3A_183 = arith.index_cast %add3A_163 : i32 to index
        %swap3A_184 = arith.constant 16 : index
        %swap3A_185 = tpu.vector_load %arg17[%swap3A_183, %swap3A_184] {strides = array<i32>} : memref<80x128xf32, #tpu.memory_space<vmem>>, vector<1x16xf32>,
        %swap3A_186 = vector.shape_cast %swap3A_185 : vector<1x16xf32> to vector<16xf32>
        %swap3A_187 = vector.shape_cast %mul3A_182 : vector<16xf32> to vector<1x16xf32>
        tpu.vector_store %arg17[%swap3A_183, %swap3A_184], %swap3A_187 {strides = array<i32>} : memref<80x128xf32, #tpu.memory_space<vmem>>, vector<1x16xf32>,
        %get3A_188 = arith.index_cast %add3A_163 : i32 to index
        %get3A_189 = arith.constant 32 : index
        %get3A_190 = tpu.vector_load %arg13[%get3A_188, %get3A_189] {strides = array<i32>} : memref<80x128xf32, #tpu.memory_space<vmem>>, vector<1x16xf32>,
        %get3A_191 = vector.shape_cast %get3A_190 : vector<1x16xf32> to vector<16xf32>
        %mul3A_192 = arith.mulf %get3A_191, %get3A_168 : vector<16xf32>
        %swap3A_193 = arith.index_cast %add3A_163 : i32 to index
        %swap3A_194 = arith.constant 32 : index
        %swap3A_195 = tpu.vector_load %arg17[%swap3A_193, %swap3A_194] {strides = array<i32>} : memref<80x128xf32, #tpu.memory_space<vmem>>, vector<1x16xf32>,
        %swap3A_196 = vector.shape_cast %swap3A_195 : vector<1x16xf32> to vector<16xf32>
        %swap3A_197 = vector.shape_cast %mul3A_192 : vector<16xf32> to vector<1x16xf32>
        tpu.vector_store %arg17[%swap3A_193, %swap3A_194], %swap3A_197 {strides = array<i32>} : memref<80x128xf32, #tpu.memory_space<vmem>>, vector<1x16xf32>,
        %get3A_198 = arith.index_cast %add3A_163 : i32 to index
        %get3A_199 = arith.constant 48 : index
        %get3A_200 = tpu.vector_load %arg13[%get3A_198, %get3A_199] {strides = array<i32>} : memref<80x128xf32, #tpu.memory_space<vmem>>, vector<1x16xf32>,
        %get3A_201 = vector.shape_cast %get3A_200 : vector<1x16xf32> to vector<16xf32>
        %mul3A_202 = arith.mulf %get3A_201, %get3A_168 : vector<16xf32>
        %swap3A_203 = arith.index_cast %add3A_163 : i32 to index
        %swap3A_204 = arith.constant 48 : index
        %swap3A_205 = tpu.vector_load %arg17[%swap3A_203, %swap3A_204] {strides = array<i32>} : memref<80x128xf32, #tpu.memory_space<vmem>>, vector<1x16xf32>,
        %swap3A_206 = vector.shape_cast %swap3A_205 : vector<1x16xf32> to vector<16xf32>
        %swap3A_207 = vector.shape_cast %mul3A_202 : vector<16xf32> to vector<1x16xf32>
        tpu.vector_store %arg17[%swap3A_203, %swap3A_204], %swap3A_207 {strides = array<i32>} : memref<80x128xf32, #tpu.memory_space<vmem>>, vector<1x16xf32>,
        %get3A_208 = arith.index_cast %add3A_163 : i32 to index
        %get3A_209 = arith.constant 64 : index
        %get3A_210 = tpu.vector_load %arg13[%get3A_208, %get3A_209] {strides = array<i32>} : memref<80x128xf32, #tpu.memory_space<vmem>>, vector<1x16xf32>,
        %get3A_211 = vector.shape_cast %get3A_210 : vector<1x16xf32> to vector<16xf32>
        %mul3A_212 = arith.mulf %get3A_211, %get3A_168 : vector<16xf32>
        %swap3A_213 = arith.index_cast %add3A_163 : i32 to index
        %swap3A_214 = arith.constant 64 : index
        %swap3A_215 = tpu.vector_load %arg17[%swap3A_213, %swap3A_214] {strides = array<i32>} : memref<80x128xf32, #tpu.memory_space<vmem>>, vector<1x16xf32>,
        %swap3A_216 = vector.shape_cast %swap3A_215 : vector<1x16xf32> to vector<16xf32>
        %swap3A_217 = vector.shape_cast %mul3A_212 : vector<16xf32> to vector<1x16xf32>
        tpu.vector_store %arg17[%swap3A_213, %swap3A_214], %swap3A_217 {strides = array<i32>} : memref<80x128xf32, #tpu.memory_space<vmem>>, vector<1x16xf32>,
        %get3A_218 = arith.index_cast %add3A_163 : i32 to index
        %get3A_219 = arith.constant 80 : index
        %get3A_220 = tpu.vector_load %arg13[%get3A_218, %get3A_219] {strides = array<i32>} : memref<80x128xf32, #tpu.memory_space<vmem>>, vector<1x16xf32>,
        %get3A_221 = vector.shape_cast %get3A_220 : vector<1x16xf32> to vector<16xf32>
        %mul3A_222 = arith.mulf %get3A_221, %get3A_168 : vector<16xf32>
        %swap3A_223 = arith.index_cast %add3A_163 : i32 to index
        %swap3A_224 = arith.constant 80 : index
        %swap3A_225 = tpu.vector_load %arg17[%swap3A_223, %swap3A_224] {strides = array<i32>} : memref<80x128xf32, #tpu.memory_space<vmem>>, vector<1x16xf32>,
        %swap3A_226 = vector.shape_cast %swap3A_225 : vector<1x16xf32> to vector<16xf32>
        %swap3A_227 = vector.shape_cast %mul3A_222 : vector<16xf32> to vector<1x16xf32>
        tpu.vector_store %arg17[%swap3A_223, %swap3A_224], %swap3A_227 {strides = array<i32>} : memref<80x128xf32, #tpu.memory_space<vmem>>, vector<1x16xf32>,
        %get3A_228 = arith.index_cast %add3A_163 : i32 to index
        %get3A_229 = arith.constant 96 : index
        %get3A_230 = tpu.vector_load %arg13[%get3A_228, %get3A_229] {strides = array<i32>} : memref<80x128xf32, #tpu.memory_space<vmem>>, vector<1x16xf32>,
        %get3A_231 = vector.shape_cast %get3A_230 : vector<1x16xf32> to vector<16xf32>
        %mul3A_232 = arith.mulf %get3A_231, %get3A_168 : vector<16xf32>
        %swap3A_233 = arith.index_cast %add3A_163 : i32 to index
        %swap3A_234 = arith.constant 96 : index
        %swap3A_235 = tpu.vector_load %arg17[%swap3A_233, %swap3A_234] {strides = array<i32>} : memref<80x128xf32, #tpu.memory_space<vmem>>, vector<1x16xf32>,
        %swap3A_236 = vector.shape_cast %swap3A_235 : vector<1x16xf32> to vector<16xf32>
        %swap3A_237 = vector.shape_cast %mul3A_232 : vector<16xf32> to vector<1x16xf32>
        tpu.vector_store %arg17[%swap3A_233, %swap3A_234], %swap3A_237 {strides = array<i32>} : memref<80x128xf32, #tpu.memory_space<vmem>>, vector<1x16xf32>,
        %get3A_238 = arith.index_cast %add3A_163 : i32 to index
        %get3A_239 = arith.constant 112 : index
        %get3A_240 = tpu.vector_load %arg13[%get3A_238, %get3A_239] {strides = array<i32>} : memref<80x128xf32, #tpu.memory_space<vmem>>, vector<1x16xf32>,
        %get3A_241 = vector.shape_cast %get3A_240 : vector<1x16xf32> to vector<16xf32>
        %mul3A_242 = arith.mulf %get3A_241, %get3A_168 : vector<16xf32>
        %swap3A_243 = arith.index_cast %add3A_163 : i32 to index
        %swap3A_244 = arith.constant 112 : index
        %swap3A_245 = tpu.vector_load %arg17[%swap3A_243, %swap3A_244] {strides = array<i32>} : memref<80x128xf32, #tpu.memory_space<vmem>>, vector<1x16xf32>,
        %swap3A_246 = vector.shape_cast %swap3A_245 : vector<1x16xf32> to vector<16xf32>
        %swap3A_247 = vector.shape_cast %mul3A_242 : vector<16xf32> to vector<1x16xf32>
        tpu.vector_store %arg17[%swap3A_243, %swap3A_244], %swap3A_247 {strides = array<i32>} : memref<80x128xf32, #tpu.memory_space<vmem>>, vector<1x16xf32>,
      }
      %scan3A_155 = arith.constant 80 : i32
      %dma_start3A = arith.constant 0 : i32
      %dma_start3A_156 = tpu.memref_slice %arg4[%add3A_99, %dma_start3A] : memref<10240x128xf32, #tpu.memory_space<hbm>> -> memref<80x128xf32, #tpu.memory_space<hbm>>
      %dma_start3A_157 = arith.constant 0 : i32
      %dma_start3A_158 = tpu.memref_slice %arg4[%add3A_99, %dma_start3A_157] : memref<10240x128xf32, #tpu.memory_space<hbm>> -> memref<80x128xf32, #tpu.memory_space<hbm>>
      tpu.enqueue_dma source(%arg17 : memref<80x128xf32, #tpu.memory_space<vmem>>) target(%dma_start3A_158 : memref<80x128xf32, #tpu.memory_space<hbm>>) target_semaphore(%arg30 : memref<!tpu.dma_semaphore, #tpu.memory_space<semaphore_mem>>)
    } else {
    }
    %add3A_105 = arith.constant 160 : i32
    %add3A_106 = arith.addi %mul3A_2, %add3A_105 : i32
    %lt3A_107 = arith.constant 10000 : i32
    %lt3A_108 = arith.cmpi slt, %add3A_106, %lt3A_107 : i32
    %convert_element_type3A_109 = arith.extui %lt3A_108 : i1 to i32
    %cond3A_110 = arith.constant 0 : i32
    %cond3A_111 = arith.cmpi ne, %convert_element_type3A_109, %cond3A_110 : i32
    scf.if %cond3A_111 {
      %dma_wait3A_147 = arith.constant 0 : i32
      %dma_wait3A_148 = tpu.memref_slice %arg3[%add3A_106, %dma_wait3A_147] : memref<10000x128xf32, #tpu.memory_space<hbm>> -> memref<80x128xf32, #tpu.memory_space<hbm>>
      %dma_wait3A_149 = arith.constant 0 : i32
      %dma_wait3A_150 = tpu.memref_slice %arg3[%add3A_106, %dma_wait3A_149] : memref<10000x128xf32, #tpu.memory_space<hbm>> -> memref<80x128xf32, #tpu.memory_space<hbm>>
      tpu.wait_dma2 semaphore(%arg27 : memref<!tpu.dma_semaphore, #tpu.memory_space<semaphore_mem>>) src(%dma_wait3A_150 : memref<80x128xf32, #tpu.memory_space<hbm>>) dst(%arg14 : memref<80x128xf32, #tpu.memory_space<vmem>>)
      %scan3A_151 = arith.constant 0 : i32
      %scan3A_152 = arith.constant 80 : i32
      %scan3A_153 = arith.addi %scan3A_151, %scan3A_152 : i32
      %scan3A_154 = arith.constant 1 : i32
      scf.for %scan3A_159 = %scan3A_151 to %scan3A_153 step %scan3A_154  : i32 {
        %mul3A_160 = arith.constant 1 : i32
        %mul3A_161 = arith.muli %scan3A_159, %mul3A_160 : i32
        %add3A_162 = arith.constant 0 : i32
        %add3A_163 = arith.addi %add3A_162, %mul3A_161 : i32
        %add3A_164 = arith.constant 160 : i32
        %add3A_165 = arith.addi %add3A_164, %add3A_163 : i32
        %get3A = arith.index_cast %add3A_165 : i32 to index
        %get3A_166 = arith.constant 0 : index
        %get3A_167 = tpu.vector_load %arg11[%get3A, %get3A_166] {strides = array<i32>} : memref<320x16xf32, #tpu.memory_space<vmem>>, vector<1x16xf32>,
        %get3A_168 = vector.shape_cast %get3A_167 : vector<1x16xf32> to vector<16xf32>
        %get3A_169 = arith.index_cast %add3A_163 : i32 to index
        %get3A_170 = arith.constant 0 : index
        %get3A_171 = tpu.vector_load %arg14[%get3A_169, %get3A_170] {strides = array<i32>} : memref<80x128xf32, #tpu.memory_space<vmem>>, vector<1x16xf32>,
        %get3A_172 = vector.shape_cast %get3A_171 : vector<1x16xf32> to vector<16xf32>
        %mul3A_173 = arith.mulf %get3A_172, %get3A_168 : vector<16xf32>
        %swap3A = arith.index_cast %add3A_163 : i32 to index
        %swap3A_174 = arith.constant 0 : index
        %swap3A_175 = tpu.vector_load %arg18[%swap3A, %swap3A_174] {strides = array<i32>} : memref<80x128xf32, #tpu.memory_space<vmem>>, vector<1x16xf32>,
        %swap3A_176 = vector.shape_cast %swap3A_175 : vector<1x16xf32> to vector<16xf32>
        %swap3A_177 = vector.shape_cast %mul3A_173 : vector<16xf32> to vector<1x16xf32>
        tpu.vector_store %arg18[%swap3A, %swap3A_174], %swap3A_177 {strides = array<i32>} : memref<80x128xf32, #tpu.memory_space<vmem>>, vector<1x16xf32>,
        %get3A_178 = arith.index_cast %add3A_163 : i32 to index
        %get3A_179 = arith.constant 16 : index
        %get3A_180 = tpu.vector_load %arg14[%get3A_178, %get3A_179] {strides = array<i32>} : memref<80x128xf32, #tpu.memory_space<vmem>>, vector<1x16xf32>,
        %get3A_181 = vector.shape_cast %get3A_180 : vector<1x16xf32> to vector<16xf32>
        %mul3A_182 = arith.mulf %get3A_181, %get3A_168 : vector<16xf32>
        %swap3A_183 = arith.index_cast %add3A_163 : i32 to index
        %swap3A_184 = arith.constant 16 : index
        %swap3A_185 = tpu.vector_load %arg18[%swap3A_183, %swap3A_184] {strides = array<i32>} : memref<80x128xf32, #tpu.memory_space<vmem>>, vector<1x16xf32>,
        %swap3A_186 = vector.shape_cast %swap3A_185 : vector<1x16xf32> to vector<16xf32>
        %swap3A_187 = vector.shape_cast %mul3A_182 : vector<16xf32> to vector<1x16xf32>
        tpu.vector_store %arg18[%swap3A_183, %swap3A_184], %swap3A_187 {strides = array<i32>} : memref<80x128xf32, #tpu.memory_space<vmem>>, vector<1x16xf32>,
        %get3A_188 = arith.index_cast %add3A_163 : i32 to index
        %get3A_189 = arith.constant 32 : index
        %get3A_190 = tpu.vector_load %arg14[%get3A_188, %get3A_189] {strides = array<i32>} : memref<80x128xf32, #tpu.memory_space<vmem>>, vector<1x16xf32>,
        %get3A_191 = vector.shape_cast %get3A_190 : vector<1x16xf32> to vector<16xf32>
        %mul3A_192 = arith.mulf %get3A_191, %get3A_168 : vector<16xf32>
        %swap3A_193 = arith.index_cast %add3A_163 : i32 to index
        %swap3A_194 = arith.constant 32 : index
        %swap3A_195 = tpu.vector_load %arg18[%swap3A_193, %swap3A_194] {strides = array<i32>} : memref<80x128xf32, #tpu.memory_space<vmem>>, vector<1x16xf32>,
        %swap3A_196 = vector.shape_cast %swap3A_195 : vector<1x16xf32> to vector<16xf32>
        %swap3A_197 = vector.shape_cast %mul3A_192 : vector<16xf32> to vector<1x16xf32>
        tpu.vector_store %arg18[%swap3A_193, %swap3A_194], %swap3A_197 {strides = array<i32>} : memref<80x128xf32, #tpu.memory_space<vmem>>, vector<1x16xf32>,
        %get3A_198 = arith.index_cast %add3A_163 : i32 to index
        %get3A_199 = arith.constant 48 : index
        %get3A_200 = tpu.vector_load %arg14[%get3A_198, %get3A_199] {strides = array<i32>} : memref<80x128xf32, #tpu.memory_space<vmem>>, vector<1x16xf32>,
        %get3A_201 = vector.shape_cast %get3A_200 : vector<1x16xf32> to vector<16xf32>
        %mul3A_202 = arith.mulf %get3A_201, %get3A_168 : vector<16xf32>
        %swap3A_203 = arith.index_cast %add3A_163 : i32 to index
        %swap3A_204 = arith.constant 48 : index
        %swap3A_205 = tpu.vector_load %arg18[%swap3A_203, %swap3A_204] {strides = array<i32>} : memref<80x128xf32, #tpu.memory_space<vmem>>, vector<1x16xf32>,
        %swap3A_206 = vector.shape_cast %swap3A_205 : vector<1x16xf32> to vector<16xf32>
        %swap3A_207 = vector.shape_cast %mul3A_202 : vector<16xf32> to vector<1x16xf32>
        tpu.vector_store %arg18[%swap3A_203, %swap3A_204], %swap3A_207 {strides = array<i32>} : memref<80x128xf32, #tpu.memory_space<vmem>>, vector<1x16xf32>,
        %get3A_208 = arith.index_cast %add3A_163 : i32 to index
        %get3A_209 = arith.constant 64 : index
        %get3A_210 = tpu.vector_load %arg14[%get3A_208, %get3A_209] {strides = array<i32>} : memref<80x128xf32, #tpu.memory_space<vmem>>, vector<1x16xf32>,
        %get3A_211 = vector.shape_cast %get3A_210 : vector<1x16xf32> to vector<16xf32>
        %mul3A_212 = arith.mulf %get3A_211, %get3A_168 : vector<16xf32>
        %swap3A_213 = arith.index_cast %add3A_163 : i32 to index
        %swap3A_214 = arith.constant 64 : index
        %swap3A_215 = tpu.vector_load %arg18[%swap3A_213, %swap3A_214] {strides = array<i32>} : memref<80x128xf32, #tpu.memory_space<vmem>>, vector<1x16xf32>,
        %swap3A_216 = vector.shape_cast %swap3A_215 : vector<1x16xf32> to vector<16xf32>
        %swap3A_217 = vector.shape_cast %mul3A_212 : vector<16xf32> to vector<1x16xf32>
        tpu.vector_store %arg18[%swap3A_213, %swap3A_214], %swap3A_217 {strides = array<i32>} : memref<80x128xf32, #tpu.memory_space<vmem>>, vector<1x16xf32>,
        %get3A_218 = arith.index_cast %add3A_163 : i32 to index
        %get3A_219 = arith.constant 80 : index
        %get3A_220 = tpu.vector_load %arg14[%get3A_218, %get3A_219] {strides = array<i32>} : memref<80x128xf32, #tpu.memory_space<vmem>>, vector<1x16xf32>,
        %get3A_221 = vector.shape_cast %get3A_220 : vector<1x16xf32> to vector<16xf32>
        %mul3A_222 = arith.mulf %get3A_221, %get3A_168 : vector<16xf32>
        %swap3A_223 = arith.index_cast %add3A_163 : i32 to index
        %swap3A_224 = arith.constant 80 : index
        %swap3A_225 = tpu.vector_load %arg18[%swap3A_223, %swap3A_224] {strides = array<i32>} : memref<80x128xf32, #tpu.memory_space<vmem>>, vector<1x16xf32>,
        %swap3A_226 = vector.shape_cast %swap3A_225 : vector<1x16xf32> to vector<16xf32>
        %swap3A_227 = vector.shape_cast %mul3A_222 : vector<16xf32> to vector<1x16xf32>
        tpu.vector_store %arg18[%swap3A_223, %swap3A_224], %swap3A_227 {strides = array<i32>} : memref<80x128xf32, #tpu.memory_space<vmem>>, vector<1x16xf32>,
        %get3A_228 = arith.index_cast %add3A_163 : i32 to index
        %get3A_229 = arith.constant 96 : index
        %get3A_230 = tpu.vector_load %arg14[%get3A_228, %get3A_229] {strides = array<i32>} : memref<80x128xf32, #tpu.memory_space<vmem>>, vector<1x16xf32>,
        %get3A_231 = vector.shape_cast %get3A_230 : vector<1x16xf32> to vector<16xf32>
        %mul3A_232 = arith.mulf %get3A_231, %get3A_168 : vector<16xf32>
        %swap3A_233 = arith.index_cast %add3A_163 : i32 to index
        %swap3A_234 = arith.constant 96 : index
        %swap3A_235 = tpu.vector_load %arg18[%swap3A_233, %swap3A_234] {strides = array<i32>} : memref<80x128xf32, #tpu.memory_space<vmem>>, vector<1x16xf32>,
        %swap3A_236 = vector.shape_cast %swap3A_235 : vector<1x16xf32> to vector<16xf32>
        %swap3A_237 = vector.shape_cast %mul3A_232 : vector<16xf32> to vector<1x16xf32>
        tpu.vector_store %arg18[%swap3A_233, %swap3A_234], %swap3A_237 {strides = array<i32>} : memref<80x128xf32, #tpu.memory_space<vmem>>, vector<1x16xf32>,
        %get3A_238 = arith.index_cast %add3A_163 : i32 to index
        %get3A_239 = arith.constant 112 : index
        %get3A_240 = tpu.vector_load %arg14[%get3A_238, %get3A_239] {strides = array<i32>} : memref<80x128xf32, #tpu.memory_space<vmem>>, vector<1x16xf32>,
        %get3A_241 = vector.shape_cast %get3A_240 : vector<1x16xf32> to vector<16xf32>
        %mul3A_242 = arith.mulf %get3A_241, %get3A_168 : vector<16xf32>
        %swap3A_243 = arith.index_cast %add3A_163 : i32 to index
        %swap3A_244 = arith.constant 112 : index
        %swap3A_245 = tpu.vector_load %arg18[%swap3A_243, %swap3A_244] {strides = array<i32>} : memref<80x128xf32, #tpu.memory_space<vmem>>, vector<1x16xf32>,
        %swap3A_246 = vector.shape_cast %swap3A_245 : vector<1x16xf32> to vector<16xf32>
        %swap3A_247 = vector.shape_cast %mul3A_242 : vector<16xf32> to vector<1x16xf32>
        tpu.vector_store %arg18[%swap3A_243, %swap3A_244], %swap3A_247 {strides = array<i32>} : memref<80x128xf32, #tpu.memory_space<vmem>>, vector<1x16xf32>,
      }
      %scan3A_155 = arith.constant 80 : i32
      %dma_start3A = arith.constant 0 : i32
      %dma_start3A_156 = tpu.memref_slice %arg4[%add3A_106, %dma_start3A] : memref<10240x128xf32, #tpu.memory_space<hbm>> -> memref<80x128xf32, #tpu.memory_space<hbm>>
      %dma_start3A_157 = arith.constant 0 : i32
      %dma_start3A_158 = tpu.memref_slice %arg4[%add3A_106, %dma_start3A_157] : memref<10240x128xf32, #tpu.memory_space<hbm>> -> memref<80x128xf32, #tpu.memory_space<hbm>>
      tpu.enqueue_dma source(%arg18 : memref<80x128xf32, #tpu.memory_space<vmem>>) target(%dma_start3A_158 : memref<80x128xf32, #tpu.memory_space<hbm>>) target_semaphore(%arg31 : memref<!tpu.dma_semaphore, #tpu.memory_space<semaphore_mem>>)
    } else {
    }
    %add3A_112 = arith.constant 240 : i32
    %add3A_113 = arith.addi %mul3A_2, %add3A_112 : i32
    %lt3A_114 = arith.constant 10000 : i32
    %lt3A_115 = arith.cmpi slt, %add3A_113, %lt3A_114 : i32
    %convert_element_type3A_116 = arith.extui %lt3A_115 : i1 to i32
    %cond3A_117 = arith.constant 0 : i32
    %cond3A_118 = arith.cmpi ne, %convert_element_type3A_116, %cond3A_117 : i32
    scf.if %cond3A_118 {
      %dma_wait3A_147 = arith.constant 0 : i32
      %dma_wait3A_148 = tpu.memref_slice %arg3[%add3A_113, %dma_wait3A_147] : memref<10000x128xf32, #tpu.memory_space<hbm>> -> memref<80x128xf32, #tpu.memory_space<hbm>>
      %dma_wait3A_149 = arith.constant 0 : i32
      %dma_wait3A_150 = tpu.memref_slice %arg3[%add3A_113, %dma_wait3A_149] : memref<10000x128xf32, #tpu.memory_space<hbm>> -> memref<80x128xf32, #tpu.memory_space<hbm>>
      tpu.wait_dma2 semaphore(%arg28 : memref<!tpu.dma_semaphore, #tpu.memory_space<semaphore_mem>>) src(%dma_wait3A_150 : memref<80x128xf32, #tpu.memory_space<hbm>>) dst(%arg15 : memref<80x128xf32, #tpu.memory_space<vmem>>)
      %scan3A_151 = arith.constant 0 : i32
      %scan3A_152 = arith.constant 80 : i32
      %scan3A_153 = arith.addi %scan3A_151, %scan3A_152 : i32
      %scan3A_154 = arith.constant 1 : i32
      scf.for %scan3A_159 = %scan3A_151 to %scan3A_153 step %scan3A_154  : i32 {
        %mul3A_160 = arith.constant 1 : i32
        %mul3A_161 = arith.muli %scan3A_159, %mul3A_160 : i32
        %add3A_162 = arith.constant 0 : i32
        %add3A_163 = arith.addi %add3A_162, %mul3A_161 : i32
        %add3A_164 = arith.constant 240 : i32
        %add3A_165 = arith.addi %add3A_164, %add3A_163 : i32
        %get3A = arith.index_cast %add3A_165 : i32 to index
        %get3A_166 = arith.constant 0 : index
        %get3A_167 = tpu.vector_load %arg11[%get3A, %get3A_166] {strides = array<i32>} : memref<320x16xf32, #tpu.memory_space<vmem>>, vector<1x16xf32>,
        %get3A_168 = vector.shape_cast %get3A_167 : vector<1x16xf32> to vector<16xf32>
        %get3A_169 = arith.index_cast %add3A_163 : i32 to index
        %get3A_170 = arith.constant 0 : index
        %get3A_171 = tpu.vector_load %arg15[%get3A_169, %get3A_170] {strides = array<i32>} : memref<80x128xf32, #tpu.memory_space<vmem>>, vector<1x16xf32>,
        %get3A_172 = vector.shape_cast %get3A_171 : vector<1x16xf32> to vector<16xf32>
        %mul3A_173 = arith.mulf %get3A_172, %get3A_168 : vector<16xf32>
        %swap3A = arith.index_cast %add3A_163 : i32 to index
        %swap3A_174 = arith.constant 0 : index
        %swap3A_175 = tpu.vector_load %arg19[%swap3A, %swap3A_174] {strides = array<i32>} : memref<80x128xf32, #tpu.memory_space<vmem>>, vector<1x16xf32>,
        %swap3A_176 = vector.shape_cast %swap3A_175 : vector<1x16xf32> to vector<16xf32>
        %swap3A_177 = vector.shape_cast %mul3A_173 : vector<16xf32> to vector<1x16xf32>
        tpu.vector_store %arg19[%swap3A, %swap3A_174], %swap3A_177 {strides = array<i32>} : memref<80x128xf32, #tpu.memory_space<vmem>>, vector<1x16xf32>,
        %get3A_178 = arith.index_cast %add3A_163 : i32 to index
        %get3A_179 = arith.constant 16 : index
        %get3A_180 = tpu.vector_load %arg15[%get3A_178, %get3A_179] {strides = array<i32>} : memref<80x128xf32, #tpu.memory_space<vmem>>, vector<1x16xf32>,
        %get3A_181 = vector.shape_cast %get3A_180 : vector<1x16xf32> to vector<16xf32>
        %mul3A_182 = arith.mulf %get3A_181, %get3A_168 : vector<16xf32>
        %swap3A_183 = arith.index_cast %add3A_163 : i32 to index
        %swap3A_184 = arith.constant 16 : index
        %swap3A_185 = tpu.vector_load %arg19[%swap3A_183, %swap3A_184] {strides = array<i32>} : memref<80x128xf32, #tpu.memory_space<vmem>>, vector<1x16xf32>,
        %swap3A_186 = vector.shape_cast %swap3A_185 : vector<1x16xf32> to vector<16xf32>
        %swap3A_187 = vector.shape_cast %mul3A_182 : vector<16xf32> to vector<1x16xf32>
        tpu.vector_store %arg19[%swap3A_183, %swap3A_184], %swap3A_187 {strides = array<i32>} : memref<80x128xf32, #tpu.memory_space<vmem>>, vector<1x16xf32>,
        %get3A_188 = arith.index_cast %add3A_163 : i32 to index
        %get3A_189 = arith.constant 32 : index
        %get3A_190 = tpu.vector_load %arg15[%get3A_188, %get3A_189] {strides = array<i32>} : memref<80x128xf32, #tpu.memory_space<vmem>>, vector<1x16xf32>,
        %get3A_191 = vector.shape_cast %get3A_190 : vector<1x16xf32> to vector<16xf32>
        %mul3A_192 = arith.mulf %get3A_191, %get3A_168 : vector<16xf32>
        %swap3A_193 = arith.index_cast %add3A_163 : i32 to index
        %swap3A_194 = arith.constant 32 : index
        %swap3A_195 = tpu.vector_load %arg19[%swap3A_193, %swap3A_194] {strides = array<i32>} : memref<80x128xf32, #tpu.memory_space<vmem>>, vector<1x16xf32>,
        %swap3A_196 = vector.shape_cast %swap3A_195 : vector<1x16xf32> to vector<16xf32>
        %swap3A_197 = vector.shape_cast %mul3A_192 : vector<16xf32> to vector<1x16xf32>
        tpu.vector_store %arg19[%swap3A_193, %swap3A_194], %swap3A_197 {strides = array<i32>} : memref<80x128xf32, #tpu.memory_space<vmem>>, vector<1x16xf32>,
        %get3A_198 = arith.index_cast %add3A_163 : i32 to index
        %get3A_199 = arith.constant 48 : index
        %get3A_200 = tpu.vector_load %arg15[%get3A_198, %get3A_199] {strides = array<i32>} : memref<80x128xf32, #tpu.memory_space<vmem>>, vector<1x16xf32>,
        %get3A_201 = vector.shape_cast %get3A_200 : vector<1x16xf32> to vector<16xf32>
        %mul3A_202 = arith.mulf %get3A_201, %get3A_168 : vector<16xf32>
        %swap3A_203 = arith.index_cast %add3A_163 : i32 to index
        %swap3A_204 = arith.constant 48 : index
        %swap3A_205 = tpu.vector_load %arg19[%swap3A_203, %swap3A_204] {strides = array<i32>} : memref<80x128xf32, #tpu.memory_space<vmem>>, vector<1x16xf32>,
        %swap3A_206 = vector.shape_cast %swap3A_205 : vector<1x16xf32> to vector<16xf32>
        %swap3A_207 = vector.shape_cast %mul3A_202 : vector<16xf32> to vector<1x16xf32>
        tpu.vector_store %arg19[%swap3A_203, %swap3A_204], %swap3A_207 {strides = array<i32>} : memref<80x128xf32, #tpu.memory_space<vmem>>, vector<1x16xf32>,
        %get3A_208 = arith.index_cast %add3A_163 : i32 to index
        %get3A_209 = arith.constant 64 : index
        %get3A_210 = tpu.vector_load %arg15[%get3A_208, %get3A_209] {strides = array<i32>} : memref<80x128xf32, #tpu.memory_space<vmem>>, vector<1x16xf32>,
        %get3A_211 = vector.shape_cast %get3A_210 : vector<1x16xf32> to vector<16xf32>
        %mul3A_212 = arith.mulf %get3A_211, %get3A_168 : vector<16xf32>
        %swap3A_213 = arith.index_cast %add3A_163 : i32 to index
        %swap3A_214 = arith.constant 64 : index
        %swap3A_215 = tpu.vector_load %arg19[%swap3A_213, %swap3A_214] {strides = array<i32>} : memref<80x128xf32, #tpu.memory_space<vmem>>, vector<1x16xf32>,
        %swap3A_216 = vector.shape_cast %swap3A_215 : vector<1x16xf32> to vector<16xf32>
        %swap3A_217 = vector.shape_cast %mul3A_212 : vector<16xf32> to vector<1x16xf32>
        tpu.vector_store %arg19[%swap3A_213, %swap3A_214], %swap3A_217 {strides = array<i32>} : memref<80x128xf32, #tpu.memory_space<vmem>>, vector<1x16xf32>,
        %get3A_218 = arith.index_cast %add3A_163 : i32 to index
        %get3A_219 = arith.constant 80 : index
        %get3A_220 = tpu.vector_load %arg15[%get3A_218, %get3A_219] {strides = array<i32>} : memref<80x128xf32, #tpu.memory_space<vmem>>, vector<1x16xf32>,
        %get3A_221 = vector.shape_cast %get3A_220 : vector<1x16xf32> to vector<16xf32>
        %mul3A_222 = arith.mulf %get3A_221, %get3A_168 : vector<16xf32>
        %swap3A_223 = arith.index_cast %add3A_163 : i32 to index
        %swap3A_224 = arith.constant 80 : index
        %swap3A_225 = tpu.vector_load %arg19[%swap3A_223, %swap3A_224] {strides = array<i32>} : memref<80x128xf32, #tpu.memory_space<vmem>>, vector<1x16xf32>,
        %swap3A_226 = vector.shape_cast %swap3A_225 : vector<1x16xf32> to vector<16xf32>
        %swap3A_227 = vector.shape_cast %mul3A_222 : vector<16xf32> to vector<1x16xf32>
        tpu.vector_store %arg19[%swap3A_223, %swap3A_224], %swap3A_227 {strides = array<i32>} : memref<80x128xf32, #tpu.memory_space<vmem>>, vector<1x16xf32>,
        %get3A_228 = arith.index_cast %add3A_163 : i32 to index
        %get3A_229 = arith.constant 96 : index
        %get3A_230 = tpu.vector_load %arg15[%get3A_228, %get3A_229] {strides = array<i32>} : memref<80x128xf32, #tpu.memory_space<vmem>>, vector<1x16xf32>,
        %get3A_231 = vector.shape_cast %get3A_230 : vector<1x16xf32> to vector<16xf32>
        %mul3A_232 = arith.mulf %get3A_231, %get3A_168 : vector<16xf32>
        %swap3A_233 = arith.index_cast %add3A_163 : i32 to index
        %swap3A_234 = arith.constant 96 : index
        %swap3A_235 = tpu.vector_load %arg19[%swap3A_233, %swap3A_234] {strides = array<i32>} : memref<80x128xf32, #tpu.memory_space<vmem>>, vector<1x16xf32>,
        %swap3A_236 = vector.shape_cast %swap3A_235 : vector<1x16xf32> to vector<16xf32>
        %swap3A_237 = vector.shape_cast %mul3A_232 : vector<16xf32> to vector<1x16xf32>
        tpu.vector_store %arg19[%swap3A_233, %swap3A_234], %swap3A_237 {strides = array<i32>} : memref<80x128xf32, #tpu.memory_space<vmem>>, vector<1x16xf32>,
        %get3A_238 = arith.index_cast %add3A_163 : i32 to index
        %get3A_239 = arith.constant 112 : index
        %get3A_240 = tpu.vector_load %arg15[%get3A_238, %get3A_239] {strides = array<i32>} : memref<80x128xf32, #tpu.memory_space<vmem>>, vector<1x16xf32>,
        %get3A_241 = vector.shape_cast %get3A_240 : vector<1x16xf32> to vector<16xf32>
        %mul3A_242 = arith.mulf %get3A_241, %get3A_168 : vector<16xf32>
        %swap3A_243 = arith.index_cast %add3A_163 : i32 to index
        %swap3A_244 = arith.constant 112 : index
        %swap3A_245 = tpu.vector_load %arg19[%swap3A_243, %swap3A_244] {strides = array<i32>} : memref<80x128xf32, #tpu.memory_space<vmem>>, vector<1x16xf32>,
        %swap3A_246 = vector.shape_cast %swap3A_245 : vector<1x16xf32> to vector<16xf32>
        %swap3A_247 = vector.shape_cast %mul3A_242 : vector<16xf32> to vector<1x16xf32>
        tpu.vector_store %arg19[%swap3A_243, %swap3A_244], %swap3A_247 {strides = array<i32>} : memref<80x128xf32, #tpu.memory_space<vmem>>, vector<1x16xf32>,
      }
      %scan3A_155 = arith.constant 80 : i32
      %dma_start3A = arith.constant 0 : i32
      %dma_start3A_156 = tpu.memref_slice %arg4[%add3A_113, %dma_start3A] : memref<10240x128xf32, #tpu.memory_space<hbm>> -> memref<80x128xf32, #tpu.memory_space<hbm>>
      %dma_start3A_157 = arith.constant 0 : i32
      %dma_start3A_158 = tpu.memref_slice %arg4[%add3A_113, %dma_start3A_157] : memref<10240x128xf32, #tpu.memory_space<hbm>> -> memref<80x128xf32, #tpu.memory_space<hbm>>
      tpu.enqueue_dma source(%arg19 : memref<80x128xf32, #tpu.memory_space<vmem>>) target(%dma_start3A_158 : memref<80x128xf32, #tpu.memory_space<hbm>>) target_semaphore(%arg32 : memref<!tpu.dma_semaphore, #tpu.memory_space<semaphore_mem>>)
    } else {
    }
    %add3A_119 = arith.constant 0 : i32
    %add3A_120 = arith.addi %mul3A_2, %add3A_119 : i32
    %lt3A_121 = arith.constant 10000 : i32
    %lt3A_122 = arith.cmpi slt, %add3A_120, %lt3A_121 : i32
    %convert_element_type3A_123 = arith.extui %lt3A_122 : i1 to i32
    %cond3A_124 = arith.constant 0 : i32
    %cond3A_125 = arith.cmpi ne, %convert_element_type3A_123, %cond3A_124 : i32
    scf.if %cond3A_125 {
      %add3A_147 = arith.constant 0 : i32
      %add3A_148 = arith.addi %mul3A_2, %add3A_147 : i32
      %dma_wait3A_149 = arith.constant 0 : i32
      %dma_wait3A_150 = tpu.memref_slice %arg4[%add3A_148, %dma_wait3A_149] : memref<10240x128xf32, #tpu.memory_space<hbm>> -> memref<80x128xf32, #tpu.memory_space<hbm>>
      %dma_wait3A_151 = arith.constant 0 : i32
      %dma_wait3A_152 = tpu.memref_slice %arg4[%add3A_148, %dma_wait3A_151] : memref<10240x128xf32, #tpu.memory_space<hbm>> -> memref<80x128xf32, #tpu.memory_space<hbm>>
      tpu.wait_dma2 semaphore(%arg29 : memref<!tpu.dma_semaphore, #tpu.memory_space<semaphore_mem>>) src(%arg16 : memref<80x128xf32, #tpu.memory_space<vmem>>) dst(%dma_wait3A_152 : memref<80x128xf32, #tpu.memory_space<hbm>>)
    } else {
    }
    %add3A_126 = arith.constant 80 : i32
    %add3A_127 = arith.addi %mul3A_2, %add3A_126 : i32
    %lt3A_128 = arith.constant 10000 : i32
    %lt3A_129 = arith.cmpi slt, %add3A_127, %lt3A_128 : i32
    %convert_element_type3A_130 = arith.extui %lt3A_129 : i1 to i32
    %cond3A_131 = arith.constant 0 : i32
    %cond3A_132 = arith.cmpi ne, %convert_element_type3A_130, %cond3A_131 : i32
    scf.if %cond3A_132 {
      %add3A_147 = arith.constant 80 : i32
      %add3A_148 = arith.addi %mul3A_2, %add3A_147 : i32
      %dma_wait3A_149 = arith.constant 0 : i32
      %dma_wait3A_150 = tpu.memref_slice %arg4[%add3A_148, %dma_wait3A_149] : memref<10240x128xf32, #tpu.memory_space<hbm>> -> memref<80x128xf32, #tpu.memory_space<hbm>>
      %dma_wait3A_151 = arith.constant 0 : i32
      %dma_wait3A_152 = tpu.memref_slice %arg4[%add3A_148, %dma_wait3A_151] : memref<10240x128xf32, #tpu.memory_space<hbm>> -> memref<80x128xf32, #tpu.memory_space<hbm>>
      tpu.wait_dma2 semaphore(%arg30 : memref<!tpu.dma_semaphore, #tpu.memory_space<semaphore_mem>>) src(%arg17 : memref<80x128xf32, #tpu.memory_space<vmem>>) dst(%dma_wait3A_152 : memref<80x128xf32, #tpu.memory_space<hbm>>)
    } else {
    }
    %add3A_133 = arith.constant 160 : i32
    %add3A_134 = arith.addi %mul3A_2, %add3A_133 : i32
    %lt3A_135 = arith.constant 10000 : i32
    %lt3A_136 = arith.cmpi slt, %add3A_134, %lt3A_135 : i32
    %convert_element_type3A_137 = arith.extui %lt3A_136 : i1 to i32
    %cond3A_138 = arith.constant 0 : i32
    %cond3A_139 = arith.cmpi ne, %convert_element_type3A_137, %cond3A_138 : i32
    scf.if %cond3A_139 {
      %add3A_147 = arith.constant 160 : i32
      %add3A_148 = arith.addi %mul3A_2, %add3A_147 : i32
      %dma_wait3A_149 = arith.constant 0 : i32
      %dma_wait3A_150 = tpu.memref_slice %arg4[%add3A_148, %dma_wait3A_149] : memref<10240x128xf32, #tpu.memory_space<hbm>> -> memref<80x128xf32, #tpu.memory_space<hbm>>
      %dma_wait3A_151 = arith.constant 0 : i32
      %dma_wait3A_152 = tpu.memref_slice %arg4[%add3A_148, %dma_wait3A_151] : memref<10240x128xf32, #tpu.memory_space<hbm>> -> memref<80x128xf32, #tpu.memory_space<hbm>>
      tpu.wait_dma2 semaphore(%arg31 : memref<!tpu.dma_semaphore, #tpu.memory_space<semaphore_mem>>) src(%arg18 : memref<80x128xf32, #tpu.memory_space<vmem>>) dst(%dma_wait3A_152 : memref<80x128xf32, #tpu.memory_space<hbm>>)
    } else {
    }
    %add3A_140 = arith.constant 240 : i32
    %add3A_141 = arith.addi %mul3A_2, %add3A_140 : i32
    %lt3A_142 = arith.constant 10000 : i32
    %lt3A_143 = arith.cmpi slt, %add3A_141, %lt3A_142 : i32
    %convert_element_type3A_144 = arith.extui %lt3A_143 : i1 to i32
    %cond3A_145 = arith.constant 0 : i32
    %cond3A_146 = arith.cmpi ne, %convert_element_type3A_144, %cond3A_145 : i32
    scf.if %cond3A_146 {
      %add3A_147 = arith.constant 240 : i32
      %add3A_148 = arith.addi %mul3A_2, %add3A_147 : i32
      %dma_wait3A_149 = arith.constant 0 : i32
      %dma_wait3A_150 = tpu.memref_slice %arg4[%add3A_148, %dma_wait3A_149] : memref<10240x128xf32, #tpu.memory_space<hbm>> -> memref<80x128xf32, #tpu.memory_space<hbm>>
      %dma_wait3A_151 = arith.constant 0 : i32
      %dma_wait3A_152 = tpu.memref_slice %arg4[%add3A_148, %dma_wait3A_151] : memref<10240x128xf32, #tpu.memory_space<hbm>> -> memref<80x128xf32, #tpu.memory_space<hbm>>
      tpu.wait_dma2 semaphore(%arg32 : memref<!tpu.dma_semaphore, #tpu.memory_space<semaphore_mem>>) src(%arg19 : memref<80x128xf32, #tpu.memory_space<vmem>>) dst(%dma_wait3A_152 : memref<80x128xf32, #tpu.memory_space<hbm>>)
    } else {
    }
    return
  }
}

#map = affine_map<(d0, d1) -> (0, 0)>
#map1 = affine_map<(d0, d1) -> (0, 0, 0)>
module attributes {stable_mosaic.version = 14 : i64} {
  func.func @_agg_body(%arg0: i32, %arg1: i32, %arg2: memref<10240x128xf32, #tpu.memory_space<hbm>>, %arg3: memref<8000x40xi32, #tpu.memory_space<hbm>>, %arg4: memref<8000x40xi32, #tpu.memory_space<hbm>>, %arg5: memref<2x10240x128xf32, #tpu.memory_space<hbm>>, %arg6: memref<10240x128xf32, #tpu.memory_space<vmem_shared>>, %arg7: memref<250x40xi32, #tpu.memory_space<vmem>>, %arg8: memref<250x40xi32, #tpu.memory_space<vmem>>, %arg9: memref<40x128xf32, #tpu.memory_space<vmem>>, %arg10: memref<40x128xf32, #tpu.memory_space<vmem>>, %arg11: memref<40x128xf32, #tpu.memory_space<vmem>>, %arg12: memref<40x128xf32, #tpu.memory_space<vmem>>, %arg13: memref<40x128xf32, #tpu.memory_space<vmem>>, %arg14: memref<16x128xf32, #tpu.memory_space<vmem>>, %arg15: memref<!tpu.dma_semaphore, #tpu.memory_space<semaphore_mem>>, %arg16: memref<!tpu.dma_semaphore, #tpu.memory_space<semaphore_mem>>, %arg17: memref<!tpu.dma_semaphore, #tpu.memory_space<semaphore_mem>>, %arg18: memref<!tpu.dma_semaphore, #tpu.memory_space<semaphore_mem>>, %arg19: memref<!tpu.dma_semaphore, #tpu.memory_space<semaphore_mem>>, %arg20: memref<!tpu.dma_semaphore, #tpu.memory_space<semaphore_mem>>, %arg21: memref<!tpu.dma_semaphore, #tpu.memory_space<semaphore_mem>>, %arg22: memref<!tpu.dma_semaphore, #tpu.memory_space<semaphore_mem>>, %arg23: memref<!tpu.dma_semaphore, #tpu.memory_space<semaphore_mem>>, %arg24: memref<!tpu.dma_semaphore, #tpu.memory_space<semaphore_mem>>) attributes {dimension_semantics = [#tpu.dimension_semantics<core_parallel>, #tpu.dimension_semantics<subcore_parallel>], iteration_bounds = array<i64: 2, 16>, scalar_prefetch = 0 : i64, scratch_operands = 19 : i64, tpu.core_type = #tpu.core_type<sc_vector_subcore>, window_params = [{transform_indices = #map}, {transform_indices = #map}, {transform_indices = #map}, {transform_indices = #map1}]} {
    %scan3A = arith.constant 0 : i32
    %scan3A_0 = arith.constant 16 : i32
    %scan3A_1 = arith.addi %scan3A, %scan3A_0 : i32
    %scan3A_2 = arith.constant 1 : i32
    scf.for %scan3A_202 = %scan3A to %scan3A_1 step %scan3A_2  : i32 {
      %mul3A_203 = arith.constant 1 : i32
      %mul3A_204 = arith.muli %scan3A_202, %mul3A_203 : i32
      %add3A_205 = arith.constant 0 : i32
      %add3A_206 = arith.addi %add3A_205, %mul3A_204 : i32
      %scan3A_207 = arith.constant 0 : i32
      %scan3A_208 = arith.constant 8 : i32
      %scan3A_209 = arith.addi %scan3A_207, %scan3A_208 : i32
      %scan3A_210 = arith.constant 1 : i32
      scf.for %scan3A_212 = %scan3A_207 to %scan3A_209 step %scan3A_210  : i32 {
        %mul3A_213 = arith.constant 1 : i32
        %mul3A_214 = arith.muli %scan3A_212, %mul3A_213 : i32
        %add3A_215 = arith.constant 0 : i32
        %add3A_216 = arith.addi %add3A_215, %mul3A_214 : i32
        %broadcast_in_dim3A = arith.constant 0.000000e+00 : f32
        %broadcast_in_dim3A_217 = vector.broadcast %broadcast_in_dim3A : f32 to vector<16xf32>
        %mul3A_218 = arith.constant 16 : i32
        %mul3A_219 = arith.muli %add3A_216, %mul3A_218 : i32
        %swap3A = arith.index_cast %add3A_206 : i32 to index
        %swap3A_220 = arith.index_cast %mul3A_219 : i32 to index
        %swap3A_221 = tpu.vector_load %arg14[%swap3A, %swap3A_220] {strides = array<i32>} : memref<16x128xf32, #tpu.memory_space<vmem>>, vector<1x16xf32>,
        %swap3A_222 = vector.shape_cast %swap3A_221 : vector<1x16xf32> to vector<16xf32>
        %swap3A_223 = vector.shape_cast %broadcast_in_dim3A_217 : vector<16xf32> to vector<1x16xf32>
        tpu.vector_store %arg14[%swap3A, %swap3A_220], %swap3A_223 {strides = array<i32>} : memref<16x128xf32, #tpu.memory_space<vmem>>, vector<1x16xf32>,
      }
      %scan3A_211 = arith.constant 8 : i32
    }
    %scan3A_3 = arith.constant 16 : i32
    %mul3A = arith.constant 2 : i32
    %mul3A_4 = arith.muli %arg1, %mul3A : i32
    %add3A = arith.addi %mul3A_4, %arg0 : i32
    %mul3A_5 = arith.constant 250 : i32
    %mul3A_6 = arith.muli %add3A, %mul3A_5 : i32
    %dma_start3A = arith.constant 0 : i32
    %dma_start3A_7 = tpu.memref_slice %arg3[%mul3A_6, %dma_start3A] : memref<8000x40xi32, #tpu.memory_space<hbm>> -> memref<250x40xi32, #tpu.memory_space<hbm>>
    %dma_start3A_8 = arith.constant 0 : i32
    %dma_start3A_9 = tpu.memref_slice %arg3[%mul3A_6, %dma_start3A_8] : memref<8000x40xi32, #tpu.memory_space<hbm>> -> memref<250x40xi32, #tpu.memory_space<hbm>>
    tpu.enqueue_dma source(%dma_start3A_9 : memref<250x40xi32, #tpu.memory_space<hbm>>) target(%arg7 : memref<250x40xi32, #tpu.memory_space<vmem>>) target_semaphore(%arg15 : memref<!tpu.dma_semaphore, #tpu.memory_space<semaphore_mem>>)
    %dma_start3A_10 = arith.constant 0 : i32
    %dma_start3A_11 = tpu.memref_slice %arg4[%mul3A_6, %dma_start3A_10] : memref<8000x40xi32, #tpu.memory_space<hbm>> -> memref<250x40xi32, #tpu.memory_space<hbm>>
    %dma_start3A_12 = arith.constant 0 : i32
    %dma_start3A_13 = tpu.memref_slice %arg4[%mul3A_6, %dma_start3A_12] : memref<8000x40xi32, #tpu.memory_space<hbm>> -> memref<250x40xi32, #tpu.memory_space<hbm>>
    tpu.enqueue_dma source(%dma_start3A_13 : memref<250x40xi32, #tpu.memory_space<hbm>>) target(%arg8 : memref<250x40xi32, #tpu.memory_space<vmem>>) target_semaphore(%arg16 : memref<!tpu.dma_semaphore, #tpu.memory_space<semaphore_mem>>)
    %mul3A_14 = arith.constant 640 : i32
    %mul3A_15 = arith.muli %arg1, %mul3A_14 : i32
    %scan3A_16 = arith.constant 0 : i32
    %scan3A_17 = arith.constant 40 : i32
    %scan3A_18 = arith.addi %scan3A_16, %scan3A_17 : i32
    %scan3A_19 = arith.constant 1 : i32
    scf.for %scan3A_202 = %scan3A_16 to %scan3A_18 step %scan3A_19  : i32 {
      %mul3A_203 = arith.constant 1 : i32
      %mul3A_204 = arith.muli %scan3A_202, %mul3A_203 : i32
      %add3A_205 = arith.constant 0 : i32
      %add3A_206 = arith.addi %add3A_205, %mul3A_204 : i32
      %mul3A_207 = arith.constant 16 : i32
      %mul3A_208 = arith.muli %add3A_206, %mul3A_207 : i32
      %add3A_209 = arith.addi %mul3A_15, %mul3A_208 : i32
      "tpu.region"() ({
        %run_scoped3A = tpu.sem_alloc : memref<!tpu.dma_semaphore, #tpu.memory_space<semaphore_mem>>
        %dma_start3A_210 = arith.constant 0 : i32
        %dma_start3A_211 = tpu.memref_slice %arg6[%add3A_209, %dma_start3A_210] : memref<10240x128xf32, #tpu.memory_space<vmem_shared>> -> memref<16x128xf32, #tpu.memory_space<vmem_shared>>
        %dma_start3A_212 = arith.constant 0 : i32
        %dma_start3A_213 = tpu.memref_slice %arg6[%add3A_209, %dma_start3A_212] : memref<10240x128xf32, #tpu.memory_space<vmem_shared>> -> memref<16x128xf32, #tpu.memory_space<vmem_shared>>
        tpu.enqueue_dma source(%arg14 : memref<16x128xf32, #tpu.memory_space<vmem>>) target(%dma_start3A_213 : memref<16x128xf32, #tpu.memory_space<vmem_shared>>) target_semaphore(%run_scoped3A : memref<!tpu.dma_semaphore, #tpu.memory_space<semaphore_mem>>)
        %dma_wait3A_214 = arith.constant 0 : i32
        %dma_wait3A_215 = tpu.memref_slice %arg6[%add3A_209, %dma_wait3A_214] : memref<10240x128xf32, #tpu.memory_space<vmem_shared>> -> memref<16x128xf32, #tpu.memory_space<vmem_shared>>
        %dma_wait3A_216 = arith.constant 0 : i32
        %dma_wait3A_217 = tpu.memref_slice %arg6[%add3A_209, %dma_wait3A_216] : memref<10240x128xf32, #tpu.memory_space<vmem_shared>> -> memref<16x128xf32, #tpu.memory_space<vmem_shared>>
        tpu.wait_dma2 semaphore(%run_scoped3A : memref<!tpu.dma_semaphore, #tpu.memory_space<semaphore_mem>>) src(%arg14 : memref<16x128xf32, #tpu.memory_space<vmem>>) dst(%dma_wait3A_217 : memref<16x128xf32, #tpu.memory_space<vmem_shared>>)
        tpu.yield
      }) : () -> ()
    }
    %scan3A_20 = arith.constant 40 : i32
    %dma_wait3A = arith.constant 0 : i32
    %dma_wait3A_21 = tpu.memref_slice %arg3[%mul3A_6, %dma_wait3A] : memref<8000x40xi32, #tpu.memory_space<hbm>> -> memref<250x40xi32, #tpu.memory_space<hbm>>
    %dma_wait3A_22 = arith.constant 0 : i32
    %dma_wait3A_23 = tpu.memref_slice %arg3[%mul3A_6, %dma_wait3A_22] : memref<8000x40xi32, #tpu.memory_space<hbm>> -> memref<250x40xi32, #tpu.memory_space<hbm>>
    tpu.wait_dma2 semaphore(%arg15 : memref<!tpu.dma_semaphore, #tpu.memory_space<semaphore_mem>>) src(%dma_wait3A_23 : memref<250x40xi32, #tpu.memory_space<hbm>>) dst(%arg7 : memref<250x40xi32, #tpu.memory_space<vmem>>)
    %dma_wait3A_24 = arith.constant 0 : i32
    %dma_wait3A_25 = tpu.memref_slice %arg4[%mul3A_6, %dma_wait3A_24] : memref<8000x40xi32, #tpu.memory_space<hbm>> -> memref<250x40xi32, #tpu.memory_space<hbm>>
    %dma_wait3A_26 = arith.constant 0 : i32
    %dma_wait3A_27 = tpu.memref_slice %arg4[%mul3A_6, %dma_wait3A_26] : memref<8000x40xi32, #tpu.memory_space<hbm>> -> memref<250x40xi32, #tpu.memory_space<hbm>>
    tpu.wait_dma2 semaphore(%arg16 : memref<!tpu.dma_semaphore, #tpu.memory_space<semaphore_mem>>) src(%dma_wait3A_27 : memref<250x40xi32, #tpu.memory_space<hbm>>) dst(%arg8 : memref<250x40xi32, #tpu.memory_space<vmem>>)
    %barrier3A = arith.constant 0 : index
    tpu.barrier barrier_id(%barrier3A)
    %dma_start3A_28 = arith.constant 0 : i32
    %dma_start3A_29 = arith.constant 0 : i32
    %dma_start3A_30 = tpu.memref_slice %arg7[%dma_start3A_28, %dma_start3A_29] : memref<250x40xi32, #tpu.memory_space<vmem>> -> memref<1x40xi32, #tpu.memory_space<vmem>>
    %dma_start3A_31 = tpu.memref_squeeze %dma_start3A_30 : memref<1x40xi32, #tpu.memory_space<vmem>> -> memref<40xi32, #tpu.memory_space<vmem>>
    %dma_start3A_32 = arith.constant 0 : i32
    %dma_start3A_33 = arith.constant 0 : i32
    %dma_start3A_34 = tpu.memref_slice %arg2[%dma_start3A_32, %dma_start3A_33] : memref<10240x128xf32, #tpu.memory_space<hbm>> -> memref<10240x128xf32, #tpu.memory_space<hbm>>
    tpu.enqueue_indirect_dma source(%dma_start3A_34 : memref<10240x128xf32, #tpu.memory_space<hbm>>) target(%arg9 : memref<40x128xf32, #tpu.memory_space<vmem>>) offsets(%dma_start3A_31 : memref<40xi32, #tpu.memory_space<vmem>>) semaphore(%arg15 : memref<!tpu.dma_semaphore, #tpu.memory_space<semaphore_mem>>)
    %dma_start3A_35 = arith.constant 1 : i32
    %dma_start3A_36 = arith.constant 0 : i32
    %dma_start3A_37 = tpu.memref_slice %arg7[%dma_start3A_35, %dma_start3A_36] : memref<250x40xi32, #tpu.memory_space<vmem>> -> memref<1x40xi32, #tpu.memory_space<vmem>>
    %dma_start3A_38 = tpu.memref_squeeze %dma_start3A_37 : memref<1x40xi32, #tpu.memory_space<vmem>> -> memref<40xi32, #tpu.memory_space<vmem>>
    %dma_start3A_39 = arith.constant 0 : i32
    %dma_start3A_40 = arith.constant 0 : i32
    %dma_start3A_41 = tpu.memref_slice %arg2[%dma_start3A_39, %dma_start3A_40] : memref<10240x128xf32, #tpu.memory_space<hbm>> -> memref<10240x128xf32, #tpu.memory_space<hbm>>
    tpu.enqueue_indirect_dma source(%dma_start3A_41 : memref<10240x128xf32, #tpu.memory_space<hbm>>) target(%arg10 : memref<40x128xf32, #tpu.memory_space<vmem>>) offsets(%dma_start3A_38 : memref<40xi32, #tpu.memory_space<vmem>>) semaphore(%arg16 : memref<!tpu.dma_semaphore, #tpu.memory_space<semaphore_mem>>)
    %dma_start3A_42 = arith.constant 2 : i32
    %dma_start3A_43 = arith.constant 0 : i32
    %dma_start3A_44 = tpu.memref_slice %arg7[%dma_start3A_42, %dma_start3A_43] : memref<250x40xi32, #tpu.memory_space<vmem>> -> memref<1x40xi32, #tpu.memory_space<vmem>>
    %dma_start3A_45 = tpu.memref_squeeze %dma_start3A_44 : memref<1x40xi32, #tpu.memory_space<vmem>> -> memref<40xi32, #tpu.memory_space<vmem>>
    %dma_start3A_46 = arith.constant 0 : i32
    %dma_start3A_47 = arith.constant 0 : i32
    %dma_start3A_48 = tpu.memref_slice %arg2[%dma_start3A_46, %dma_start3A_47] : memref<10240x128xf32, #tpu.memory_space<hbm>> -> memref<10240x128xf32, #tpu.memory_space<hbm>>
    tpu.enqueue_indirect_dma source(%dma_start3A_48 : memref<10240x128xf32, #tpu.memory_space<hbm>>) target(%arg11 : memref<40x128xf32, #tpu.memory_space<vmem>>) offsets(%dma_start3A_45 : memref<40xi32, #tpu.memory_space<vmem>>) semaphore(%arg17 : memref<!tpu.dma_semaphore, #tpu.memory_space<semaphore_mem>>)
    %dma_start3A_49 = arith.constant 3 : i32
    %dma_start3A_50 = arith.constant 0 : i32
    %dma_start3A_51 = tpu.memref_slice %arg7[%dma_start3A_49, %dma_start3A_50] : memref<250x40xi32, #tpu.memory_space<vmem>> -> memref<1x40xi32, #tpu.memory_space<vmem>>
    %dma_start3A_52 = tpu.memref_squeeze %dma_start3A_51 : memref<1x40xi32, #tpu.memory_space<vmem>> -> memref<40xi32, #tpu.memory_space<vmem>>
    %dma_start3A_53 = arith.constant 0 : i32
    %dma_start3A_54 = arith.constant 0 : i32
    %dma_start3A_55 = tpu.memref_slice %arg2[%dma_start3A_53, %dma_start3A_54] : memref<10240x128xf32, #tpu.memory_space<hbm>> -> memref<10240x128xf32, #tpu.memory_space<hbm>>
    tpu.enqueue_indirect_dma source(%dma_start3A_55 : memref<10240x128xf32, #tpu.memory_space<hbm>>) target(%arg12 : memref<40x128xf32, #tpu.memory_space<vmem>>) offsets(%dma_start3A_52 : memref<40xi32, #tpu.memory_space<vmem>>) semaphore(%arg18 : memref<!tpu.dma_semaphore, #tpu.memory_space<semaphore_mem>>)
    %dma_wait3A_56 = arith.constant 0 : i32
    %dma_wait3A_57 = arith.constant 0 : i32
    %dma_wait3A_58 = tpu.memref_slice %arg7[%dma_wait3A_56, %dma_wait3A_57] : memref<250x40xi32, #tpu.memory_space<vmem>> -> memref<1x40xi32, #tpu.memory_space<vmem>>
    %dma_wait3A_59 = tpu.memref_squeeze %dma_wait3A_58 : memref<1x40xi32, #tpu.memory_space<vmem>> -> memref<40xi32, #tpu.memory_space<vmem>>
    %dma_wait3A_60 = arith.constant 0 : i32
    %dma_wait3A_61 = arith.constant 0 : i32
    %dma_wait3A_62 = tpu.memref_slice %arg2[%dma_wait3A_60, %dma_wait3A_61] : memref<10240x128xf32, #tpu.memory_space<hbm>> -> memref<10240x128xf32, #tpu.memory_space<hbm>>
    tpu.wait_indirect_dma semaphore(%arg15 : memref<!tpu.dma_semaphore, #tpu.memory_space<semaphore_mem>>) src(%dma_wait3A_62 : memref<10240x128xf32, #tpu.memory_space<hbm>>) dst(%arg9 : memref<40x128xf32, #tpu.memory_space<vmem>>)
    %dma_start3A_63 = arith.constant 0 : i32
    %dma_start3A_64 = arith.constant 0 : i32
    %dma_start3A_65 = tpu.memref_slice %arg8[%dma_start3A_63, %dma_start3A_64] : memref<250x40xi32, #tpu.memory_space<vmem>> -> memref<1x40xi32, #tpu.memory_space<vmem>>
    %dma_start3A_66 = tpu.memref_squeeze %dma_start3A_65 : memref<1x40xi32, #tpu.memory_space<vmem>> -> memref<40xi32, #tpu.memory_space<vmem>>
    %dma_start3A_67 = arith.constant 0 : i32
    %dma_start3A_68 = arith.constant 0 : i32
    %dma_start3A_69 = tpu.memref_slice %arg6[%dma_start3A_67, %dma_start3A_68] : memref<10240x128xf32, #tpu.memory_space<vmem_shared>> -> memref<10240x128xf32, #tpu.memory_space<vmem_shared>>
    tpu.enqueue_indirect_dma source(%arg9 : memref<40x128xf32, #tpu.memory_space<vmem>>) target(%dma_start3A_69 : memref<10240x128xf32, #tpu.memory_space<vmem_shared>>) offsets(%dma_start3A_66 : memref<40xi32, #tpu.memory_space<vmem>>) semaphore(%arg20 : memref<!tpu.dma_semaphore, #tpu.memory_space<semaphore_mem>>) {add = true}
    %dma_start3A_70 = arith.constant 4 : i32
    %dma_start3A_71 = arith.constant 0 : i32
    %dma_start3A_72 = tpu.memref_slice %arg7[%dma_start3A_70, %dma_start3A_71] : memref<250x40xi32, #tpu.memory_space<vmem>> -> memref<1x40xi32, #tpu.memory_space<vmem>>
    %dma_start3A_73 = tpu.memref_squeeze %dma_start3A_72 : memref<1x40xi32, #tpu.memory_space<vmem>> -> memref<40xi32, #tpu.memory_space<vmem>>
    %dma_start3A_74 = arith.constant 0 : i32
    %dma_start3A_75 = arith.constant 0 : i32
    %dma_start3A_76 = tpu.memref_slice %arg2[%dma_start3A_74, %dma_start3A_75] : memref<10240x128xf32, #tpu.memory_space<hbm>> -> memref<10240x128xf32, #tpu.memory_space<hbm>>
    tpu.enqueue_indirect_dma source(%dma_start3A_76 : memref<10240x128xf32, #tpu.memory_space<hbm>>) target(%arg13 : memref<40x128xf32, #tpu.memory_space<vmem>>) offsets(%dma_start3A_73 : memref<40xi32, #tpu.memory_space<vmem>>) semaphore(%arg19 : memref<!tpu.dma_semaphore, #tpu.memory_space<semaphore_mem>>)
    %dma_wait3A_77 = arith.constant 1 : i32
    %dma_wait3A_78 = arith.constant 0 : i32
    %dma_wait3A_79 = tpu.memref_slice %arg7[%dma_wait3A_77, %dma_wait3A_78] : memref<250x40xi32, #tpu.memory_space<vmem>> -> memref<1x40xi32, #tpu.memory_space<vmem>>
    %dma_wait3A_80 = tpu.memref_squeeze %dma_wait3A_79 : memref<1x40xi32, #tpu.memory_space<vmem>> -> memref<40xi32, #tpu.memory_space<vmem>>
    %dma_wait3A_81 = arith.constant 0 : i32
    %dma_wait3A_82 = arith.constant 0 : i32
    %dma_wait3A_83 = tpu.memref_slice %arg2[%dma_wait3A_81, %dma_wait3A_82] : memref<10240x128xf32, #tpu.memory_space<hbm>> -> memref<10240x128xf32, #tpu.memory_space<hbm>>
    tpu.wait_indirect_dma semaphore(%arg16 : memref<!tpu.dma_semaphore, #tpu.memory_space<semaphore_mem>>) src(%dma_wait3A_83 : memref<10240x128xf32, #tpu.memory_space<hbm>>) dst(%arg10 : memref<40x128xf32, #tpu.memory_space<vmem>>)
    %dma_start3A_84 = arith.constant 1 : i32
    %dma_start3A_85 = arith.constant 0 : i32
    %dma_start3A_86 = tpu.memref_slice %arg8[%dma_start3A_84, %dma_start3A_85] : memref<250x40xi32, #tpu.memory_space<vmem>> -> memref<1x40xi32, #tpu.memory_space<vmem>>
    %dma_start3A_87 = tpu.memref_squeeze %dma_start3A_86 : memref<1x40xi32, #tpu.memory_space<vmem>> -> memref<40xi32, #tpu.memory_space<vmem>>
    %dma_start3A_88 = arith.constant 0 : i32
    %dma_start3A_89 = arith.constant 0 : i32
    %dma_start3A_90 = tpu.memref_slice %arg6[%dma_start3A_88, %dma_start3A_89] : memref<10240x128xf32, #tpu.memory_space<vmem_shared>> -> memref<10240x128xf32, #tpu.memory_space<vmem_shared>>
    tpu.enqueue_indirect_dma source(%arg10 : memref<40x128xf32, #tpu.memory_space<vmem>>) target(%dma_start3A_90 : memref<10240x128xf32, #tpu.memory_space<vmem_shared>>) offsets(%dma_start3A_87 : memref<40xi32, #tpu.memory_space<vmem>>) semaphore(%arg21 : memref<!tpu.dma_semaphore, #tpu.memory_space<semaphore_mem>>) {add = true}
    %dma_wait3A_91 = arith.constant 0 : i32
    %dma_wait3A_92 = arith.constant 0 : i32
    %dma_wait3A_93 = tpu.memref_slice %arg8[%dma_wait3A_91, %dma_wait3A_92] : memref<250x40xi32, #tpu.memory_space<vmem>> -> memref<1x40xi32, #tpu.memory_space<vmem>>
    %dma_wait3A_94 = tpu.memref_squeeze %dma_wait3A_93 : memref<1x40xi32, #tpu.memory_space<vmem>> -> memref<40xi32, #tpu.memory_space<vmem>>
    %dma_wait3A_95 = arith.constant 0 : i32
    %dma_wait3A_96 = arith.constant 0 : i32
    %dma_wait3A_97 = tpu.memref_slice %arg6[%dma_wait3A_95, %dma_wait3A_96] : memref<10240x128xf32, #tpu.memory_space<vmem_shared>> -> memref<10240x128xf32, #tpu.memory_space<vmem_shared>>
    tpu.wait_indirect_dma semaphore(%arg20 : memref<!tpu.dma_semaphore, #tpu.memory_space<semaphore_mem>>) src(%arg9 : memref<40x128xf32, #tpu.memory_space<vmem>>) dst(%dma_wait3A_97 : memref<10240x128xf32, #tpu.memory_space<vmem_shared>>)
    %dma_start3A_98 = arith.constant 5 : i32
    %dma_start3A_99 = arith.constant 0 : i32
    %dma_start3A_100 = tpu.memref_slice %arg7[%dma_start3A_98, %dma_start3A_99] : memref<250x40xi32, #tpu.memory_space<vmem>> -> memref<1x40xi32, #tpu.memory_space<vmem>>
    %dma_start3A_101 = tpu.memref_squeeze %dma_start3A_100 : memref<1x40xi32, #tpu.memory_space<vmem>> -> memref<40xi32, #tpu.memory_space<vmem>>
    %dma_start3A_102 = arith.constant 0 : i32
    %dma_start3A_103 = arith.constant 0 : i32
    %dma_start3A_104 = tpu.memref_slice %arg2[%dma_start3A_102, %dma_start3A_103] : memref<10240x128xf32, #tpu.memory_space<hbm>> -> memref<10240x128xf32, #tpu.memory_space<hbm>>
    tpu.enqueue_indirect_dma source(%dma_start3A_104 : memref<10240x128xf32, #tpu.memory_space<hbm>>) target(%arg9 : memref<40x128xf32, #tpu.memory_space<vmem>>) offsets(%dma_start3A_101 : memref<40xi32, #tpu.memory_space<vmem>>) semaphore(%arg15 : memref<!tpu.dma_semaphore, #tpu.memory_space<semaphore_mem>>)
    %dma_wait3A_105 = arith.constant 2 : i32
    %dma_wait3A_106 = arith.constant 0 : i32
    %dma_wait3A_107 = tpu.memref_slice %arg7[%dma_wait3A_105, %dma_wait3A_106] : memref<250x40xi32, #tpu.memory_space<vmem>> -> memref<1x40xi32, #tpu.memory_space<vmem>>
    %dma_wait3A_108 = tpu.memref_squeeze %dma_wait3A_107 : memref<1x40xi32, #tpu.memory_space<vmem>> -> memref<40xi32, #tpu.memory_space<vmem>>
    %dma_wait3A_109 = arith.constant 0 : i32
    %dma_wait3A_110 = arith.constant 0 : i32
    %dma_wait3A_111 = tpu.memref_slice %arg2[%dma_wait3A_109, %dma_wait3A_110] : memref<10240x128xf32, #tpu.memory_space<hbm>> -> memref<10240x128xf32, #tpu.memory_space<hbm>>
    tpu.wait_indirect_dma semaphore(%arg17 : memref<!tpu.dma_semaphore, #tpu.memory_space<semaphore_mem>>) src(%dma_wait3A_111 : memref<10240x128xf32, #tpu.memory_space<hbm>>) dst(%arg11 : memref<40x128xf32, #tpu.memory_space<vmem>>)
    %dma_start3A_112 = arith.constant 2 : i32
    %dma_start3A_113 = arith.constant 0 : i32
    %dma_start3A_114 = tpu.memref_slice %arg8[%dma_start3A_112, %dma_start3A_113] : memref<250x40xi32, #tpu.memory_space<vmem>> -> memref<1x40xi32, #tpu.memory_space<vmem>>
    %dma_start3A_115 = tpu.memref_squeeze %dma_start3A_114 : memref<1x40xi32, #tpu.memory_space<vmem>> -> memref<40xi32, #tpu.memory_space<vmem>>
    %dma_start3A_116 = arith.constant 0 : i32
    %dma_start3A_117 = arith.constant 0 : i32
    %dma_start3A_118 = tpu.memref_slice %arg6[%dma_start3A_116, %dma_start3A_117] : memref<10240x128xf32, #tpu.memory_space<vmem_shared>> -> memref<10240x128xf32, #tpu.memory_space<vmem_shared>>
    tpu.enqueue_indirect_dma source(%arg11 : memref<40x128xf32, #tpu.memory_space<vmem>>) target(%dma_start3A_118 : memref<10240x128xf32, #tpu.memory_space<vmem_shared>>) offsets(%dma_start3A_115 : memref<40xi32, #tpu.memory_space<vmem>>) semaphore(%arg22 : memref<!tpu.dma_semaphore, #tpu.memory_space<semaphore_mem>>) {add = true}
    %dma_wait3A_119 = arith.constant 0 : i32
    %dma_wait3A_120 = arith.constant 0 : i32
    %dma_wait3A_121 = tpu.memref_slice %arg8[%dma_wait3A_119, %dma_wait3A_120] : memref<250x40xi32, #tpu.memory_space<vmem>> -> memref<1x40xi32, #tpu.memory_space<vmem>>
    %dma_wait3A_122 = tpu.memref_squeeze %dma_wait3A_121 : memref<1x40xi32, #tpu.memory_space<vmem>> -> memref<40xi32, #tpu.memory_space<vmem>>
    %dma_wait3A_123 = arith.constant 0 : i32
    %dma_wait3A_124 = arith.constant 0 : i32
    %dma_wait3A_125 = tpu.memref_slice %arg6[%dma_wait3A_123, %dma_wait3A_124] : memref<10240x128xf32, #tpu.memory_space<vmem_shared>> -> memref<10240x128xf32, #tpu.memory_space<vmem_shared>>
    tpu.wait_indirect_dma semaphore(%arg21 : memref<!tpu.dma_semaphore, #tpu.memory_space<semaphore_mem>>) src(%arg10 : memref<40x128xf32, #tpu.memory_space<vmem>>) dst(%dma_wait3A_125 : memref<10240x128xf32, #tpu.memory_space<vmem_shared>>)
    %dma_start3A_126 = arith.constant 6 : i32
    %dma_start3A_127 = arith.constant 0 : i32
    %dma_start3A_128 = tpu.memref_slice %arg7[%dma_start3A_126, %dma_start3A_127] : memref<250x40xi32, #tpu.memory_space<vmem>> -> memref<1x40xi32, #tpu.memory_space<vmem>>
    %dma_start3A_129 = tpu.memref_squeeze %dma_start3A_128 : memref<1x40xi32, #tpu.memory_space<vmem>> -> memref<40xi32, #tpu.memory_space<vmem>>
    %dma_start3A_130 = arith.constant 0 : i32
    %dma_start3A_131 = arith.constant 0 : i32
    %dma_start3A_132 = tpu.memref_slice %arg2[%dma_start3A_130, %dma_start3A_131] : memref<10240x128xf32, #tpu.memory_space<hbm>> -> memref<10240x128xf32, #tpu.memory_space<hbm>>
    tpu.enqueue_indirect_dma source(%dma_start3A_132 : memref<10240x128xf32, #tpu.memory_space<hbm>>) target(%arg10 : memref<40x128xf32, #tpu.memory_space<vmem>>) offsets(%dma_start3A_129 : memref<40xi32, #tpu.memory_space<vmem>>) semaphore(%arg16 : memref<!tpu.dma_semaphore, #tpu.memory_space<semaphore_mem>>)
    %dma_wait3A_133 = arith.constant 3 : i32
    %dma_wait3A_134 = arith.constant 0 : i32
    %dma_wait3A_135 = tpu.memref_slice %arg7[%dma_wait3A_133, %dma_wait3A_134] : memref<250x40xi32, #tpu.memory_space<vmem>> -> memref<1x40xi32, #tpu.memory_space<vmem>>
    %dma_wait3A_136 = tpu.memref_squeeze %dma_wait3A_135 : memref<1x40xi32, #tpu.memory_space<vmem>> -> memref<40xi32, #tpu.memory_space<vmem>>
    %dma_wait3A_137 = arith.constant 0 : i32
    %dma_wait3A_138 = arith.constant 0 : i32
    %dma_wait3A_139 = tpu.memref_slice %arg2[%dma_wait3A_137, %dma_wait3A_138] : memref<10240x128xf32, #tpu.memory_space<hbm>> -> memref<10240x128xf32, #tpu.memory_space<hbm>>
    tpu.wait_indirect_dma semaphore(%arg18 : memref<!tpu.dma_semaphore, #tpu.memory_space<semaphore_mem>>) src(%dma_wait3A_139 : memref<10240x128xf32, #tpu.memory_space<hbm>>) dst(%arg12 : memref<40x128xf32, #tpu.memory_space<vmem>>)
    %dma_start3A_140 = arith.constant 3 : i32
    %dma_start3A_141 = arith.constant 0 : i32
    %dma_start3A_142 = tpu.memref_slice %arg8[%dma_start3A_140, %dma_start3A_141] : memref<250x40xi32, #tpu.memory_space<vmem>> -> memref<1x40xi32, #tpu.memory_space<vmem>>
    %dma_start3A_143 = tpu.memref_squeeze %dma_start3A_142 : memref<1x40xi32, #tpu.memory_space<vmem>> -> memref<40xi32, #tpu.memory_space<vmem>>
    %dma_start3A_144 = arith.constant 0 : i32
    %dma_start3A_145 = arith.constant 0 : i32
    %dma_start3A_146 = tpu.memref_slice %arg6[%dma_start3A_144, %dma_start3A_145] : memref<10240x128xf32, #tpu.memory_space<vmem_shared>> -> memref<10240x128xf32, #tpu.memory_space<vmem_shared>>
    tpu.enqueue_indirect_dma source(%arg12 : memref<40x128xf32, #tpu.memory_space<vmem>>) target(%dma_start3A_146 : memref<10240x128xf32, #tpu.memory_space<vmem_shared>>) offsets(%dma_start3A_143 : memref<40xi32, #tpu.memory_space<vmem>>) semaphore(%arg23 : memref<!tpu.dma_semaphore, #tpu.memory_space<semaphore_mem>>) {add = true}
    %dma_wait3A_147 = arith.constant 0 : i32
    %dma_wait3A_148 = arith.constant 0 : i32
    %dma_wait3A_149 = tpu.memref_slice %arg8[%dma_wait3A_147, %dma_wait3A_148] : memref<250x40xi32, #tpu.memory_space<vmem>> -> memref<1x40xi32, #tpu.memory_space<vmem>>
    %dma_wait3A_150 = tpu.memref_squeeze %dma_wait3A_149 : memref<1x40xi32, #tpu.memory_space<vmem>> -> memref<40xi32, #tpu.memory_space<vmem>>
    %dma_wait3A_151 = arith.constant 0 : i32
    %dma_wait3A_152 = arith.constant 0 : i32
    %dma_wait3A_153 = tpu.memref_slice %arg6[%dma_wait3A_151, %dma_wait3A_152] : memref<10240x128xf32, #tpu.memory_space<vmem_shared>> -> memref<10240x128xf32, #tpu.memory_space<vmem_shared>>
    tpu.wait_indirect_dma semaphore(%arg22 : memref<!tpu.dma_semaphore, #tpu.memory_space<semaphore_mem>>) src(%arg11 : memref<40x128xf32, #tpu.memory_space<vmem>>) dst(%dma_wait3A_153 : memref<10240x128xf32, #tpu.memory_space<vmem_shared>>)
    %dma_start3A_154 = arith.constant 7 : i32
    %dma_start3A_155 = arith.constant 0 : i32
    %dma_start3A_156 = tpu.memref_slice %arg7[%dma_start3A_154, %dma_start3A_155] : memref<250x40xi32, #tpu.memory_space<vmem>> -> memref<1x40xi32, #tpu.memory_space<vmem>>
    %dma_start3A_157 = tpu.memref_squeeze %dma_start3A_156 : memref<1x40xi32, #tpu.memory_space<vmem>> -> memref<40xi32, #tpu.memory_space<vmem>>
    %dma_start3A_158 = arith.constant 0 : i32
    %dma_start3A_159 = arith.constant 0 : i32
    %dma_start3A_160 = tpu.memref_slice %arg2[%dma_start3A_158, %dma_start3A_159] : memref<10240x128xf32, #tpu.memory_space<hbm>> -> memref<10240x128xf32, #tpu.memory_space<hbm>>
    tpu.enqueue_indirect_dma source(%dma_start3A_160 : memref<10240x128xf32, #tpu.memory_space<hbm>>) target(%arg11 : memref<40x128xf32, #tpu.memory_space<vmem>>) offsets(%dma_start3A_157 : memref<40xi32, #tpu.memory_space<vmem>>) semaphore(%arg17 : memref<!tpu.dma_semaphore, #tpu.memory_space<semaphore_mem>>)
    %dma_wait3A_161 = arith.constant 4 : i32
    %dma_wait3A_162 = arith.constant 0 : i32
    %dma_wait3A_163 = tpu.memref_slice %arg7[%dma_wait3A_161, %dma_wait3A_162] : memref<250x40xi32, #tpu.memory_space<vmem>> -> memref<1x40xi32, #tpu.memory_space<vmem>>
    %dma_wait3A_164 = tpu.memref_squeeze %dma_wait3A_163 : memref<1x40xi32, #tpu.memory_space<vmem>> -> memref<40xi32, #tpu.memory_space<vmem>>
    %dma_wait3A_165 = arith.constant 0 : i32
    %dma_wait3A_166 = arith.constant 0 : i32
    %dma_wait3A_167 = tpu.memref_slice %arg2[%dma_wait3A_165, %dma_wait3A_166] : memref<10240x128xf32, #tpu.memory_space<hbm>> -> memref<10240x128xf32, #tpu.memory_space<hbm>>
    tpu.wait_indirect_dma semaphore(%arg19 : memref<!tpu.dma_semaphore, #tpu.memory_space<semaphore_mem>>) src(%dma_wait3A_167 : memref<10240x128xf32, #tpu.memory_space<hbm>>) dst(%arg13 : memref<40x128xf32, #tpu.memory_space<vmem>>)
    %dma_start3A_168 = arith.constant 4 : i32
    %dma_start3A_169 = arith.constant 0 : i32
    %dma_start3A_170 = tpu.memref_slice %arg8[%dma_start3A_168, %dma_start3A_169] : memref<250x40xi32, #tpu.memory_space<vmem>> -> memref<1x40xi32, #tpu.memory_space<vmem>>
    %dma_start3A_171 = tpu.memref_squeeze %dma_start3A_170 : memref<1x40xi32, #tpu.memory_space<vmem>> -> memref<40xi32, #tpu.memory_space<vmem>>
    %dma_start3A_172 = arith.constant 0 : i32
    %dma_start3A_173 = arith.constant 0 : i32
    %dma_start3A_174 = tpu.memref_slice %arg6[%dma_start3A_172, %dma_start3A_173] : memref<10240x128xf32, #tpu.memory_space<vmem_shared>> -> memref<10240x128xf32, #tpu.memory_space<vmem_shared>>
    tpu.enqueue_indirect_dma source(%arg13 : memref<40x128xf32, #tpu.memory_space<vmem>>) target(%dma_start3A_174 : memref<10240x128xf32, #tpu.memory_space<vmem_shared>>) offsets(%dma_start3A_171 : memref<40xi32, #tpu.memory_space<vmem>>) semaphore(%arg24 : memref<!tpu.dma_semaphore, #tpu.memory_space<semaphore_mem>>) {add = true}
    %dma_wait3A_175 = arith.constant 0 : i32
    %dma_wait3A_176 = arith.constant 0 : i32
    %dma_wait3A_177 = tpu.memref_slice %arg8[%dma_wait3A_175, %dma_wait3A_176] : memref<250x40xi32, #tpu.memory_space<vmem>> -> memref<1x40xi32, #tpu.memory_space<vmem>>
    %dma_wait3A_178 = tpu.memref_squeeze %dma_wait3A_177 : memref<1x40xi32, #tpu.memory_space<vmem>> -> memref<40xi32, #tpu.memory_space<vmem>>
    %dma_wait3A_179 = arith.constant 0 : i32
    %dma_wait3A_180 = arith.constant 0 : i32
    %dma_wait3A_181 = tpu.memref_slice %arg6[%dma_wait3A_179, %dma_wait3A_180] : memref<10240x128xf32, #tpu.memory_space<vmem_shared>> -> memref<10240x128xf32, #tpu.memory_space<vmem_shared>>
    tpu.wait_indirect_dma semaphore(%arg23 : memref<!tpu.dma_semaphore, #tpu.memory_space<semaphore_mem>>) src(%arg12 : memref<40x128xf32, #tpu.memory_space<vmem>>) dst(%dma_wait3A_181 : memref<10240x128xf32, #tpu.memory_space<vmem_shared>>)
    %dma_start3A_182 = arith.constant 8 : i32
    %dma_start3A_183 = arith.constant 0 : i32
    %dma_start3A_184 = tpu.memref_slice %arg7[%dma_start3A_182, %dma_start3A_183] : memref<250x40xi32, #tpu.memory_space<vmem>> -> memref<1x40xi32, #tpu.memory_space<vmem>>
    %dma_start3A_185 = tpu.memref_squeeze %dma_start3A_184 : memref<1x40xi32, #tpu.memory_space<vmem>> -> memref<40xi32, #tpu.memory_space<vmem>>
    %dma_start3A_186 = arith.constant 0 : i32
    %dma_start3A_187 = arith.constant 0 : i32
    %dma_start3A_188 = tpu.memref_slice %arg2[%dma_start3A_186, %dma_start3A_187] : memref<10240x128xf32, #tpu.memory_space<hbm>> -> memref<10240x128xf32, #tpu.memory_space<hbm>>
    tpu.enqueue_indirect_dma source(%dma_start3A_188 : memref<10240x128xf32, #tpu.memory_space<hbm>>) target(%arg12 : memref<40x128xf32, #tpu.memory_space<vmem>>) offsets(%dma_start3A_185 : memref<40xi32, #tpu.memory_space<vmem>>) semaphore(%arg18 : memref<!tpu.dma_semaphore, #tpu.memory_space<semaphore_mem>>)
    %scan3A_189 = arith.constant 0 : i32
    %scan3A_190 = arith.constant 49 : i32
    %scan3A_191 = arith.addi %scan3A_189, %scan3A_190 : i32
    %scan3A_192 = arith.constant 1 : i32
    scf.for %scan3A_202 = %scan3A_189 to %scan3A_191 step %scan3A_192  : i32 {
      %mul3A_203 = arith.constant 1 : i32
      %mul3A_204 = arith.muli %scan3A_202, %mul3A_203 : i32
      %add3A_205 = arith.constant 0 : i32
      %add3A_206 = arith.addi %add3A_205, %mul3A_204 : i32
      %mul3A_207 = arith.constant 5 : i32
      %mul3A_208 = arith.muli %add3A_206, %mul3A_207 : i32
      %add3A_209 = arith.constant 5 : i32
      %add3A_210 = arith.addi %add3A_209, %mul3A_208 : i32
      %add3A_211 = arith.constant 0 : i32
      %add3A_212 = arith.addi %add3A_210, %add3A_211 : i32
      %dma_wait3A_213 = arith.constant 0 : i32
      %dma_wait3A_214 = tpu.memref_slice %arg7[%add3A_212, %dma_wait3A_213] : memref<250x40xi32, #tpu.memory_space<vmem>> -> memref<1x40xi32, #tpu.memory_space<vmem>>
      %dma_wait3A_215 = tpu.memref_squeeze %dma_wait3A_214 : memref<1x40xi32, #tpu.memory_space<vmem>> -> memref<40xi32, #tpu.memory_space<vmem>>
      %dma_wait3A_216 = arith.constant 0 : i32
      %dma_wait3A_217 = arith.constant 0 : i32
      %dma_wait3A_218 = tpu.memref_slice %arg2[%dma_wait3A_216, %dma_wait3A_217] : memref<10240x128xf32, #tpu.memory_space<hbm>> -> memref<10240x128xf32, #tpu.memory_space<hbm>>
      tpu.wait_indirect_dma semaphore(%arg15 : memref<!tpu.dma_semaphore, #tpu.memory_space<semaphore_mem>>) src(%dma_wait3A_218 : memref<10240x128xf32, #tpu.memory_space<hbm>>) dst(%arg9 : memref<40x128xf32, #tpu.memory_space<vmem>>)
      %dma_start3A_219 = arith.constant 0 : i32
      %dma_start3A_220 = tpu.memref_slice %arg8[%add3A_212, %dma_start3A_219] : memref<250x40xi32, #tpu.memory_space<vmem>> -> memref<1x40xi32, #tpu.memory_space<vmem>>
      %dma_start3A_221 = tpu.memref_squeeze %dma_start3A_220 : memref<1x40xi32, #tpu.memory_space<vmem>> -> memref<40xi32, #tpu.memory_space<vmem>>
      %dma_start3A_222 = arith.constant 0 : i32
      %dma_start3A_223 = arith.constant 0 : i32
      %dma_start3A_224 = tpu.memref_slice %arg6[%dma_start3A_222, %dma_start3A_223] : memref<10240x128xf32, #tpu.memory_space<vmem_shared>> -> memref<10240x128xf32, #tpu.memory_space<vmem_shared>>
      tpu.enqueue_indirect_dma source(%arg9 : memref<40x128xf32, #tpu.memory_space<vmem>>) target(%dma_start3A_224 : memref<10240x128xf32, #tpu.memory_space<vmem_shared>>) offsets(%dma_start3A_221 : memref<40xi32, #tpu.memory_space<vmem>>) semaphore(%arg20 : memref<!tpu.dma_semaphore, #tpu.memory_space<semaphore_mem>>) {add = true}
      %dma_wait3A_225 = arith.constant 0 : i32
      %dma_wait3A_226 = arith.constant 0 : i32
      %dma_wait3A_227 = tpu.memref_slice %arg8[%dma_wait3A_225, %dma_wait3A_226] : memref<250x40xi32, #tpu.memory_space<vmem>> -> memref<1x40xi32, #tpu.memory_space<vmem>>
      %dma_wait3A_228 = tpu.memref_squeeze %dma_wait3A_227 : memref<1x40xi32, #tpu.memory_space<vmem>> -> memref<40xi32, #tpu.memory_space<vmem>>
      %dma_wait3A_229 = arith.constant 0 : i32
      %dma_wait3A_230 = arith.constant 0 : i32
      %dma_wait3A_231 = tpu.memref_slice %arg6[%dma_wait3A_229, %dma_wait3A_230] : memref<10240x128xf32, #tpu.memory_space<vmem_shared>> -> memref<10240x128xf32, #tpu.memory_space<vmem_shared>>
      tpu.wait_indirect_dma semaphore(%arg24 : memref<!tpu.dma_semaphore, #tpu.memory_space<semaphore_mem>>) src(%arg13 : memref<40x128xf32, #tpu.memory_space<vmem>>) dst(%dma_wait3A_231 : memref<10240x128xf32, #tpu.memory_space<vmem_shared>>)
      %add3A_232 = arith.constant 5 : i32
      %add3A_233 = arith.addi %add3A_212, %add3A_232 : i32
      %sub3A = arith.constant 1 : i32
      %sub3A_234 = arith.subi %add3A_233, %sub3A : i32
      %le3A = arith.constant 249 : i32
      %le3A_235 = arith.cmpi sle, %sub3A_234, %le3A : i32
      %convert_element_type3A = arith.extui %le3A_235 : i1 to i32
      %cond3A = arith.constant 0 : i32
      %cond3A_236 = arith.cmpi ne, %convert_element_type3A, %cond3A : i32
      scf.if %cond3A_236 {
        %add3A_373 = arith.constant 5 : i32
        %add3A_374 = arith.addi %add3A_212, %add3A_373 : i32
        %sub3A_375 = arith.constant 1 : i32
        %sub3A_376 = arith.subi %add3A_374, %sub3A_375 : i32
        %dma_start3A_377 = arith.constant 0 : i32
        %dma_start3A_378 = tpu.memref_slice %arg7[%sub3A_376, %dma_start3A_377] : memref<250x40xi32, #tpu.memory_space<vmem>> -> memref<1x40xi32, #tpu.memory_space<vmem>>
        %dma_start3A_379 = tpu.memref_squeeze %dma_start3A_378 : memref<1x40xi32, #tpu.memory_space<vmem>> -> memref<40xi32, #tpu.memory_space<vmem>>
        %dma_start3A_380 = arith.constant 0 : i32
        %dma_start3A_381 = arith.constant 0 : i32
        %dma_start3A_382 = tpu.memref_slice %arg2[%dma_start3A_380, %dma_start3A_381] : memref<10240x128xf32, #tpu.memory_space<hbm>> -> memref<10240x128xf32, #tpu.memory_space<hbm>>
        tpu.enqueue_indirect_dma source(%dma_start3A_382 : memref<10240x128xf32, #tpu.memory_space<hbm>>) target(%arg13 : memref<40x128xf32, #tpu.memory_space<vmem>>) offsets(%dma_start3A_379 : memref<40xi32, #tpu.memory_space<vmem>>) semaphore(%arg19 : memref<!tpu.dma_semaphore, #tpu.memory_space<semaphore_mem>>)
      } else {
      }
      %mul3A_237 = arith.constant 5 : i32
      %mul3A_238 = arith.muli %add3A_206, %mul3A_237 : i32
      %add3A_239 = arith.constant 5 : i32
      %add3A_240 = arith.addi %add3A_239, %mul3A_238 : i32
      %add3A_241 = arith.constant 1 : i32
      %add3A_242 = arith.addi %add3A_240, %add3A_241 : i32
      %dma_wait3A_243 = arith.constant 0 : i32
      %dma_wait3A_244 = tpu.memref_slice %arg7[%add3A_242, %dma_wait3A_243] : memref<250x40xi32, #tpu.memory_space<vmem>> -> memref<1x40xi32, #tpu.memory_space<vmem>>
      %dma_wait3A_245 = tpu.memref_squeeze %dma_wait3A_244 : memref<1x40xi32, #tpu.memory_space<vmem>> -> memref<40xi32, #tpu.memory_space<vmem>>
      %dma_wait3A_246 = arith.constant 0 : i32
      %dma_wait3A_247 = arith.constant 0 : i32
      %dma_wait3A_248 = tpu.memref_slice %arg2[%dma_wait3A_246, %dma_wait3A_247] : memref<10240x128xf32, #tpu.memory_space<hbm>> -> memref<10240x128xf32, #tpu.memory_space<hbm>>
      tpu.wait_indirect_dma semaphore(%arg16 : memref<!tpu.dma_semaphore, #tpu.memory_space<semaphore_mem>>) src(%dma_wait3A_248 : memref<10240x128xf32, #tpu.memory_space<hbm>>) dst(%arg10 : memref<40x128xf32, #tpu.memory_space<vmem>>)
      %dma_start3A_249 = arith.constant 0 : i32
      %dma_start3A_250 = tpu.memref_slice %arg8[%add3A_242, %dma_start3A_249] : memref<250x40xi32, #tpu.memory_space<vmem>> -> memref<1x40xi32, #tpu.memory_space<vmem>>
      %dma_start3A_251 = tpu.memref_squeeze %dma_start3A_250 : memref<1x40xi32, #tpu.memory_space<vmem>> -> memref<40xi32, #tpu.memory_space<vmem>>
      %dma_start3A_252 = arith.constant 0 : i32
      %dma_start3A_253 = arith.constant 0 : i32
      %dma_start3A_254 = tpu.memref_slice %arg6[%dma_start3A_252, %dma_start3A_253] : memref<10240x128xf32, #tpu.memory_space<vmem_shared>> -> memref<10240x128xf32, #tpu.memory_space<vmem_shared>>
      tpu.enqueue_indirect_dma source(%arg10 : memref<40x128xf32, #tpu.memory_space<vmem>>) target(%dma_start3A_254 : memref<10240x128xf32, #tpu.memory_space<vmem_shared>>) offsets(%dma_start3A_251 : memref<40xi32, #tpu.memory_space<vmem>>) semaphore(%arg21 : memref<!tpu.dma_semaphore, #tpu.memory_space<semaphore_mem>>) {add = true}
      %dma_wait3A_255 = arith.constant 0 : i32
      %dma_wait3A_256 = arith.constant 0 : i32
      %dma_wait3A_257 = tpu.memref_slice %arg8[%dma_wait3A_255, %dma_wait3A_256] : memref<250x40xi32, #tpu.memory_space<vmem>> -> memref<1x40xi32, #tpu.memory_space<vmem>>
      %dma_wait3A_258 = tpu.memref_squeeze %dma_wait3A_257 : memref<1x40xi32, #tpu.memory_space<vmem>> -> memref<40xi32, #tpu.memory_space<vmem>>
      %dma_wait3A_259 = arith.constant 0 : i32
      %dma_wait3A_260 = arith.constant 0 : i32
      %dma_wait3A_261 = tpu.memref_slice %arg6[%dma_wait3A_259, %dma_wait3A_260] : memref<10240x128xf32, #tpu.memory_space<vmem_shared>> -> memref<10240x128xf32, #tpu.memory_space<vmem_shared>>
      tpu.wait_indirect_dma semaphore(%arg20 : memref<!tpu.dma_semaphore, #tpu.memory_space<semaphore_mem>>) src(%arg9 : memref<40x128xf32, #tpu.memory_space<vmem>>) dst(%dma_wait3A_261 : memref<10240x128xf32, #tpu.memory_space<vmem_shared>>)
      %add3A_262 = arith.constant 5 : i32
      %add3A_263 = arith.addi %add3A_242, %add3A_262 : i32
      %sub3A_264 = arith.constant 1 : i32
      %sub3A_265 = arith.subi %add3A_263, %sub3A_264 : i32
      %le3A_266 = arith.constant 249 : i32
      %le3A_267 = arith.cmpi sle, %sub3A_265, %le3A_266 : i32
      %convert_element_type3A_268 = arith.extui %le3A_267 : i1 to i32
      %cond3A_269 = arith.constant 0 : i32
      %cond3A_270 = arith.cmpi ne, %convert_element_type3A_268, %cond3A_269 : i32
      scf.if %cond3A_270 {
        %add3A_373 = arith.constant 5 : i32
        %add3A_374 = arith.addi %add3A_242, %add3A_373 : i32
        %sub3A_375 = arith.constant 1 : i32
        %sub3A_376 = arith.subi %add3A_374, %sub3A_375 : i32
        %dma_start3A_377 = arith.constant 0 : i32
        %dma_start3A_378 = tpu.memref_slice %arg7[%sub3A_376, %dma_start3A_377] : memref<250x40xi32, #tpu.memory_space<vmem>> -> memref<1x40xi32, #tpu.memory_space<vmem>>
        %dma_start3A_379 = tpu.memref_squeeze %dma_start3A_378 : memref<1x40xi32, #tpu.memory_space<vmem>> -> memref<40xi32, #tpu.memory_space<vmem>>
        %dma_start3A_380 = arith.constant 0 : i32
        %dma_start3A_381 = arith.constant 0 : i32
        %dma_start3A_382 = tpu.memref_slice %arg2[%dma_start3A_380, %dma_start3A_381] : memref<10240x128xf32, #tpu.memory_space<hbm>> -> memref<10240x128xf32, #tpu.memory_space<hbm>>
        tpu.enqueue_indirect_dma source(%dma_start3A_382 : memref<10240x128xf32, #tpu.memory_space<hbm>>) target(%arg9 : memref<40x128xf32, #tpu.memory_space<vmem>>) offsets(%dma_start3A_379 : memref<40xi32, #tpu.memory_space<vmem>>) semaphore(%arg15 : memref<!tpu.dma_semaphore, #tpu.memory_space<semaphore_mem>>)
      } else {
      }
      %mul3A_271 = arith.constant 5 : i32
      %mul3A_272 = arith.muli %add3A_206, %mul3A_271 : i32
      %add3A_273 = arith.constant 5 : i32
      %add3A_274 = arith.addi %add3A_273, %mul3A_272 : i32
      %add3A_275 = arith.constant 2 : i32
      %add3A_276 = arith.addi %add3A_274, %add3A_275 : i32
      %dma_wait3A_277 = arith.constant 0 : i32
      %dma_wait3A_278 = tpu.memref_slice %arg7[%add3A_276, %dma_wait3A_277] : memref<250x40xi32, #tpu.memory_space<vmem>> -> memref<1x40xi32, #tpu.memory_space<vmem>>
      %dma_wait3A_279 = tpu.memref_squeeze %dma_wait3A_278 : memref<1x40xi32, #tpu.memory_space<vmem>> -> memref<40xi32, #tpu.memory_space<vmem>>
      %dma_wait3A_280 = arith.constant 0 : i32
      %dma_wait3A_281 = arith.constant 0 : i32
      %dma_wait3A_282 = tpu.memref_slice %arg2[%dma_wait3A_280, %dma_wait3A_281] : memref<10240x128xf32, #tpu.memory_space<hbm>> -> memref<10240x128xf32, #tpu.memory_space<hbm>>
      tpu.wait_indirect_dma semaphore(%arg17 : memref<!tpu.dma_semaphore, #tpu.memory_space<semaphore_mem>>) src(%dma_wait3A_282 : memref<10240x128xf32, #tpu.memory_space<hbm>>) dst(%arg11 : memref<40x128xf32, #tpu.memory_space<vmem>>)
      %dma_start3A_283 = arith.constant 0 : i32
      %dma_start3A_284 = tpu.memref_slice %arg8[%add3A_276, %dma_start3A_283] : memref<250x40xi32, #tpu.memory_space<vmem>> -> memref<1x40xi32, #tpu.memory_space<vmem>>
      %dma_start3A_285 = tpu.memref_squeeze %dma_start3A_284 : memref<1x40xi32, #tpu.memory_space<vmem>> -> memref<40xi32, #tpu.memory_space<vmem>>
      %dma_start3A_286 = arith.constant 0 : i32
      %dma_start3A_287 = arith.constant 0 : i32
      %dma_start3A_288 = tpu.memref_slice %arg6[%dma_start3A_286, %dma_start3A_287] : memref<10240x128xf32, #tpu.memory_space<vmem_shared>> -> memref<10240x128xf32, #tpu.memory_space<vmem_shared>>
      tpu.enqueue_indirect_dma source(%arg11 : memref<40x128xf32, #tpu.memory_space<vmem>>) target(%dma_start3A_288 : memref<10240x128xf32, #tpu.memory_space<vmem_shared>>) offsets(%dma_start3A_285 : memref<40xi32, #tpu.memory_space<vmem>>) semaphore(%arg22 : memref<!tpu.dma_semaphore, #tpu.memory_space<semaphore_mem>>) {add = true}
      %dma_wait3A_289 = arith.constant 0 : i32
      %dma_wait3A_290 = arith.constant 0 : i32
      %dma_wait3A_291 = tpu.memref_slice %arg8[%dma_wait3A_289, %dma_wait3A_290] : memref<250x40xi32, #tpu.memory_space<vmem>> -> memref<1x40xi32, #tpu.memory_space<vmem>>
      %dma_wait3A_292 = tpu.memref_squeeze %dma_wait3A_291 : memref<1x40xi32, #tpu.memory_space<vmem>> -> memref<40xi32, #tpu.memory_space<vmem>>
      %dma_wait3A_293 = arith.constant 0 : i32
      %dma_wait3A_294 = arith.constant 0 : i32
      %dma_wait3A_295 = tpu.memref_slice %arg6[%dma_wait3A_293, %dma_wait3A_294] : memref<10240x128xf32, #tpu.memory_space<vmem_shared>> -> memref<10240x128xf32, #tpu.memory_space<vmem_shared>>
      tpu.wait_indirect_dma semaphore(%arg21 : memref<!tpu.dma_semaphore, #tpu.memory_space<semaphore_mem>>) src(%arg10 : memref<40x128xf32, #tpu.memory_space<vmem>>) dst(%dma_wait3A_295 : memref<10240x128xf32, #tpu.memory_space<vmem_shared>>)
      %add3A_296 = arith.constant 5 : i32
      %add3A_297 = arith.addi %add3A_276, %add3A_296 : i32
      %sub3A_298 = arith.constant 1 : i32
      %sub3A_299 = arith.subi %add3A_297, %sub3A_298 : i32
      %le3A_300 = arith.constant 249 : i32
      %le3A_301 = arith.cmpi sle, %sub3A_299, %le3A_300 : i32
      %convert_element_type3A_302 = arith.extui %le3A_301 : i1 to i32
      %cond3A_303 = arith.constant 0 : i32
      %cond3A_304 = arith.cmpi ne, %convert_element_type3A_302, %cond3A_303 : i32
      scf.if %cond3A_304 {
        %add3A_373 = arith.constant 5 : i32
        %add3A_374 = arith.addi %add3A_276, %add3A_373 : i32
        %sub3A_375 = arith.constant 1 : i32
        %sub3A_376 = arith.subi %add3A_374, %sub3A_375 : i32
        %dma_start3A_377 = arith.constant 0 : i32
        %dma_start3A_378 = tpu.memref_slice %arg7[%sub3A_376, %dma_start3A_377] : memref<250x40xi32, #tpu.memory_space<vmem>> -> memref<1x40xi32, #tpu.memory_space<vmem>>
        %dma_start3A_379 = tpu.memref_squeeze %dma_start3A_378 : memref<1x40xi32, #tpu.memory_space<vmem>> -> memref<40xi32, #tpu.memory_space<vmem>>
        %dma_start3A_380 = arith.constant 0 : i32
        %dma_start3A_381 = arith.constant 0 : i32
        %dma_start3A_382 = tpu.memref_slice %arg2[%dma_start3A_380, %dma_start3A_381] : memref<10240x128xf32, #tpu.memory_space<hbm>> -> memref<10240x128xf32, #tpu.memory_space<hbm>>
        tpu.enqueue_indirect_dma source(%dma_start3A_382 : memref<10240x128xf32, #tpu.memory_space<hbm>>) target(%arg10 : memref<40x128xf32, #tpu.memory_space<vmem>>) offsets(%dma_start3A_379 : memref<40xi32, #tpu.memory_space<vmem>>) semaphore(%arg16 : memref<!tpu.dma_semaphore, #tpu.memory_space<semaphore_mem>>)
      } else {
      }
      %mul3A_305 = arith.constant 5 : i32
      %mul3A_306 = arith.muli %add3A_206, %mul3A_305 : i32
      %add3A_307 = arith.constant 5 : i32
      %add3A_308 = arith.addi %add3A_307, %mul3A_306 : i32
      %add3A_309 = arith.constant 3 : i32
      %add3A_310 = arith.addi %add3A_308, %add3A_309 : i32
      %dma_wait3A_311 = arith.constant 0 : i32
      %dma_wait3A_312 = tpu.memref_slice %arg7[%add3A_310, %dma_wait3A_311] : memref<250x40xi32, #tpu.memory_space<vmem>> -> memref<1x40xi32, #tpu.memory_space<vmem>>
      %dma_wait3A_313 = tpu.memref_squeeze %dma_wait3A_312 : memref<1x40xi32, #tpu.memory_space<vmem>> -> memref<40xi32, #tpu.memory_space<vmem>>
      %dma_wait3A_314 = arith.constant 0 : i32
      %dma_wait3A_315 = arith.constant 0 : i32
      %dma_wait3A_316 = tpu.memref_slice %arg2[%dma_wait3A_314, %dma_wait3A_315] : memref<10240x128xf32, #tpu.memory_space<hbm>> -> memref<10240x128xf32, #tpu.memory_space<hbm>>
      tpu.wait_indirect_dma semaphore(%arg18 : memref<!tpu.dma_semaphore, #tpu.memory_space<semaphore_mem>>) src(%dma_wait3A_316 : memref<10240x128xf32, #tpu.memory_space<hbm>>) dst(%arg12 : memref<40x128xf32, #tpu.memory_space<vmem>>)
      %dma_start3A_317 = arith.constant 0 : i32
      %dma_start3A_318 = tpu.memref_slice %arg8[%add3A_310, %dma_start3A_317] : memref<250x40xi32, #tpu.memory_space<vmem>> -> memref<1x40xi32, #tpu.memory_space<vmem>>
      %dma_start3A_319 = tpu.memref_squeeze %dma_start3A_318 : memref<1x40xi32, #tpu.memory_space<vmem>> -> memref<40xi32, #tpu.memory_space<vmem>>
      %dma_start3A_320 = arith.constant 0 : i32
      %dma_start3A_321 = arith.constant 0 : i32
      %dma_start3A_322 = tpu.memref_slice %arg6[%dma_start3A_320, %dma_start3A_321] : memref<10240x128xf32, #tpu.memory_space<vmem_shared>> -> memref<10240x128xf32, #tpu.memory_space<vmem_shared>>
      tpu.enqueue_indirect_dma source(%arg12 : memref<40x128xf32, #tpu.memory_space<vmem>>) target(%dma_start3A_322 : memref<10240x128xf32, #tpu.memory_space<vmem_shared>>) offsets(%dma_start3A_319 : memref<40xi32, #tpu.memory_space<vmem>>) semaphore(%arg23 : memref<!tpu.dma_semaphore, #tpu.memory_space<semaphore_mem>>) {add = true}
      %dma_wait3A_323 = arith.constant 0 : i32
      %dma_wait3A_324 = arith.constant 0 : i32
      %dma_wait3A_325 = tpu.memref_slice %arg8[%dma_wait3A_323, %dma_wait3A_324] : memref<250x40xi32, #tpu.memory_space<vmem>> -> memref<1x40xi32, #tpu.memory_space<vmem>>
      %dma_wait3A_326 = tpu.memref_squeeze %dma_wait3A_325 : memref<1x40xi32, #tpu.memory_space<vmem>> -> memref<40xi32, #tpu.memory_space<vmem>>
      %dma_wait3A_327 = arith.constant 0 : i32
      %dma_wait3A_328 = arith.constant 0 : i32
      %dma_wait3A_329 = tpu.memref_slice %arg6[%dma_wait3A_327, %dma_wait3A_328] : memref<10240x128xf32, #tpu.memory_space<vmem_shared>> -> memref<10240x128xf32, #tpu.memory_space<vmem_shared>>
      tpu.wait_indirect_dma semaphore(%arg22 : memref<!tpu.dma_semaphore, #tpu.memory_space<semaphore_mem>>) src(%arg11 : memref<40x128xf32, #tpu.memory_space<vmem>>) dst(%dma_wait3A_329 : memref<10240x128xf32, #tpu.memory_space<vmem_shared>>)
      %add3A_330 = arith.constant 5 : i32
      %add3A_331 = arith.addi %add3A_310, %add3A_330 : i32
      %sub3A_332 = arith.constant 1 : i32
      %sub3A_333 = arith.subi %add3A_331, %sub3A_332 : i32
      %le3A_334 = arith.constant 249 : i32
      %le3A_335 = arith.cmpi sle, %sub3A_333, %le3A_334 : i32
      %convert_element_type3A_336 = arith.extui %le3A_335 : i1 to i32
      %cond3A_337 = arith.constant 0 : i32
      %cond3A_338 = arith.cmpi ne, %convert_element_type3A_336, %cond3A_337 : i32
      scf.if %cond3A_338 {
        %add3A_373 = arith.constant 5 : i32
        %add3A_374 = arith.addi %add3A_310, %add3A_373 : i32
        %sub3A_375 = arith.constant 1 : i32
        %sub3A_376 = arith.subi %add3A_374, %sub3A_375 : i32
        %dma_start3A_377 = arith.constant 0 : i32
        %dma_start3A_378 = tpu.memref_slice %arg7[%sub3A_376, %dma_start3A_377] : memref<250x40xi32, #tpu.memory_space<vmem>> -> memref<1x40xi32, #tpu.memory_space<vmem>>
        %dma_start3A_379 = tpu.memref_squeeze %dma_start3A_378 : memref<1x40xi32, #tpu.memory_space<vmem>> -> memref<40xi32, #tpu.memory_space<vmem>>
        %dma_start3A_380 = arith.constant 0 : i32
        %dma_start3A_381 = arith.constant 0 : i32
        %dma_start3A_382 = tpu.memref_slice %arg2[%dma_start3A_380, %dma_start3A_381] : memref<10240x128xf32, #tpu.memory_space<hbm>> -> memref<10240x128xf32, #tpu.memory_space<hbm>>
        tpu.enqueue_indirect_dma source(%dma_start3A_382 : memref<10240x128xf32, #tpu.memory_space<hbm>>) target(%arg11 : memref<40x128xf32, #tpu.memory_space<vmem>>) offsets(%dma_start3A_379 : memref<40xi32, #tpu.memory_space<vmem>>) semaphore(%arg17 : memref<!tpu.dma_semaphore, #tpu.memory_space<semaphore_mem>>)
      } else {
      }
      %mul3A_339 = arith.constant 5 : i32
      %mul3A_340 = arith.muli %add3A_206, %mul3A_339 : i32
      %add3A_341 = arith.constant 5 : i32
      %add3A_342 = arith.addi %add3A_341, %mul3A_340 : i32
      %add3A_343 = arith.constant 4 : i32
      %add3A_344 = arith.addi %add3A_342, %add3A_343 : i32
      %dma_wait3A_345 = arith.constant 0 : i32
      %dma_wait3A_346 = tpu.memref_slice %arg7[%add3A_344, %dma_wait3A_345] : memref<250x40xi32, #tpu.memory_space<vmem>> -> memref<1x40xi32, #tpu.memory_space<vmem>>
      %dma_wait3A_347 = tpu.memref_squeeze %dma_wait3A_346 : memref<1x40xi32, #tpu.memory_space<vmem>> -> memref<40xi32, #tpu.memory_space<vmem>>
      %dma_wait3A_348 = arith.constant 0 : i32
      %dma_wait3A_349 = arith.constant 0 : i32
      %dma_wait3A_350 = tpu.memref_slice %arg2[%dma_wait3A_348, %dma_wait3A_349] : memref<10240x128xf32, #tpu.memory_space<hbm>> -> memref<10240x128xf32, #tpu.memory_space<hbm>>
      tpu.wait_indirect_dma semaphore(%arg19 : memref<!tpu.dma_semaphore, #tpu.memory_space<semaphore_mem>>) src(%dma_wait3A_350 : memref<10240x128xf32, #tpu.memory_space<hbm>>) dst(%arg13 : memref<40x128xf32, #tpu.memory_space<vmem>>)
      %dma_start3A_351 = arith.constant 0 : i32
      %dma_start3A_352 = tpu.memref_slice %arg8[%add3A_344, %dma_start3A_351] : memref<250x40xi32, #tpu.memory_space<vmem>> -> memref<1x40xi32, #tpu.memory_space<vmem>>
      %dma_start3A_353 = tpu.memref_squeeze %dma_start3A_352 : memref<1x40xi32, #tpu.memory_space<vmem>> -> memref<40xi32, #tpu.memory_space<vmem>>
      %dma_start3A_354 = arith.constant 0 : i32
      %dma_start3A_355 = arith.constant 0 : i32
      %dma_start3A_356 = tpu.memref_slice %arg6[%dma_start3A_354, %dma_start3A_355] : memref<10240x128xf32, #tpu.memory_space<vmem_shared>> -> memref<10240x128xf32, #tpu.memory_space<vmem_shared>>
      tpu.enqueue_indirect_dma source(%arg13 : memref<40x128xf32, #tpu.memory_space<vmem>>) target(%dma_start3A_356 : memref<10240x128xf32, #tpu.memory_space<vmem_shared>>) offsets(%dma_start3A_353 : memref<40xi32, #tpu.memory_space<vmem>>) semaphore(%arg24 : memref<!tpu.dma_semaphore, #tpu.memory_space<semaphore_mem>>) {add = true}
      %dma_wait3A_357 = arith.constant 0 : i32
      %dma_wait3A_358 = arith.constant 0 : i32
      %dma_wait3A_359 = tpu.memref_slice %arg8[%dma_wait3A_357, %dma_wait3A_358] : memref<250x40xi32, #tpu.memory_space<vmem>> -> memref<1x40xi32, #tpu.memory_space<vmem>>
      %dma_wait3A_360 = tpu.memref_squeeze %dma_wait3A_359 : memref<1x40xi32, #tpu.memory_space<vmem>> -> memref<40xi32, #tpu.memory_space<vmem>>
      %dma_wait3A_361 = arith.constant 0 : i32
      %dma_wait3A_362 = arith.constant 0 : i32
      %dma_wait3A_363 = tpu.memref_slice %arg6[%dma_wait3A_361, %dma_wait3A_362] : memref<10240x128xf32, #tpu.memory_space<vmem_shared>> -> memref<10240x128xf32, #tpu.memory_space<vmem_shared>>
      tpu.wait_indirect_dma semaphore(%arg23 : memref<!tpu.dma_semaphore, #tpu.memory_space<semaphore_mem>>) src(%arg12 : memref<40x128xf32, #tpu.memory_space<vmem>>) dst(%dma_wait3A_363 : memref<10240x128xf32, #tpu.memory_space<vmem_shared>>)
      %add3A_364 = arith.constant 5 : i32
      %add3A_365 = arith.addi %add3A_344, %add3A_364 : i32
      %sub3A_366 = arith.constant 1 : i32
      %sub3A_367 = arith.subi %add3A_365, %sub3A_366 : i32
      %le3A_368 = arith.constant 249 : i32
      %le3A_369 = arith.cmpi sle, %sub3A_367, %le3A_368 : i32
      %convert_element_type3A_370 = arith.extui %le3A_369 : i1 to i32
      %cond3A_371 = arith.constant 0 : i32
      %cond3A_372 = arith.cmpi ne, %convert_element_type3A_370, %cond3A_371 : i32
      scf.if %cond3A_372 {
        %add3A_373 = arith.constant 5 : i32
        %add3A_374 = arith.addi %add3A_344, %add3A_373 : i32
        %sub3A_375 = arith.constant 1 : i32
        %sub3A_376 = arith.subi %add3A_374, %sub3A_375 : i32
        %dma_start3A_377 = arith.constant 0 : i32
        %dma_start3A_378 = tpu.memref_slice %arg7[%sub3A_376, %dma_start3A_377] : memref<250x40xi32, #tpu.memory_space<vmem>> -> memref<1x40xi32, #tpu.memory_space<vmem>>
        %dma_start3A_379 = tpu.memref_squeeze %dma_start3A_378 : memref<1x40xi32, #tpu.memory_space<vmem>> -> memref<40xi32, #tpu.memory_space<vmem>>
        %dma_start3A_380 = arith.constant 0 : i32
        %dma_start3A_381 = arith.constant 0 : i32
        %dma_start3A_382 = tpu.memref_slice %arg2[%dma_start3A_380, %dma_start3A_381] : memref<10240x128xf32, #tpu.memory_space<hbm>> -> memref<10240x128xf32, #tpu.memory_space<hbm>>
        tpu.enqueue_indirect_dma source(%dma_start3A_382 : memref<10240x128xf32, #tpu.memory_space<hbm>>) target(%arg12 : memref<40x128xf32, #tpu.memory_space<vmem>>) offsets(%dma_start3A_379 : memref<40xi32, #tpu.memory_space<vmem>>) semaphore(%arg18 : memref<!tpu.dma_semaphore, #tpu.memory_space<semaphore_mem>>)
      } else {
      }
    }
    %scan3A_193 = arith.constant 49 : i32
    %dma_wait3A_194 = arith.constant 0 : i32
    %dma_wait3A_195 = arith.constant 0 : i32
    %dma_wait3A_196 = tpu.memref_slice %arg8[%dma_wait3A_194, %dma_wait3A_195] : memref<250x40xi32, #tpu.memory_space<vmem>> -> memref<1x40xi32, #tpu.memory_space<vmem>>
    %dma_wait3A_197 = tpu.memref_squeeze %dma_wait3A_196 : memref<1x40xi32, #tpu.memory_space<vmem>> -> memref<40xi32, #tpu.memory_space<vmem>>
    %dma_wait3A_198 = arith.constant 0 : i32
    %dma_wait3A_199 = arith.constant 0 : i32
    %dma_wait3A_200 = tpu.memref_slice %arg6[%dma_wait3A_198, %dma_wait3A_199] : memref<10240x128xf32, #tpu.memory_space<vmem_shared>> -> memref<10240x128xf32, #tpu.memory_space<vmem_shared>>
    tpu.wait_indirect_dma semaphore(%arg24 : memref<!tpu.dma_semaphore, #tpu.memory_space<semaphore_mem>>) src(%arg13 : memref<40x128xf32, #tpu.memory_space<vmem>>) dst(%dma_wait3A_200 : memref<10240x128xf32, #tpu.memory_space<vmem_shared>>)
    %barrier3A_201 = arith.constant 0 : index
    tpu.barrier barrier_id(%barrier3A_201)
    "tpu.region"() ({
      %run_scoped3A = tpu.sem_alloc : memref<!tpu.dma_semaphore, #tpu.memory_space<semaphore_mem>>
      %dma_start3A_202 = arith.constant 0 : i32
      %dma_start3A_203 = arith.constant 0 : i32
      %dma_start3A_204 = tpu.memref_slice %arg5[%arg0, %dma_start3A_202, %dma_start3A_203] : memref<2x10240x128xf32, #tpu.memory_space<hbm>> -> memref<1x10240x128xf32, #tpu.memory_space<hbm>>
      %dma_start3A_205 = tpu.memref_squeeze %dma_start3A_204 : memref<1x10240x128xf32, #tpu.memory_space<hbm>> -> memref<10240x128xf32, #tpu.memory_space<hbm>>
      %dma_start3A_206 = arith.constant 0 : i32
      %dma_start3A_207 = tpu.memref_slice %dma_start3A_205[%mul3A_15, %dma_start3A_206] : memref<10240x128xf32, #tpu.memory_space<hbm>> -> memref<640x128xf32, #tpu.memory_space<hbm>>
      %dma_start3A_208 = arith.constant 0 : i32
      %dma_start3A_209 = tpu.memref_slice %arg6[%mul3A_15, %dma_start3A_208] : memref<10240x128xf32, #tpu.memory_space<vmem_shared>> -> memref<640x128xf32, #tpu.memory_space<vmem_shared>>
      tpu.enqueue_dma source(%dma_start3A_209 : memref<640x128xf32, #tpu.memory_space<vmem_shared>>) target(%dma_start3A_207 : memref<640x128xf32, #tpu.memory_space<hbm>>) target_semaphore(%run_scoped3A : memref<!tpu.dma_semaphore, #tpu.memory_space<semaphore_mem>>)
      %dma_wait3A_210 = arith.constant 0 : i32
      %dma_wait3A_211 = arith.constant 0 : i32
      %dma_wait3A_212 = tpu.memref_slice %arg5[%arg0, %dma_wait3A_210, %dma_wait3A_211] : memref<2x10240x128xf32, #tpu.memory_space<hbm>> -> memref<1x10240x128xf32, #tpu.memory_space<hbm>>
      %dma_wait3A_213 = tpu.memref_squeeze %dma_wait3A_212 : memref<1x10240x128xf32, #tpu.memory_space<hbm>> -> memref<10240x128xf32, #tpu.memory_space<hbm>>
      %dma_wait3A_214 = arith.constant 0 : i32
      %dma_wait3A_215 = tpu.memref_slice %dma_wait3A_213[%mul3A_15, %dma_wait3A_214] : memref<10240x128xf32, #tpu.memory_space<hbm>> -> memref<640x128xf32, #tpu.memory_space<hbm>>
      %dma_wait3A_216 = arith.constant 0 : i32
      %dma_wait3A_217 = tpu.memref_slice %arg6[%mul3A_15, %dma_wait3A_216] : memref<10240x128xf32, #tpu.memory_space<vmem_shared>> -> memref<640x128xf32, #tpu.memory_space<vmem_shared>>
      tpu.wait_dma2 semaphore(%run_scoped3A : memref<!tpu.dma_semaphore, #tpu.memory_space<semaphore_mem>>) src(%dma_wait3A_217 : memref<640x128xf32, #tpu.memory_space<vmem_shared>>) dst(%dma_wait3A_215 : memref<640x128xf32, #tpu.memory_space<hbm>>)
      tpu.yield
    }) : () -> ()
    return
  }
}

module attributes {stable_mosaic.version = 14 : i64} {
  func.func @_final_body(%arg0: memref<2x10240x128xf32, #tpu.memory_space<vmem>>, %arg1: memref<10240x16xf32, #tpu.memory_space<vmem>>, %arg2: memref<10000x128xf32, #tpu.memory_space<vmem>>, %arg3: memref<128x128xf32, #tpu.memory_space<vmem>>, %arg4: memref<1x128xf32, #tpu.memory_space<vmem>>, %arg5: memref<10000x128xf32, #tpu.memory_space<vmem>>) attributes {dimension_semantics = [], scalar_prefetch = 0 : i64, scratch_operands = 0 : i64, tpu.core_type = #tpu.core_type<tc>} {
    %get3A = arith.constant 0 : index
    %get3A_0 = arith.constant 0 : index
    %get3A_1 = vector.load %arg1[%get3A, %get3A_0] : memref<10240x16xf32, #tpu.memory_space<vmem>>, vector<10000x1xf32>
    %get3A_2 = arith.constant 0 : index
    %get3A_3 = arith.constant 0 : index
    %get3A_4 = arith.constant 0 : index
    %get3A_5 = vector.load %arg0[%get3A_2, %get3A_3, %get3A_4] : memref<2x10240x128xf32, #tpu.memory_space<vmem>>, vector<1x10000x128xf32>
    %get3A_6 = vector.shape_cast %get3A_5 : vector<1x10000x128xf32> to vector<10000x128xf32>
    %get3A_7 = arith.constant 1 : index
    %get3A_8 = arith.constant 0 : index
    %get3A_9 = arith.constant 0 : index
    %get3A_10 = vector.load %arg0[%get3A_7, %get3A_8, %get3A_9] : memref<2x10240x128xf32, #tpu.memory_space<vmem>>, vector<1x10000x128xf32>
    %get3A_11 = vector.shape_cast %get3A_10 : vector<1x10000x128xf32> to vector<10000x128xf32>
    %add3A = arith.addf %get3A_6, %get3A_11 : vector<10000x128xf32>
    %mul3A = vector.broadcast %get3A_1 : vector<10000x1xf32> to vector<10000x128xf32>
    %mul3A_12 = arith.mulf %add3A, %mul3A : vector<10000x128xf32>
    %mul3A_13 = arith.constant 0.899999976 : f32
    %mul3A_14 = vector.broadcast %mul3A_13 : f32 to vector<10000x128xf32>
    %mul3A_15 = arith.mulf %mul3A_12, %mul3A_14 : vector<10000x128xf32>
    %get3A_16 = arith.constant 0 : index
    %get3A_17 = arith.constant 0 : index
    %get3A_18 = vector.load %arg2[%get3A_16, %get3A_17] : memref<10000x128xf32, #tpu.memory_space<vmem>>, vector<10000x128xf32>
    %mul3A_19 = arith.constant 1.000000e-01 : f32
    %mul3A_20 = vector.broadcast %mul3A_19 : f32 to vector<10000x128xf32>
    %mul3A_21 = arith.mulf %mul3A_20, %get3A_18 : vector<10000x128xf32>
    %add3A_22 = arith.addf %mul3A_15, %mul3A_21 : vector<10000x128xf32>
    %mul3A_23 = arith.constant 0.594534874 : f32
    %mul3A_24 = vector.broadcast %mul3A_23 : f32 to vector<10000x128xf32>
    %mul3A_25 = arith.mulf %mul3A_24, %add3A_22 : vector<10000x128xf32>
    %get3A_26 = arith.constant 0 : index
    %get3A_27 = arith.constant 0 : index
    %get3A_28 = vector.load %arg3[%get3A_26, %get3A_27] : memref<128x128xf32, #tpu.memory_space<vmem>>, vector<128x128xf32>
    %dot_general3A = arith.constant dense<0.000000e+00> : vector<10000x128xf32>
    %dot_general3A_29 = tpu.matmul %add3A_22, %get3A_28, %dot_general3A {dimension_numbers = #tpu.dot_dimension_numbers<[1], [0], [0], [1], [0, 0, 1, 1], [], []>, transpose_lhs_hint = false} : vector<10000x128xf32>, vector<128x128xf32>, vector<10000x128xf32> -> vector<10000x128xf32>
    %mul3A_30 = arith.constant 0.405465096 : f32
    %mul3A_31 = vector.broadcast %mul3A_30 : f32 to vector<10000x128xf32>
    %mul3A_32 = arith.mulf %mul3A_31, %dot_general3A_29 : vector<10000x128xf32>
    %add3A_33 = arith.addf %mul3A_25, %mul3A_32 : vector<10000x128xf32>
    %get3A_34 = arith.constant 0 : index
    %get3A_35 = arith.constant 0 : index
    %get3A_36 = vector.load %arg4[%get3A_34, %get3A_35] : memref<1x128xf32, #tpu.memory_space<vmem>>, vector<1x128xf32>
    %add3A_37 = vector.broadcast %get3A_36 : vector<1x128xf32> to vector<10000x128xf32>
    %add3A_38 = arith.addf %add3A_33, %add3A_37 : vector<10000x128xf32>
    %swap3A = arith.constant 0 : index
    %swap3A_39 = arith.constant 0 : index
    %swap3A_40 = vector.load %arg5[%swap3A, %swap3A_39] : memref<10000x128xf32, #tpu.memory_space<vmem>>, vector<10000x128xf32>
    tpu.vector_store %arg5[%swap3A, %swap3A_39], %add3A_38 {strides = array<i32>} : memref<10000x128xf32, #tpu.memory_space<vmem>>, vector<10000x128xf32>,
    return
  }
}

</mosaic_0001>

<sc_bundles>
// kernel: kernel.5.cloned.1.call-start
scs
__scs_entry_jumppad:
0x0: {  	(pc) =	sbr.rel $0x88, $3  }
0x1: {  	(tag) =	ssettag $0x0;
	lr =	simm.s32 $0x1  }
0x2: {  	[smem:$0x3F9C] =	sst lr;
	_ =	strace $0xD0000000  }
0x3: {  	_ = 	snop  }
0x4: {  	_ = 	snop  }
0x5: {  	_ = 	snop  }
0x6: {  	_ = 	snop  }
0x7: {  	_ = 	snop  }
__scs_overlays_trampoline_lowered:
0x8: {  	[smem:$0x3FAB] =	sst s0  }
0x9: {  	[smem:$0x3FAC] =	sst s1  }
0xa: {  	[smem:$0x3FAD] =	sst s2  }
0xb: {  	[smem:$0x3FAE] =	sst s3  }
0xc: {  	[smem:$0x3FAF] =	sst s4  }
0xd: {  	[smem:$0x3FB0] =	sst s5  }
0xe: {  	[smem:$0x3FB1] =	sst s6  }
0xf: {  	[smem:$0x3FB2] =	sst s7  }
0x10: {  	[smem:$0x3FB3] =	sst s8  }
0x11: {  	[smem:$0x3FB4] =	sst s9;
	s0 =	simm.s32 @!p0 $0x0  }
0x12: {  	s1 =	sld [smem:$0x3F9A];
	s0 =	simm.s32 @p0 $0x1  }
0x13: {  	[smem:$0x3FB5] =	sst s0;
	s0 =	simm.s32 @!p1 $0x0  }
0x14: {  	s2 =	sld [smem:$0x3F99];
	s0 =	simm.s32 @p1 $0x1  }
0x15: {  	[smem:$0x3FB6] =	sst s0;
	s0 =	simm.s32 @!p2 $0x0  }
0x16: {  	s3 =	sld [smem:$0x3FDB];
	s0 =	simm.s32 @p2 $0x1  }
0x17: {  	s4 =	simm.s32 $0x1BF5;
	[smem:$0x3FB8] =	sst s0  }
0x18: {  	s0 =	sld [smem:$0x3F9B];
	_ =	swait.ge [sflag:s4], $0x0  }
0x19: {  	s7 =	sld [smem:$0x3F9C]  }
0x1a: {  	s8 =	sadd.s32 $0xFFFFE003, lr  }
0x1b: {  	s9 =	sadd.s32 $0xFFFFFEF7, lr;
	s5 =	simm.s32 $0xFFFFFFFF;
	p2 =	slt.u32 s8, $0xFFFFF086  }
0x1c: {  	p1 =	slt.u32 s9, $0xF7A;
	s5 =	simm.s32 @!p2 $0x0  }
0x1d: {  	s5 =	simm.s32 @p1 $0x1;
	p0 =	seq.s32 s7, s2  }
0x1e: {  	s7 =	smul.u32 @!p0 $0xF7A, s2;
	p2 =	seq.s32 @!p0 s5, $0x0  }
0x1f: {  	s9 =	smul.u32 $0xF7A, s1;
	s8 =	simm.s32 @!p0 $0x1BF5;
	p2 =	por !p2, p0  }
0x20: {  	[sflag:s8] =	ssyncset.s32 @!p0 $0xFFFFF086;
	s6 =	sadd.s32 @!p0 s3, s7;
	s7 =	simm.s32 @!p0 $0x108  }
0x21: {  	s3 =	sadd.s32 s3, s9;
	s6 =	sadd.s32 @!p0 $0x88, s6;
	s7 =	simm.s32 @p2 $0x1082  }
0x22: {  	[simem:s7], [sflag:s8] =	dma.local @!p0 [hbm:s6], $0xF7A  }
0x23: {  	s9 =	sor.u32 $0xD0000000, s2;
	s6 =	simm.s32 $0x108;
	_ =	swait.ge @!p0 [sflag:s8], $0x0  }
0x24: {  	s3 =	sadd.s32 $0x88, s3;
	s6 =	simm.s32 @!p1 $0x1082;
	[sflag:s4] =	ssyncset.s32 $0xFFFFF086  }
0x25: {  	[simem:s6], [sflag:s4] =	dma.local [hbm:s3], $0xF7A  }
0x26: {  	[smem:$0x3F9C] =	sst s1;
	(tag) =	ssettag s2;
	_ =	strace s9  }
0x27: {  	s1 =	sld [smem:$0x3FAC]  }
0x28: {  	s2 =	sld [smem:$0x3FAD]  }
0x29: {  	s4 =	sld [smem:$0x3FAF]  }
0x2a: {  	p0 =	seq.s32 s5, $0x0;
	s5 =	sld [smem:$0x3FB0]  }
0x2b: {  	s6 =	sld [smem:$0x3FB1]  }
0x2c: {  	s7 =	sld [smem:$0x3FB2]  }
0x2d: {  	s3 =	simm.s32 $0x108;
	s8 =	sld [smem:$0x3FB3]  }
0x2e: {  	s3 =	simm.s32 @!p0 $0x1082;
	s9 =	sld [smem:$0x3FB4]  }
0x2f: {  	lr =	sadd.s32 s0, s3;
	s0 =	sld [smem:$0x3FAB]  }
0x30: {  	s3 =	sld [smem:$0x3FAE]  }
0x31: {  	[smem:$0x3FB7] =	sst s10  }
0x32: {  	s10 =	sld [smem:$0x3FB5];
	_ =	sdelay $0x3  }
0x33: {  	p0 =	seq.s32 s10, $0x1;
	s10 =	sld [smem:$0x3FB7];
	_ =	sdelay $0x3  }
0x34: {  	[smem:$0x3FB7] =	sst s10  }
0x35: {  	s10 =	sld [smem:$0x3FB6];
	_ =	sdelay $0x3  }
0x36: {  	p1 =	seq.s32 s10, $0x1;
	s10 =	sld [smem:$0x3FB7];
	_ =	sdelay $0x3  }
0x37: {  	[smem:$0x3FB7] =	sst s10  }
0x38: {  	s10 =	sld [smem:$0x3FB8]  }
0x39: {  	_ = 	snop;
	(pc) =	sbr.ind lr, $3  }
0x3a: {  	_ = 	snop  }
0x3b: {  	_ = 	snop  }
0x3c: {  	p2 =	seq.s32 s10, $0x1;
	s10 =	sld [smem:$0x3FB7]  }
0x3d: {  	_ =	shalt  }
0x3e: {  	_ =	shalt  }
0x3f: {  	_ =	shalt  }
0x40: {  	_ =	shalt  }
0x41: {  	_ =	shalt  }
0x42: {  	_ =	shalt  }
0x43: {  	_ =	shalt  }
0x44: {  	_ =	shalt  }
0x45: {  	_ =	shalt  }
0x46: {  	_ =	shalt  }
0x47: {  	_ =	shalt  }
0x48: {  	_ =	shalt  }
0x49: {  	_ =	shalt  }
0x4a: {  	_ =	shalt  }
0x4b: {  	_ =	shalt  }
0x4c: {  	_ =	shalt  }
0x4d: {  	_ =	shalt  }
0x4e: {  	_ =	shalt  }
0x4f: {  	_ =	shalt  }
0x50: {  	_ =	shalt  }
0x51: {  	_ =	shalt  }
0x52: {  	_ =	shalt  }
0x53: {  	_ =	shalt  }
0x54: {  	_ =	shalt  }
0x55: {  	_ =	shalt  }
0x56: {  	_ =	shalt  }
0x57: {  	_ =	shalt  }
0x58: {  	_ =	shalt  }
0x59: {  	_ =	shalt  }
0x5a: {  	_ =	shalt  }
0x5b: {  	_ =	shalt  }
0x5c: {  	_ =	shalt  }
0x5d: {  	_ =	shalt  }
0x5e: {  	_ =	shalt  }
0x5f: {  	_ =	shalt  }
0x60: {  	_ =	shalt  }
0x61: {  	_ =	shalt  }
0x62: {  	_ =	shalt  }
0x63: {  	_ =	shalt  }
0x64: {  	_ =	shalt  }
0x65: {  	_ =	shalt  }
0x66: {  	_ =	shalt  }
0x67: {  	_ =	shalt  }
0x68: {  	_ =	shalt  }
0x69: {  	_ =	shalt  }
0x6a: {  	_ =	shalt  }
0x6b: {  	_ =	shalt  }
0x6c: {  	_ =	shalt  }
0x6d: {  	_ =	shalt  }
0x6e: {  	_ =	shalt  }
0x6f: {  	_ =	shalt  }
0x70: {  	_ =	shalt  }
0x71: {  	_ =	shalt  }
0x72: {  	_ =	shalt  }
0x73: {  	_ =	shalt  }
0x74: {  	_ =	shalt  }
0x75: {  	_ =	shalt  }
0x76: {  	_ =	shalt  }
0x77: {  	_ =	shalt  }
0x78: {  	_ =	shalt  }
0x79: {  	_ =	shalt  }
0x7a: {  	_ =	shalt  }
0x7b: {  	_ =	shalt  }
0x7c: {  	_ =	shalt  }
0x7d: {  	_ =	shalt  }
0x7e: {  	_ =	shalt  }
0x7f: {  	_ =	shalt  }
0x80: {  	_ =	shalt  }
0x81: {  	_ =	shalt  }
0x82: {  	_ =	shalt  }
0x83: {  	_ =	shalt  }
0x84: {  	_ =	shalt  }
0x85: {  	_ =	shalt  }
0x86: {  	_ =	shalt  }
0x87: {  	_ =	shalt  }
.Lfunc_end0:
.L_simem_size_0:
called_computation_lowered:
.L_overlay_start_0:
0x88: {  	s2 =	sld [smem:$0x3FD9]  }
0x89: {  	s3 =	sld [smem:$0x3FFE];
	_ =	sdelay $0x1  }
0x8a: {  	s1 =	srdreg.scid  }
0x8b: {  	s0 =	sand.u32 $0x1, s1  }
0x8c: {  	s17 =	sshll.u32 s0, $0xA;
	s2 =	sadd.s32 s3, s2  }
0x8d: {  	s2 =	sadd.s32 s2, s17  }
0x8e: {  	[smem:$0x3FC3] =	sst s2  }
0x8f: {  	_ = 	snop  }
0x90: {  	s2 =	sld [smem:$0x3FC9];
	(tm) =	ssettm $0x1  }
0x91: {  	s18 =	sld [smem:$0x3FFB];
	_ =	sdelay $0x3  }
0x92: {  	_ =	strace s18  }
0x93: {  	s3 =	sld [smem:$0x3FFC];
	_ =	sdelay $0x3  }
0x94: {  	_ =	strace s3  }
0x95: {  	s3 =	sld [smem:$0x3FFD];
	_ =	sdelay $0x3  }
0x96: {  	_ =	strace s3  }
0x97: {  	_ =	strace $0x8FFFFFFF  }
0x98: {  	s19 =	sld [smem:$0x3FDB];
	_ =	sdelay $0x1  }
0x99: {  	s4 =	simm.s32 $_scs_section_size  }
0x9a: {  	s5 =	simm.s32 $_size__tile_overlayer_lowered;
	s6 =	simm.s32 $_tile_overlayer_lowered  }
0x9b: {  	s22 =	simm.s32 $0x1BFF;
	s21 =	sshll.u32 s6, $0x1;
	s3 =	sadd.s32 s4, s19  }
0x9c: {  	s7 =	simm.s32 $0x0;
	s20 =	sshll.u32 s5, $0x1;
	s5 =	sadd.s32 s21, s3  }
0x9d: {  	[timem:s7], [sflag:s22] =	dma.local [hbm:s5], s20  }
0x9e: {  	_ =	swait.ge [sflag:s22], s20  }
0x9f: {  	s4 =	ssub.s32 $0x0, s20;
	[sflag:s22] =	ssyncset.done $0x0  }
0xa0: {  	[sflag:s22] =	ssyncadd.s32 s4;
	_ =	sdelay $0x1  }
0xa1: {  	s23 =	simm.s32 $0x1B8B  }
0xa2: {  	_ =	swait.ge [sflag:s23], $0x1  }
0xa3: {  	[sflag:s23] =	ssyncset.done $0x0  }
0xa4: {  	s25 =	simm.s32 $0x1B8E;
	s24 =	sld [smem:$0x3FFE];
	[sflag:s23] =	ssyncadd.s32 $0xFFFFFFFF  }
0xa5: {  	s26 =	simm.s32 $execute0_lowered;
	[smem:$0x3FD2] =	sst s25  }
0xa6: {  	s5 =	sshll.u32 s26, $0x1;
	_ =	strace $0x80000046;
	[dreg:$0x1] =	wrdreg $0xFFFFFFFF  }
0xa7: {  	s28 =	simm.s32 $_size_execute0_lowered;
	s3 =	sadd.s32 s3, s5;
	[dreg:$0x0] =	wrdreg $0x0  }
0xa8: {  	s5 =	sshll.u32 s28, $0x1;
	[dreg:$0x2] =	wrdreg s3  }
0xa9: {  	[dreg:$0x3] =	wrdreg s5  }
0xaa: {  	[dreg:$0x4] =	wrdreg $0xC0  }
0xab: {  	_ =	task [dreg:s7], $0x5FFFF  }
0xac: {  	[dreg:$0x1] =	wrdreg $0xFFFFFFFF  }
0xad: {  	[dreg:$0x0] =	wrdreg $0x60  }
0xae: {  	[dreg:$0x2] =	wrdreg s24  }
0xaf: {  	[dreg:$0x3] =	wrdreg s2  }
0xb0: {  	[dreg:$0x4] =	wrdreg $0x0  }
0xb1: {  	[dreg:$0x5] =	wrdreg $0x9  }
0xb2: {  	_ =	task.clear_ibuf [dreg:s7], $0x6FFFF;
	_ =	strace $0x90000046  }
0xb3: {  	s29 =	simm.s32 $0x9;
	_ =	strace $0x80000048  }
0xb4: {  	_ =	swait.ge [sflag:s29], $0x1  }
0xb5: {  	[sflag:s29] =	ssyncadd.s32 $0xFFFFFFFF  }
0xb6: {  	_ =	strace $0x90000048  }
0xb7: {  	_ =	sfence  }
0xb8: {  	s30 =	sld [smem:$0x0];
	_ =	sdelay $0x2  }
0xb9: {  	s31 =	sshll.u32 s1, $0xD;
	s1 =	sshrl.u32 s1, $0x2  }
0xba: {  	s3 =	sand.u32 $0x4000, s31;
	s1 =	sadd.s32 s1, s30  }
0xbb: {  	s0 =	sor.u32 s3, s0;
	s1 =	sshll.u32 s1, $0x11  }
0xbc: {  	s0 =	sor.u32 s1, s0  }
0xbd: {  	s0 =	sadd.s32 $0x8F2B, s0  }
0xbe: {  	[sflag:s0] =	ssyncadd.remote.s32 $0x1  }
0xbf: {  	_ =	sfence.sel $0xFFFF  }
0xc0: {  	[dreg:$0x0] =	wrdreg $0xFFFFFFFF;
	(pc) =	sbr.abs _section_cstart, $3  }
0xc1: {  	[dreg:$0x1] =	wrdreg $0xFFFFFFFF  }
0xc2: {  	_ =	task.clear_ibuf [dreg:s7], $0x2FFFF;
	_ =	strace $0x9FFFFFFF  }
0xc3: {  	(tm) =	ssettm $0x7FFFFFFF  }
tec
execute0_lowered:
.L_overlay_start_1:
0x0: {  	(tag) =	ssettag $0x1  }
0x1: {  	s0 =	rddreg [dreg:$0x0]  }
0x2: {  	s1 =	rddreg [dreg:$0x1];
	s3 =	srdreg.scid  }
0x3: {  	s2 =	rddreg [dreg:$0x2];
	s9 =	stileid.u32;
	s28 =	simm.s32 $0x4  }
0x4: {  	s29 =	simm.s32 $0x5;
	s31 =	simm.s32 $0x6;
	s4 =	sand.u32 $0x1, s3  }
0x5: {  	s3 =	simm.s32 $0x0;
	s6 =	smul.u32 $0x9C4, s9;
	s13 =	sadd.s32 $0x10200, s0  }
0x6: {  	s21 =	smul.u32 $0xA000, s9;
	s5 =	sshll.u32 s4, $0x4;
	[smem:$0x7FF] =	sst s3  }
0x7: {  	s4 =	ssub.s32 $0x2, s4;
	s5 =	sor.u32 s9, s5;
	_ =	strace $0x80000047  }
0x8: {  	s6 =	sadd.s32 s6, s0;
	s8 =	sshrl.u32 s4, $0x1;
	s24 =	sshrl.u32 s21, $0x2  }
0x9: {  	s21 =	simm.s32 $0x3;
	s12 =	smul.u32 $0x1400, s5;
	s4 =	ssub.s32 s4, s8  }
0xa: {  	s8 =	sadd.s32 s24, s2;
	s9 =	sadd.s32 $0x1400, s6;
	p0 =	seq.s32 s5, $0x1F  }
0xb: {  	s24 =	simm.s32 $0x2800;
	s15 =	sadd.s32 $0x800, s8;
	s16 =	sadd.s32 $0x1000, s8  }
0xc: {  	s17 =	sadd.s32 $0x1800, s8;
	s18 =	sadd.s32 $0x2000, s8;
	s7 =	sshrl.u32 s12, $0x3  }
0xd: {  	s20 =	sadd.s32 s1, s12;
	s14 =	sadd.s32 $0x500, s12;
	s19 =	sadd.s32 $0xA00, s12  }
0xe: {  	s10 =	sadd.s32 s12, s2;
	s0 =	sadd.s32 s7, s0;
	[dreg:$0x4] =	wrdreg s20  }
0xf: {  	s22 =	sadd.s32 s1, s14;
	s20 =	sadd.s32 $0xF00, s12;
	s23 =	sadd.s32 s1, s19  }
0x10: {  	s12 =	sadd.s32 s13, s12;
	s25 =	sadd.s32 s13, s14;
	[dreg:$0x5] =	wrdreg s22  }
0x11: {  	s14 =	smax.u32 s4, $0x1;
	s26 =	sadd.s32 s13, s19;
	[dreg:$0x6] =	wrdreg s23  }
.Ltmp0:
0x12: {  	s19 =	simm.s32 $0x0;
	[dreg:$0x8] =	wrdreg s25;
	(pc) =	sbr.rel .LBB2_1-.Ltmp0, $4  }
0x13: {  	s1 =	sadd.s32 s1, s20;
	s11 =	sadd.s32 $0xB200, s0;
	[dreg:$0x9] =	wrdreg s26  }
0x14: {  	s30 =	sadd.s32 s13, s20;
	s22 =	simm.s32 $0x78A0;
	s23 =	simm.s32 $0xE  }
0x15: {  	s25 =	simm.s32 $0x28;
	s26 =	simm.s32 $0x7620;
	[dreg:$0x7] =	wrdreg s1  }
0x16: {  	v0 =	vimm.f32 $0.0e+00;
	v1 =	vimm.f32 $1.000000000e+00;
	s0 =	simm.s32 $0x1;
	[dreg:$0xa] =	wrdreg s30;
	s1 =	simm.s32 $0x2  }
.LBB2_16:
0x17: {  	v7 =	vld [tilespmem:s5+$0x0];
	_ =	sdelay $0x2  }
0x18: {  	v8 =	vld [tilespmem:s4+$0x120F0];
	_ =	sdelay $0x1  }
0x19: {  	v2 =	vmul.f32 v2, v7  }
0x1a: {  	v9 =	vld [tilespmem:s4+$0x12100];
	v3 =	vmul.f32 v3, v7  }
0x1b: {  	v10 =	vld [tilespmem:s4+$0x12110];
	v4 =	vmul.f32 v4, v7;
	[tilespmem:s4+$0x1C0A0] =	vst v2  }
0x1c: {  	v63 =	vmul.f32 v8, v7;
	[tilespmem:s4+$0x1C0B0] =	vst v3  }
0x1d: {  	v2 =	vmul.f32 v5, v7;
	[tilespmem:s4+$0x1C0C0] =	vst v4  }
0x1e: {  	v3 =	vmul.f32 v6, v7;
	[tilespmem:s4+$0x1C0F0] =	vst v63  }
0x1f: {  	[tilespmem:s4+$0x1C0D0] =	vst v2;
	v2 =	vmul.f32 v9, v7  }
0x20: {  	[tilespmem:s4+$0x1C0E0] =	vst v3;
	v3 =	vmul.f32 v10, v7  }
0x21: {  	[tilespmem:s4+$0x1C100] =	vst v2  }
0x22: {  	s6 =	rddreg [dreg:$0xa];
	s7 =	simm.s32 $0x1C0A0;
	s13 =	simm.s32 $0xA;
	[tilespmem:s4+$0x1C110] =	vst v3  }
0x23: {  	[hbm4b:s6+s3] =	stream.linear.scatter [tilespmem:s7], [sflag:$0xD], $0x2800, $0x38;
	[tilespmem:$0x1E8A0] =	vst v63  }
0x24: {  	_ =	swait.ge [sflag:s13], $0x2800  }
0x25: {  	[sflag:s13] =	ssyncset.done $0x0  }
0x26: {  	s20 =	simm.s32 $0xB;
	[sflag:s13] =	ssyncadd.s32 $0xFFFFD800  }
0x27: {  	_ =	swait.ge [sflag:s20], $0x2800  }
0x28: {  	[sflag:s20] =	ssyncset.done $0x0  }
0x29: {  	s30 =	simm.s32 $0xC;
	[sflag:s20] =	ssyncadd.s32 $0xFFFFD800  }
0x2a: {  	_ =	swait.ge [sflag:s30], $0x2800  }
0x2b: {  	[sflag:s30] =	ssyncset.done $0x0  }
0x2c: {  	s4 =	simm.s32 $0xD;
	[sflag:s30] =	ssyncadd.s32 $0xFFFFD800  }
.LBB2_17:
0x2d: {  	s19 =	sadd.s32 $0x1, s19  }
0x2e: {  	p1 =	sne.s32 s19, s14  }
.Ltmp1:
0x2f: {  	_ = 	snop;
	(pc) =	sbr.rel @!p1 .LBB2_18-.Ltmp1, $4  }
0x30: {  	_ = 	snop  }
0x31: {  	_ =	swait.ge [sflag:s4], $0x2800  }
0x32: {  	[sflag:s4] =	ssyncset.done $0x0  }
0x33: {  	[sflag:s4] =	ssyncadd.s32 $0xFFFFD800  }
.LBB2_1:
0x34: {  	s4 =	rddreg [dreg:$0x4];
	s5 =	simm.s32 $0xA8A0  }
0x35: {  	[tilespmem:s5], [sflag:$0x6] =	stream.linear.gather [hbm4b:s4+s3], $0x2800, $0x38;
	[tilespmem:$0x1E8A0] =	vst v63  }
0x36: {  	s6 =	rddreg [dreg:$0x5];
	s4 =	simm.s32 @!p0 $0x0;
	s5 =	simm.s32 @!p0 $0xD0A0  }
0x37: {  	[tilespmem:s5], [sflag:$0x7] =	stream.linear.gather @!p0 [hbm4b:s6+s4], $0x2800, $0x38;
	[tilespmem:$0x1E8A0] =	vst v63  }
0x38: {  	s5 =	simm.s32 @!p0 $0xF8A0;
	s6 =	rddreg [dreg:$0x6]  }
0x39: {  	[tilespmem:s5], [sflag:$0x8] =	stream.linear.gather @!p0 [hbm4b:s6+s4], $0x2800, $0x38;
	[tilespmem:$0x1E8A0] =	vst v63  }
0x3a: {  	s5 =	simm.s32 @!p0 $0x120A0;
	s6 =	rddreg [dreg:$0x7]  }
0x3b: {  	[tilespmem:s5], [sflag:$0x9] =	stream.linear.gather @!p0 [hbm4b:s6+s4], $0x2800, $0x38;
	[tilespmem:$0x1E8A0] =	vst v63  }
0x3c: {  	s4 =	simm.s32 $0x40;
	s5 =	simm.s32 $0x0  }
.LBB2_2:
0x3d: {  	p1 =	sne.s32 s4, $0x1FC0;
	[tilespmem:s5+$0x78A0] =	vst v0;
	s5 =	smov.u32 s4;
	s4 =	sadd.s32 $0x40, s4  }
.Ltmp2:
0x3e: {  	(pc) =	sbr.rel @p1 .LBB2_2-.Ltmp2, $2  }
0x3f: {  	_ =	sdelay $0x2  }
0x40: {  	s5 =	sshra.s32 s5, $0x2  }
0x41: {  	[tilespmem:s5+$0x78A0] =	vst v0  }
0x42: {  	[tilespmem:$0x7620] =	vst v1  }
0x43: {  	[tilespmem:$0x7630] =	vst v1  }
0x44: {  	[tilespmem:$0x7640] =	vst v1  }
0x45: {  	[tilespmem:$0x7650] =	vst v1  }
0x46: {  	[tilespmem:$0x7660] =	vst v1  }
0x47: {  	[tilespmem:$0x7670] =	vst v1  }
0x48: {  	[tilespmem:$0x7680] =	vst v1  }
0x49: {  	[tilespmem:$0x7690] =	vst v1  }
0x4a: {  	[tilespmem:$0x76A0] =	vst v1  }
0x4b: {  	[tilespmem:$0x76B0] =	vst v1  }
0x4c: {  	[tilespmem:$0x76C0] =	vst v1  }
0x4d: {  	[tilespmem:$0x76D0] =	vst v1  }
0x4e: {  	[tilespmem:$0x76E0] =	vst v1  }
0x4f: {  	[tilespmem:$0x76F0] =	vst v1  }
0x50: {  	[tilespmem:$0x7700] =	vst v1  }
0x51: {  	[tilespmem:$0x7710] =	vst v1  }
0x52: {  	[tilespmem:$0x7720] =	vst v1  }
0x53: {  	[tilespmem:$0x7730] =	vst v1  }
0x54: {  	[tilespmem:$0x7740] =	vst v1  }
0x55: {  	[tilespmem:$0x7750] =	vst v1  }
0x56: {  	[tilespmem:$0x7760] =	vst v1  }
0x57: {  	[tilespmem:$0x7770] =	vst v1  }
0x58: {  	[tilespmem:$0x7780] =	vst v1  }
0x59: {  	[tilespmem:$0x7790] =	vst v1  }
0x5a: {  	[tilespmem:$0x77A0] =	vst v1  }
0x5b: {  	[tilespmem:$0x77B0] =	vst v1  }
0x5c: {  	[tilespmem:$0x77C0] =	vst v1  }
0x5d: {  	[tilespmem:$0x77D0] =	vst v1  }
0x5e: {  	[tilespmem:$0x77E0] =	vst v1  }
0x5f: {  	[tilespmem:$0x77F0] =	vst v1  }
0x60: {  	[tilespmem:$0x7800] =	vst v1  }
0x61: {  	[tilespmem:$0x7810] =	vst v1  }
0x62: {  	[tilespmem:$0x7820] =	vst v1  }
0x63: {  	[tilespmem:$0x7830] =	vst v1  }
0x64: {  	[tilespmem:$0x7840] =	vst v1  }
0x65: {  	[tilespmem:$0x7850] =	vst v1  }
0x66: {  	[tilespmem:$0x7860] =	vst v1  }
0x67: {  	[tilespmem:$0x7870] =	vst v1  }
0x68: {  	[tilespmem:$0x7880] =	vst v1  }
0x69: {  	[tilespmem:$0x7890] =	vst v1  }
0x6a: {  	[spmem:s8] =	stream.linear.scatter [tilespmem:s22], [sflag:$0xE], $0x800, $0x38;
	[tilespmem:$0x1E8A0] =	vst v63  }
0x6b: {  	_ =	swait.ge [sflag:s23], $0x800  }
0x6c: {  	[sflag:s23] =	ssyncset.done $0x0  }
0x6d: {  	[sflag:s23] =	ssyncadd.s32 $0xFFFFF800  }
0x6e: {  	[spmem:s15] =	stream.linear.scatter [tilespmem:s22], [sflag:$0xE], $0x800, $0x38;
	[tilespmem:$0x1E8A0] =	vst v63  }
0x6f: {  	_ =	swait.ge [sflag:s23], $0x800  }
0x70: {  	[sflag:s23] =	ssyncset.done $0x0  }
0x71: {  	[sflag:s23] =	ssyncadd.s32 $0xFFFFF800  }
0x72: {  	[spmem:s16] =	stream.linear.scatter [tilespmem:s22], [sflag:$0xE], $0x800, $0x38;
	[tilespmem:$0x1E8A0] =	vst v63  }
0x73: {  	_ =	swait.ge [sflag:s23], $0x800  }
0x74: {  	[sflag:s23] =	ssyncset.done $0x0  }
0x75: {  	[sflag:s23] =	ssyncadd.s32 $0xFFFFF800  }
0x76: {  	[spmem:s17] =	stream.linear.scatter [tilespmem:s22], [sflag:$0xE], $0x800, $0x38;
	[tilespmem:$0x1E8A0] =	vst v63  }
0x77: {  	_ =	swait.ge [sflag:s23], $0x800  }
0x78: {  	[sflag:s23] =	ssyncset.done $0x0  }
0x79: {  	[sflag:s23] =	ssyncadd.s32 $0xFFFFF800  }
0x7a: {  	[spmem:s18] =	stream.linear.scatter [tilespmem:s22], [sflag:$0xE], $0x800, $0x38;
	[tilespmem:$0x1E8A0] =	vst v63  }
0x7b: {  	_ =	swait.ge [sflag:s23], $0x800  }
0x7c: {  	[sflag:s23] =	ssyncset.done $0x0  }
0x7d: {  	[sflag:s23] =	ssyncadd.s32 $0xFFFFF800  }
0x7e: {  	[bflag:$0x0] =	sbarrier.arrive $0xFFFF  }
0x7f: {  	[tilespmem:s24], [sflag:$0xE] =	stream.linear.gather [hbm4b:s9+s3], $0x4E20, $0x38;
	[tilespmem:$0x1E8A0] =	vst v63  }
0x80: {  	_ =	swait.ge [sflag:s23], $0x4E20  }
0x81: {  	[sflag:s23] =	ssyncset.done $0x0  }
0x82: {  	[sflag:s23] =	ssyncadd.s32 $0xFFFFB1E0  }
0x83: {  	[spmem:s2] =	stream.indirect.scatter.add.f32 [tilespmem:s26], [sflag:$0x1], $0x10, s24, s25, $0xb8;
	[tilespmem:$0x1E8A0] =	vst v63  }
0x84: {  	s4 =	simm.s32 $0x2828  }
0x85: {  	[spmem:s2] =	stream.indirect.scatter.add.f32 [tilespmem:s26], [sflag:$0x2], $0x10, s4, s25, $0xb8;
	[tilespmem:$0x1E8A0] =	vst v63  }
0x86: {  	s30 =	simm.s32 $0x2850  }
0x87: {  	[spmem:s2] =	stream.indirect.scatter.add.f32 [tilespmem:s26], [sflag:$0x3], $0x10, s30, s25, $0xb8;
	[tilespmem:$0x1E8A0] =	vst v63  }
0x88: {  	s5 =	simm.s32 $0x2878  }
0x89: {  	[spmem:s2] =	stream.indirect.scatter.add.f32 [tilespmem:s26], [sflag:$0x4], $0x10, s5, s25, $0xb8;
	[tilespmem:$0x1E8A0] =	vst v63  }
0x8a: {  	s6 =	simm.s32 $0x28A0  }
0x8b: {  	[spmem:s2] =	stream.indirect.scatter.add.f32 [tilespmem:s26], [sflag:$0x5], $0x10, s6, s25, $0xb8;
	[tilespmem:$0x1E8A0] =	vst v63  }
0x8c: {  	_ =	swait.ge [sflag:s0], $0x280  }
0x8d: {  	[sflag:s0] =	ssyncset.done $0x0  }
0x8e: {  	s7 =	simm.s32 $0x28C8;
	[sflag:s0] =	ssyncadd.s32 $0xFFFFFD80  }
0x8f: {  	[spmem:s2] =	stream.indirect.scatter.add.f32 [tilespmem:s26], [sflag:$0x1], $0x10, s7, s25, $0xb8;
	[tilespmem:$0x1E8A0] =	vst v63  }
0x90: {  	_ =	swait.ge [sflag:s1], $0x280  }
0x91: {  	[sflag:s1] =	ssyncset.done $0x0  }
0x92: {  	s13 =	simm.s32 $0x28F0;
	[sflag:s1] =	ssyncadd.s32 $0xFFFFFD80  }
0x93: {  	[spmem:s2] =	stream.indirect.scatter.add.f32 [tilespmem:s26], [sflag:$0x2], $0x10, s13, s25, $0xb8;
	[tilespmem:$0x1E8A0] =	vst v63  }
0x94: {  	_ =	swait.ge [sflag:s21], $0x280  }
0x95: {  	[sflag:s21] =	ssyncset.done $0x0  }
0x96: {  	s20 =	simm.s32 $0x2918;
	[sflag:s21] =	ssyncadd.s32 $0xFFFFFD80  }
0x97: {  	[spmem:s2] =	stream.indirect.scatter.add.f32 [tilespmem:s26], [sflag:$0x3], $0x10, s20, s25, $0xb8;
	[tilespmem:$0x1E8A0] =	vst v63  }
0x98: {  	_ =	swait.ge [sflag:s28], $0x280  }
0x99: {  	[sflag:s28] =	ssyncset.done $0x0  }
0x9a: {  	s30 =	simm.s32 $0x2940;
	[sflag:s28] =	ssyncadd.s32 $0xFFFFFD80  }
0x9b: {  	[spmem:s2] =	stream.indirect.scatter.add.f32 [tilespmem:s26], [sflag:$0x4], $0x10, s30, s25, $0xb8;
	[tilespmem:$0x1E8A0] =	vst v63  }
0x9c: {  	_ =	swait.ge [sflag:s29], $0x280  }
0x9d: {  	[sflag:s29] =	ssyncset.done $0x0  }
0x9e: {  	s4 =	simm.s32 $0xFFFECDC0;
	s5 =	simm.s32 $0x2968;
	[sflag:s29] =	ssyncadd.s32 $0xFFFFFD80  }
.LBB2_4:
0x9f: {  	[spmem:s2] =	stream.indirect.scatter.add.f32 [tilespmem:s26], [sflag:$0x5], $0x10, s5, s25, $0xb8;
	[tilespmem:$0x1E8A0] =	vst v63  }
0xa0: {  	s5 =	smov.u32 s4  }
0xa1: {  	p1 =	sne.s32 s4, $0xFFFFFCE0;
	s4 =	sadd.s32 $0x320, s4;
	_ =	swait.ge [sflag:s0], $0x280  }
0xa2: {  	s5 =	sshra.s32 s5, $0x2;
	[sflag:s0] =	ssyncset.done $0x0  }
0xa3: {  	s6 =	sadd.s32 $0x7620, s5;
	[sflag:s0] =	ssyncadd.s32 $0xFFFFFD80  }
0xa4: {  	[spmem:s2] =	stream.indirect.scatter.add.f32 [tilespmem:s26], [sflag:$0x1], $0x10, s6, s25, $0xb8;
	[tilespmem:$0x1E8A0] =	vst v63  }
0xa5: {  	_ =	swait.ge [sflag:s1], $0x280  }
0xa6: {  	[sflag:s1] =	ssyncset.done $0x0  }
0xa7: {  	s6 =	sadd.s32 $0x7648, s5;
	[sflag:s1] =	ssyncadd.s32 $0xFFFFFD80  }
0xa8: {  	[spmem:s2] =	stream.indirect.scatter.add.f32 [tilespmem:s26], [sflag:$0x2], $0x10, s6, s25, $0xb8;
	[tilespmem:$0x1E8A0] =	vst v63  }
0xa9: {  	_ =	swait.ge [sflag:s21], $0x280  }
0xaa: {  	[sflag:s21] =	ssyncset.done $0x0  }
0xab: {  	s6 =	sadd.s32 $0x7670, s5;
	[sflag:s21] =	ssyncadd.s32 $0xFFFFFD80  }
0xac: {  	[spmem:s2] =	stream.indirect.scatter.add.f32 [tilespmem:s26], [sflag:$0x3], $0x10, s6, s25, $0xb8;
	[tilespmem:$0x1E8A0] =	vst v63  }
0xad: {  	_ =	swait.ge [sflag:s28], $0x280  }
0xae: {  	[sflag:s28] =	ssyncset.done $0x0  }
.Ltmp3:
0xaf: {  	s6 =	sadd.s32 $0x7698, s5;
	[sflag:s28] =	ssyncadd.s32 $0xFFFFFD80;
	(pc) =	sbr.rel @p1 .LBB2_4-.Ltmp3, $4  }
0xb0: {  	[spmem:s2] =	stream.indirect.scatter.add.f32 [tilespmem:s26], [sflag:$0x4], $0x10, s6, s25, $0xb8;
	[tilespmem:$0x1E8A0] =	vst v63  }
0xb1: {  	_ =	swait.ge [sflag:s29], $0x280  }
0xb2: {  	[sflag:s29] =	ssyncset.done $0x0  }
0xb3: {  	s5 =	sadd.s32 $0x76C0, s5;
	[sflag:s29] =	ssyncadd.s32 $0xFFFFFD80  }
0xb4: {  	[spmem:s2] =	stream.indirect.scatter.add.f32 [tilespmem:s26], [sflag:$0x5], $0x10, s5, s25, $0xb8;
	[tilespmem:$0x1E8A0] =	vst v63  }
0xb5: {  	_ =	swait.ge [sflag:s0], $0x280  }
0xb6: {  	[sflag:s0] =	ssyncset.done $0x0  }
0xb7: {  	[sflag:s0] =	ssyncadd.s32 $0xFFFFFD80  }
0xb8: {  	_ =	swait.ge [sflag:s1], $0x280  }
0xb9: {  	[sflag:s1] =	ssyncset.done $0x0  }
0xba: {  	[sflag:s1] =	ssyncadd.s32 $0xFFFFFD80  }
0xbb: {  	_ =	swait.ge [sflag:s21], $0x280  }
0xbc: {  	[sflag:s21] =	ssyncset.done $0x0  }
0xbd: {  	[sflag:s21] =	ssyncadd.s32 $0xFFFFFD80  }
0xbe: {  	_ =	swait.ge [sflag:s28], $0x280  }
0xbf: {  	[sflag:s28] =	ssyncset.done $0x0  }
0xc0: {  	[sflag:s28] =	ssyncadd.s32 $0xFFFFFD80  }
0xc1: {  	_ =	swait.ge [sflag:s29], $0x280  }
0xc2: {  	[sflag:s29] =	ssyncset.done $0x0  }
0xc3: {  	[sflag:s29] =	ssyncadd.s32 $0xFFFFFD80  }
0xc4: {  	s4 =	simm.s32 $0x80A0;
	[bflag:$0x0] =	sbarrier.arrive $0xFFFF  }
0xc5: {  	[tilespmem:s4], [sflag:$0xE] =	stream.linear.gather [spmem:s10], $0x1400, $0x38;
	[tilespmem:$0x1E8A0] =	vst v63  }
0xc6: {  	_ =	swait.ge [sflag:s23], $0x1400  }
0xc7: {  	[sflag:s23] =	ssyncset.done $0x0  }
0xc8: {  	s30 =	simm.s32 $0x0;
	[sflag:s23] =	ssyncadd.s32 $0xFFFFEC00  }
0xc9: {  	v2 =	vld [tilespmem:s30+$0x80A0];
	_ =	sdelay $0x4  }
0xca: {  	s20 =	simm.s32 $0x10;
	v2 =	vmax.f32 v2, $1.000000000e+00  }
0xcb: {  	v3 =	vld [tilespmem:s20+$0x80A0];
	v4 =	vshrl.u32 v2, $0x1;
	v8 =	vmul.f32 $5.000000000e-01, v2  }
0xcc: {  	v4 =	vsub.s32 $0x5F3759DF, v4  }
0xcd: {  	v2 =	vmul.f32 v4, v8;
	_ =	sdelay $0x1  }
0xce: {  	s13 =	simm.s32 $0x20;
	v5 =	vmul.f32 v4, v2  }
0xcf: {  	v2 =	vmax.f32 v3, $1.000000000e+00;
	v3 =	vld [tilespmem:s13+$0x80A0]  }
0xd0: {  	v6 =	vshrl.u32 v2, $0x1;
	v2 =	vmul.f32 $5.000000000e-01, v2;
	v5 =	vsub.f32 $1.500000000e+00, v5  }
0xd1: {  	v6 =	vsub.s32 $0x5F3759DF, v6  }
0xd2: {  	v7 =	vmul.f32 v6, v2;
	v5 =	vmul.f32 v4, v5;
	_ =	sdelay $0x1  }
0xd3: {  	s4 =	simm.s32 $0x30;
	v3 =	vmax.f32 v3, $1.000000000e+00;
	v7 =	vmul.f32 v6, v7;
	v9 =	vmul.f32 v5, v8  }
0xd4: {  	v10 =	vld [tilespmem:s4+$0x80A0];
	v11 =	vshrl.u32 v3, $0x1;
	v4 =	vmul.f32 $5.000000000e-01, v3  }
0xd5: {  	v3 =	vsub.f32 $1.500000000e+00, v7;
	v7 =	vmul.f32 v9, v5;
	v9 =	vsub.s32 $0x5F3759DF, v11  }
0xd6: {  	v11 =	vmul.f32 v9, v4  }
0xd7: {  	v6 =	vmul.f32 v6, v3;
	v3 =	vsub.f32 $1.500000000e+00, v7  }
0xd8: {  	v7 =	vmul.f32 v9, v11  }
0xd9: {  	s5 =	simm.s32 $0x40;
	v10 =	vmax.f32 v10, $1.000000000e+00;
	v11 =	vmul.f32 v6, v2;
	v3 =	vmul.f32 v3, v5  }
0xda: {  	v12 =	vshrl.u32 v10, $0x1;
	v5 =	vmul.f32 $5.000000000e-01, v10;
	v10 =	vld [tilespmem:s5+$0x80A0];
	v13 =	vsub.f32 $1.500000000e+00, v7  }
0xdb: {  	v11 =	vmul.f32 v11, v6;
	v7 =	vsub.s32 $0x5F3759DF, v12;
	v14 =	vmul.f32 v3, v8  }
0xdc: {  	v12 =	vmul.f32 v7, v5  }
0xdd: {  	s6 =	simm.s32 $0x140;
	v8 =	vmul.f32 v9, v13;
	v11 =	vsub.f32 $1.500000000e+00, v11;
	v9 =	vmul.f32 v14, v3  }
.LBB2_6:
0xde: {  	s7 =	smov.u32 s4  }
0xdf: {  	v13 =	vmax.f32 v10, $1.000000000e+00;
	v12 =	vmul.f32 v7, v12;
	v14 =	vmul.f32 v8, v4;
	s4 =	smov.u32 s5;
	s5 =	sshra.s32 s6, $0x2;
	p1 =	sne.s32 s6, $0x4FC0  }
.Ltmp4:
0xe0: {  	v10 =	vld [tilespmem:s5+$0x80A0];
	v15 =	vshrl.u32 v13, $0x1;
	v11 =	vmul.f32 v11, v6;
	v9 =	vsub.f32 $1.500000000e+00, v9;
	v6 =	vmovc v8;
	(pc) =	sbr.rel @p1 .LBB2_6-.Ltmp4, $4  }
0xe1: {  	s6 =	sadd.s32 $0x40, s6;
	v13 =	vmul.f32 $5.000000000e-01, v13;
	v8 =	vsub.f32 $1.500000000e+00, v12;
	v14 =	vmul.f32 v14, v6  }
0xe2: {  	v15 =	vsub.s32 $0x5F3759DF, v15;
	v16 =	vmul.f32 v11, v2;
	v17 =	vmul.f32 v9, v3;
	v3 =	vmovc v11;
	v2 =	vmovc v4  }
0xe3: {  	v12 =	vmul.f32 v15, v13;
	v4 =	vmovc v5;
	v5 =	vmovc v13;
	v8 =	vmul.f32 v7, v8;
	v7 =	vmov v15  }
0xe4: {  	v11 =	vsub.f32 $1.500000000e+00, v14;
	v9 =	vmul.f32 v16, v3;
	[tilespmem:s30+$0x94A0] =	vst v17;
	s30 =	smov.u32 s20;
	s20 =	smov.u32 s13;
	s13 =	smov.u32 s7  }
0xe5: {  	v10 =	vmax.f32 v10, $1.000000000e+00  }
0xe6: {  	v13 =	vshrl.u32 v10, $0x1;
	v10 =	vmul.f32 $5.000000000e-01, v10  }
0xe7: {  	v13 =	vsub.s32 $0x5F3759DF, v13  }
0xe8: {  	v14 =	vmul.f32 v13, v10  }
0xe9: {  	v12 =	vmul.f32 v7, v12  }
0xea: {  	v14 =	vmul.f32 v13, v14  }
0xeb: {  	v12 =	vsub.f32 $1.500000000e+00, v12  }
0xec: {  	v14 =	vsub.f32 $1.500000000e+00, v14  }
0xed: {  	v7 =	vmul.f32 v7, v12  }
0xee: {  	v58 =	vmul.f32 v8, v4;
	v13 =	vmul.f32 v13, v14  }
0xef: {  	v59 =	vmul.f32 v7, v5  }
0xf0: {  	v12 =	vmul.f32 v58, v8;
	v15 =	vmul.f32 v13, v10  }
0xf1: {  	v14 =	vmul.f32 v59, v7  }
0xf2: {  	v12 =	vsub.f32 $1.500000000e+00, v12;
	v15 =	vmul.f32 v15, v13  }
0xf3: {  	v6 =	vmul.f32 v11, v6;
	v60 =	vsub.f32 $1.500000000e+00, v14  }
0xf4: {  	v8 =	vmul.f32 v12, v8;
	v61 =	vsub.f32 $1.500000000e+00, v15  }
0xf5: {  	v2 =	vmul.f32 v6, v2;
	v7 =	vmul.f32 v60, v7  }
0xf6: {  	v4 =	vmul.f32 v8, v4;
	v62 =	vmul.f32 v61, v13  }
0xf7: {  	v2 =	vmul.f32 v2, v6;
	v5 =	vmul.f32 v7, v5  }
0xf8: {  	v9 =	vsub.f32 $1.500000000e+00, v9;
	v4 =	vmul.f32 v4, v8;
	v10 =	vmul.f32 v62, v10  }
0xf9: {  	v2 =	vsub.f32 $1.500000000e+00, v2;
	v5 =	vmul.f32 v5, v7  }
0xfa: {  	v3 =	vmul.f32 v9, v3;
	v4 =	vsub.f32 $1.500000000e+00, v4;
	v63 =	vmul.f32 v10, v62  }
0xfb: {  	v2 =	vmul.f32 v2, v6;
	v5 =	vsub.f32 $1.500000000e+00, v5  }
0xfc: {  	[tilespmem:s30+$0x94A0] =	vst v3;
	v3 =	vmul.f32 v4, v8;
	v4 =	vsub.f32 $1.500000000e+00, v63  }
0xfd: {  	[tilespmem:s20+$0x94A0] =	vst v2;
	v2 =	vmul.f32 v5, v7  }
0xfe: {  	[tilespmem:s13+$0x94A0] =	vst v3;
	v3 =	vmul.f32 v4, v62  }
0xff: {  	[tilespmem:s4+$0x94A0] =	vst v2  }
0x100: {  	s30 =	simm.s32 $0x0;
	[tilespmem:s5+$0x94A0] =	vst v3;
	s5 =	simm.s32 $0x94A0  }
0x101: {  	[hbm4b:s11+s30] =	stream.linear.scatter [tilespmem:s5], [sflag:$0xE], $0x1400, $0x38;
	[tilespmem:$0x1E8A0] =	vst v63  }
0x102: {  	_ =	swait.ge [sflag:s23], $0x1400  }
0x103: {  	[sflag:s23] =	ssyncset.done $0x0  }
0x104: {  	[sflag:s23] =	ssyncadd.s32 $0xFFFFEC00  }
0x105: {  	_ =	swait.ge [sflag:s31], $0x2800  }
0x106: {  	[sflag:s31] =	ssyncset.done $0x0  }
0x107: {  	s4 =	simm.s32 $0x0;
	[sflag:s31] =	ssyncadd.s32 $0xFFFFD800  }
0x108: {  	v2 =	vld [tilespmem:s4+$0xA8A0]  }
0x109: {  	v3 =	vld [tilespmem:s4+$0xA8B0]  }
0x10a: {  	v4 =	vld [tilespmem:s4+$0xA8C0]  }
0x10b: {  	v6 =	vld [tilespmem:s4+$0xA8D0]  }
0x10c: {  	s13 =	simm.s32 $0x200;
	v5 =	vld [tilespmem:s4+$0xA8E0]  }
.LBB2_8:
0x10d: {  	p1 =	sne.s32 s13, $0x9E00;
	v7 =	vld [tilespmem:s5+$0x0]  }
0x10e: {  	v8 =	vld [tilespmem:s4+$0xA8F0]  }
0x10f: {  	v9 =	vld [tilespmem:s4+$0xA900]  }
0x110: {  	v10 =	vld [tilespmem:s4+$0xA910];
	_ =	sdelay $0x1  }
0x111: {  	v2 =	vmul.f32 v2, v7;
	v3 =	vmul.f32 v3, v7  }
0x112: {  	v4 =	vmul.f32 v4, v7;
	v6 =	vmul.f32 v6, v7  }
0x113: {  	v5 =	vmul.f32 v5, v7;
	v8 =	vmul.f32 v8, v7;
	[tilespmem:s4+$0x148A0] =	vst v2  }
0x114: {  	v9 =	vmul.f32 v9, v7;
	[tilespmem:s4+$0x148B0] =	vst v3;
	v7 =	vmul.f32 v10, v7  }
0x115: {  	s6 =	sshra.s32 s13, $0x2;
	[tilespmem:s4+$0x148C0] =	vst v4  }
.Ltmp5:
0x116: {  	v2 =	vld [tilespmem:s6+$0xA8A0];
	[tilespmem:s4+$0x148D0] =	vst v6;
	(pc) =	sbr.rel @p1 .LBB2_8-.Ltmp5, $4  }
0x117: {  	v3 =	vld [tilespmem:s6+$0xA8B0];
	[tilespmem:s4+$0x148E0] =	vst v5  }
0x118: {  	v4 =	vld [tilespmem:s6+$0xA8C0];
	[tilespmem:s4+$0x148F0] =	vst v8  }
0x119: {  	v6 =	vld [tilespmem:s6+$0xA8D0];
	[tilespmem:s4+$0x14900] =	vst v9  }
0x11a: {  	s13 =	sadd.s32 $0x200, s13;
	s5 =	sadd.s32 $0x10, s5;
	v5 =	vld [tilespmem:s6+$0xA8E0];
	[tilespmem:s4+$0x14910] =	vst v7;
	s4 =	smov.u32 s6  }
0x11b: {  	v7 =	vld [tilespmem:s5+$0x0];
	_ =	sdelay $0x2  }
0x11c: {  	v8 =	vld [tilespmem:s4+$0xA8F0];
	_ =	sdelay $0x1  }
0x11d: {  	v2 =	vmul.f32 v2, v7  }
0x11e: {  	v9 =	vld [tilespmem:s4+$0xA900];
	v3 =	vmul.f32 v3, v7  }
0x11f: {  	v10 =	vld [tilespmem:s4+$0xA910];
	v4 =	vmul.f32 v4, v7;
	[tilespmem:s4+$0x148A0] =	vst v2  }
0x120: {  	v63 =	vmul.f32 v8, v7;
	[tilespmem:s4+$0x148B0] =	vst v3  }
0x121: {  	v2 =	vmul.f32 v6, v7;
	[tilespmem:s4+$0x148C0] =	vst v4  }
0x122: {  	v3 =	vmul.f32 v5, v7;
	[tilespmem:s4+$0x148F0] =	vst v63  }
.Ltmp6:
0x123: {  	[tilespmem:s4+$0x148D0] =	vst v2;
	v2 =	vmul.f32 v9, v7;
	(pc) =	sbr.rel @p0 .LBB2_17-.Ltmp6, $4  }
0x124: {  	[tilespmem:s4+$0x148E0] =	vst v3;
	v3 =	vmul.f32 v10, v7  }
0x125: {  	[tilespmem:s4+$0x14900] =	vst v2  }
0x126: {  	s30 =	simm.s32 $0x148A0;
	[tilespmem:s4+$0x14910] =	vst v3;
	s4 =	simm.s32 $0xA  }
0x127: {  	[hbm4b:s12+s3] =	stream.linear.scatter [tilespmem:s30], [sflag:$0xA], $0x2800, $0x38;
	[tilespmem:$0x1E8A0] =	vst v63  }
0x128: {  	s4 =	simm.s32 $0x7  }
0x129: {  	_ =	swait.ge [sflag:s4], $0x2800  }
0x12a: {  	[sflag:s4] =	ssyncset.done $0x0  }
0x12b: {  	[sflag:s4] =	ssyncadd.s32 $0xFFFFD800;
	s4 =	simm.s32 $0x0  }
0x12c: {  	v2 =	vld [tilespmem:s4+$0xD0A0]  }
0x12d: {  	v3 =	vld [tilespmem:s4+$0xD0B0]  }
0x12e: {  	v4 =	vld [tilespmem:s4+$0xD0C0]  }
0x12f: {  	v5 =	vld [tilespmem:s4+$0xD0D0]  }
0x130: {  	s5 =	simm.s32 $0x99A0;
	s13 =	simm.s32 $0x200;
	v6 =	vld [tilespmem:s4+$0xD0E0]  }
.LBB2_11:
0x131: {  	p1 =	sne.s32 s13, $0x9E00;
	v7 =	vld [tilespmem:s5+$0x0]  }
0x132: {  	v8 =	vld [tilespmem:s4+$0xD0F0]  }
0x133: {  	v9 =	vld [tilespmem:s4+$0xD100]  }
0x134: {  	v10 =	vld [tilespmem:s4+$0xD110];
	_ =	sdelay $0x1  }
0x135: {  	v2 =	vmul.f32 v2, v7;
	v3 =	vmul.f32 v3, v7  }
0x136: {  	v4 =	vmul.f32 v4, v7;
	v5 =	vmul.f32 v5, v7  }
0x137: {  	v6 =	vmul.f32 v6, v7;
	v8 =	vmul.f32 v8, v7;
	[tilespmem:s4+$0x170A0] =	vst v2  }
0x138: {  	v9 =	vmul.f32 v9, v7;
	[tilespmem:s4+$0x170B0] =	vst v3;
	v7 =	vmul.f32 v10, v7  }
0x139: {  	s6 =	sshra.s32 s13, $0x2;
	[tilespmem:s4+$0x170C0] =	vst v4  }
.Ltmp7:
0x13a: {  	v2 =	vld [tilespmem:s6+$0xD0A0];
	[tilespmem:s4+$0x170D0] =	vst v5;
	(pc) =	sbr.rel @p1 .LBB2_11-.Ltmp7, $4  }
0x13b: {  	v3 =	vld [tilespmem:s6+$0xD0B0];
	[tilespmem:s4+$0x170E0] =	vst v6  }
0x13c: {  	v4 =	vld [tilespmem:s6+$0xD0C0];
	[tilespmem:s4+$0x170F0] =	vst v8  }
0x13d: {  	v5 =	vld [tilespmem:s6+$0xD0D0];
	[tilespmem:s4+$0x17100] =	vst v9  }
0x13e: {  	s13 =	sadd.s32 $0x200, s13;
	s5 =	sadd.s32 $0x10, s5;
	v6 =	vld [tilespmem:s6+$0xD0E0];
	[tilespmem:s4+$0x17110] =	vst v7;
	s4 =	smov.u32 s6  }
0x13f: {  	v7 =	vld [tilespmem:s5+$0x0];
	_ =	sdelay $0x4  }
0x140: {  	v8 =	vld [tilespmem:s4+$0xD0F0];
	v2 =	vmul.f32 v2, v7  }
0x141: {  	v9 =	vld [tilespmem:s4+$0xD100];
	v3 =	vmul.f32 v3, v7  }
0x142: {  	v10 =	vld [tilespmem:s4+$0xD110];
	v4 =	vmul.f32 v4, v7;
	[tilespmem:s4+$0x170A0] =	vst v2  }
0x143: {  	v2 =	vmul.f32 v5, v7;
	[tilespmem:s4+$0x170B0] =	vst v3  }
0x144: {  	v3 =	vmul.f32 v6, v7;
	[tilespmem:s4+$0x170C0] =	vst v4  }
0x145: {  	v4 =	vmul.f32 v8, v7;
	[tilespmem:s4+$0x170D0] =	vst v2  }
0x146: {  	v2 =	vmul.f32 v9, v7;
	[tilespmem:s4+$0x170E0] =	vst v3  }
0x147: {  	v3 =	vmul.f32 v10, v7;
	[tilespmem:s4+$0x170F0] =	vst v4  }
0x148: {  	s13 =	simm.s32 $0x0;
	[tilespmem:s4+$0x17100] =	vst v2  }
0x149: {  	s20 =	rddreg [dreg:$0x8];
	s6 =	simm.s32 $0x170A0;
	s30 =	simm.s32 $0x8;
	[tilespmem:s4+$0x17110] =	vst v3  }
0x14a: {  	[hbm4b:s20+s13] =	stream.linear.scatter [tilespmem:s6], [sflag:$0xB], $0x2800, $0x38;
	[tilespmem:$0x1E8A0] =	vst v63  }
0x14b: {  	_ =	swait.ge [sflag:s30], $0x2800  }
0x14c: {  	[sflag:s30] =	ssyncset.done $0x0  }
0x14d: {  	s4 =	simm.s32 $0x0;
	[sflag:s30] =	ssyncadd.s32 $0xFFFFD800  }
0x14e: {  	v2 =	vld [tilespmem:s4+$0xF8A0]  }
0x14f: {  	v3 =	vld [tilespmem:s4+$0xF8B0]  }
0x150: {  	v4 =	vld [tilespmem:s4+$0xF8C0]  }
0x151: {  	v5 =	vld [tilespmem:s4+$0xF8D0]  }
0x152: {  	s5 =	simm.s32 $0x9EA0;
	s13 =	simm.s32 $0x200;
	v6 =	vld [tilespmem:s4+$0xF8E0]  }
.LBB2_13:
0x153: {  	p1 =	sne.s32 s13, $0x9E00;
	v7 =	vld [tilespmem:s5+$0x0]  }
0x154: {  	v8 =	vld [tilespmem:s4+$0xF8F0]  }
0x155: {  	v9 =	vld [tilespmem:s4+$0xF900]  }
0x156: {  	v10 =	vld [tilespmem:s4+$0xF910];
	_ =	sdelay $0x1  }
0x157: {  	v2 =	vmul.f32 v2, v7;
	v3 =	vmul.f32 v3, v7  }
0x158: {  	v4 =	vmul.f32 v4, v7;
	v5 =	vmul.f32 v5, v7  }
0x159: {  	v6 =	vmul.f32 v6, v7;
	v8 =	vmul.f32 v8, v7;
	[tilespmem:s4+$0x198A0] =	vst v2  }
0x15a: {  	v9 =	vmul.f32 v9, v7;
	[tilespmem:s4+$0x198B0] =	vst v3;
	v7 =	vmul.f32 v10, v7  }
0x15b: {  	s6 =	sshra.s32 s13, $0x2;
	[tilespmem:s4+$0x198C0] =	vst v4  }
.Ltmp8:
0x15c: {  	v2 =	vld [tilespmem:s6+$0xF8A0];
	[tilespmem:s4+$0x198D0] =	vst v5;
	(pc) =	sbr.rel @p1 .LBB2_13-.Ltmp8, $4  }
0x15d: {  	v3 =	vld [tilespmem:s6+$0xF8B0];
	[tilespmem:s4+$0x198E0] =	vst v6  }
0x15e: {  	v4 =	vld [tilespmem:s6+$0xF8C0];
	[tilespmem:s4+$0x198F0] =	vst v8  }
0x15f: {  	v5 =	vld [tilespmem:s6+$0xF8D0];
	[tilespmem:s4+$0x19900] =	vst v9  }
0x160: {  	s13 =	sadd.s32 $0x200, s13;
	s5 =	sadd.s32 $0x10, s5;
	v6 =	vld [tilespmem:s6+$0xF8E0];
	[tilespmem:s4+$0x19910] =	vst v7;
	s4 =	smov.u32 s6  }
0x161: {  	v7 =	vld [tilespmem:s5+$0x0];
	_ =	sdelay $0x4  }
0x162: {  	v8 =	vld [tilespmem:s4+$0xF8F0];
	v2 =	vmul.f32 v2, v7  }
0x163: {  	v9 =	vld [tilespmem:s4+$0xF900];
	v3 =	vmul.f32 v3, v7  }
0x164: {  	v10 =	vld [tilespmem:s4+$0xF910];
	v4 =	vmul.f32 v4, v7;
	[tilespmem:s4+$0x198A0] =	vst v2  }
0x165: {  	v2 =	vmul.f32 v5, v7;
	[tilespmem:s4+$0x198B0] =	vst v3  }
0x166: {  	v3 =	vmul.f32 v6, v7;
	[tilespmem:s4+$0x198C0] =	vst v4  }
0x167: {  	v4 =	vmul.f32 v8, v7;
	[tilespmem:s4+$0x198D0] =	vst v2  }
0x168: {  	v2 =	vmul.f32 v9, v7;
	[tilespmem:s4+$0x198E0] =	vst v3  }
0x169: {  	v3 =	vmul.f32 v10, v7;
	[tilespmem:s4+$0x198F0] =	vst v4  }
0x16a: {  	s13 =	simm.s32 $0x0;
	[tilespmem:s4+$0x19900] =	vst v2  }
0x16b: {  	s20 =	rddreg [dreg:$0x9];
	s6 =	simm.s32 $0x198A0;
	s30 =	simm.s32 $0x9;
	[tilespmem:s4+$0x19910] =	vst v3  }
0x16c: {  	[hbm4b:s20+s13] =	stream.linear.scatter [tilespmem:s6], [sflag:$0xC], $0x2800, $0x38;
	[tilespmem:$0x1E8A0] =	vst v63  }
0x16d: {  	_ =	swait.ge [sflag:s30], $0x2800  }
0x16e: {  	[sflag:s30] =	ssyncset.done $0x0  }
0x16f: {  	s4 =	simm.s32 $0x0;
	[sflag:s30] =	ssyncadd.s32 $0xFFFFD800  }
0x170: {  	v2 =	vld [tilespmem:s4+$0x120A0]  }
0x171: {  	v3 =	vld [tilespmem:s4+$0x120B0]  }
0x172: {  	v4 =	vld [tilespmem:s4+$0x120C0]  }
0x173: {  	v5 =	vld [tilespmem:s4+$0x120D0]  }
0x174: {  	s5 =	simm.s32 $0xA3A0;
	s13 =	simm.s32 $0x200;
	v6 =	vld [tilespmem:s4+$0x120E0]  }
.LBB2_15:
0x175: {  	p1 =	sne.s32 s13, $0x9E00;
	v7 =	vld [tilespmem:s5+$0x0]  }
0x176: {  	v8 =	vld [tilespmem:s4+$0x120F0]  }
0x177: {  	v9 =	vld [tilespmem:s4+$0x12100]  }
0x178: {  	v10 =	vld [tilespmem:s4+$0x12110];
	_ =	sdelay $0x1  }
0x179: {  	v2 =	vmul.f32 v2, v7;
	v3 =	vmul.f32 v3, v7  }
0x17a: {  	v4 =	vmul.f32 v4, v7;
	v5 =	vmul.f32 v5, v7  }
0x17b: {  	v6 =	vmul.f32 v6, v7;
	v8 =	vmul.f32 v8, v7;
	[tilespmem:s4+$0x1C0A0] =	vst v2  }
0x17c: {  	v9 =	vmul.f32 v9, v7;
	[tilespmem:s4+$0x1C0B0] =	vst v3;
	v7 =	vmul.f32 v10, v7  }
0x17d: {  	s6 =	sshra.s32 s13, $0x2;
	[tilespmem:s4+$0x1C0C0] =	vst v4  }
.Ltmp9:
0x17e: {  	v2 =	vld [tilespmem:s6+$0x120A0];
	[tilespmem:s4+$0x1C0D0] =	vst v5;
	(pc) =	sbr.rel @p1 .LBB2_15-.Ltmp9, $4  }
0x17f: {  	v3 =	vld [tilespmem:s6+$0x120B0];
	[tilespmem:s4+$0x1C0E0] =	vst v6  }
0x180: {  	v4 =	vld [tilespmem:s6+$0x120C0];
	[tilespmem:s4+$0x1C0F0] =	vst v8  }
0x181: {  	v5 =	vld [tilespmem:s6+$0x120D0];
	[tilespmem:s4+$0x1C100] =	vst v9  }
0x182: {  	s13 =	sadd.s32 $0x200, s13;
	s5 =	sadd.s32 $0x10, s5;
	v6 =	vld [tilespmem:s6+$0x120E0];
	[tilespmem:s4+$0x1C110] =	vst v7;
	s4 =	smov.u32 s6  }
.Ltmp10:
0x183: {  	_ = 	snop;
	(pc) =	sbr.rel .LBB2_16-.Ltmp10, $1  }
0x184: {  	_ =	sdelay $0x3  }
.LBB2_18:
0x185: {  	_ =	sfence.sel $0x180000  }
0x186: {  	[bflag:$0x0] =	sbarrier.arrive $0xFFFF  }
0x187: {  	_ =	strace $0x90000047  }
0x188: {  	s0 =	stileid.u32;
	[bflag:$0x2] =	sbarrier.arrive $0xFFFF  }
0x189: {  	p0 =	sne.s32 s0, $0x0;
	s0 =	rddreg [dreg:$0x3]  }
0x18a: {  	s0 =	sadd.s32 @!p0 $0x100000, s0  }
0x18b: {  	[sflag:s0] =	ssyncadd.tile.s32 @!p0 $0x1;
	_ =	shalt  }
.Lfunc_end2:
_tile_overlayer_lowered:
.L_overlay_start_2:
0x18c: {  	(tag) =	ssettag $0x2  }
0x18d: {  	s0 =	rddreg [dreg:$0x0];
	s2 =	stileid.u32  }
0x18e: {  	s1 =	rddreg [dreg:$0x1];
	p0 =	sne.s32 s2, $0x0  }
0x18f: {  	s3 =	rddreg [dreg:$0x2];
	[bflag:$0x3] =	sbarrier.arrive $0xFFFF;
	s2 =	simm.s32 @!p0 $0x1C0E  }
0x190: {  	[timem:s3], [sflag:s2] =	dma.local @!p0 [hbm:s0], s1  }
0x191: {  	s0 =	simm.s32 @!p0 $0xE  }
0x192: {  	_ =	swait.ge @!p0 [sflag:s0], s1  }
0x193: {  	s1 =	ssub.s32 @!p0 $0x0, s1;
	[sflag:s0] =	ssyncset.done @!p0 $0x0  }
0x194: {  	[sflag:s0] =	ssyncadd.s32 @!p0 s1  }
0x195: {  	[bflag:$0x3] =	sbarrier.arrive $0xFFFF  }
0x196: {  	_ =	shalt  }

// kernel: kernel.8.cloned.1.call-start
scs
__scs_entry_jumppad:
0x0: {  	(pc) =	sbr.rel $0x88, $3  }
0x1: {  	(tag) =	ssettag $0x0;
	lr =	simm.s32 $0x1  }
0x2: {  	[smem:$0x3F9C] =	sst lr;
	_ =	strace $0xD0000000  }
0x3: {  	_ = 	snop  }
0x4: {  	_ = 	snop  }
0x5: {  	_ = 	snop  }
0x6: {  	_ = 	snop  }
0x7: {  	_ = 	snop  }
__scs_overlays_trampoline_lowered:
0x8: {  	[smem:$0x3FAB] =	sst s0  }
0x9: {  	[smem:$0x3FAC] =	sst s1  }
0xa: {  	[smem:$0x3FAD] =	sst s2  }
0xb: {  	[smem:$0x3FAE] =	sst s3  }
0xc: {  	[smem:$0x3FAF] =	sst s4  }
0xd: {  	[smem:$0x3FB0] =	sst s5  }
0xe: {  	[smem:$0x3FB1] =	sst s6  }
0xf: {  	[smem:$0x3FB2] =	sst s7  }
0x10: {  	[smem:$0x3FB3] =	sst s8  }
0x11: {  	[smem:$0x3FB4] =	sst s9;
	s0 =	simm.s32 @!p0 $0x0  }
0x12: {  	s1 =	sld [smem:$0x3F9A];
	s0 =	simm.s32 @p0 $0x1  }
0x13: {  	[smem:$0x3FB5] =	sst s0;
	s0 =	simm.s32 @!p1 $0x0  }
0x14: {  	s2 =	sld [smem:$0x3F99];
	s0 =	simm.s32 @p1 $0x1  }
0x15: {  	[smem:$0x3FB6] =	sst s0;
	s0 =	simm.s32 @!p2 $0x0  }
0x16: {  	s3 =	sld [smem:$0x3FDB];
	s0 =	simm.s32 @p2 $0x1  }
0x17: {  	s4 =	simm.s32 $0x1BF5;
	[smem:$0x3FB8] =	sst s0  }
0x18: {  	s0 =	sld [smem:$0x3F9B];
	_ =	swait.ge [sflag:s4], $0x0  }
0x19: {  	s7 =	sld [smem:$0x3F9C]  }
0x1a: {  	s8 =	sadd.s32 $0xFFFFE003, lr  }
0x1b: {  	s9 =	sadd.s32 $0xFFFFFEF7, lr;
	s5 =	simm.s32 $0xFFFFFFFF;
	p2 =	slt.u32 s8, $0xFFFFF086  }
0x1c: {  	p1 =	slt.u32 s9, $0xF7A;
	s5 =	simm.s32 @!p2 $0x0  }
0x1d: {  	s5 =	simm.s32 @p1 $0x1;
	p0 =	seq.s32 s7, s2  }
0x1e: {  	s7 =	smul.u32 @!p0 $0xF7A, s2;
	p2 =	seq.s32 @!p0 s5, $0x0  }
0x1f: {  	s9 =	smul.u32 $0xF7A, s1;
	s8 =	simm.s32 @!p0 $0x1BF5;
	p2 =	por !p2, p0  }
0x20: {  	[sflag:s8] =	ssyncset.s32 @!p0 $0xFFFFF086;
	s6 =	sadd.s32 @!p0 s3, s7;
	s7 =	simm.s32 @!p0 $0x108  }
0x21: {  	s3 =	sadd.s32 s3, s9;
	s6 =	sadd.s32 @!p0 $0x88, s6;
	s7 =	simm.s32 @p2 $0x1082  }
0x22: {  	[simem:s7], [sflag:s8] =	dma.local @!p0 [hbm:s6], $0xF7A  }
0x23: {  	s9 =	sor.u32 $0xD0000000, s2;
	s6 =	simm.s32 $0x108;
	_ =	swait.ge @!p0 [sflag:s8], $0x0  }
0x24: {  	s3 =	sadd.s32 $0x88, s3;
	s6 =	simm.s32 @!p1 $0x1082;
	[sflag:s4] =	ssyncset.s32 $0xFFFFF086  }
0x25: {  	[simem:s6], [sflag:s4] =	dma.local [hbm:s3], $0xF7A  }
0x26: {  	[smem:$0x3F9C] =	sst s1;
	(tag) =	ssettag s2;
	_ =	strace s9  }
0x27: {  	s1 =	sld [smem:$0x3FAC]  }
0x28: {  	s2 =	sld [smem:$0x3FAD]  }
0x29: {  	s4 =	sld [smem:$0x3FAF]  }
0x2a: {  	p0 =	seq.s32 s5, $0x0;
	s5 =	sld [smem:$0x3FB0]  }
0x2b: {  	s6 =	sld [smem:$0x3FB1]  }
0x2c: {  	s7 =	sld [smem:$0x3FB2]  }
0x2d: {  	s3 =	simm.s32 $0x108;
	s8 =	sld [smem:$0x3FB3]  }
0x2e: {  	s3 =	simm.s32 @!p0 $0x1082;
	s9 =	sld [smem:$0x3FB4]  }
0x2f: {  	lr =	sadd.s32 s0, s3;
	s0 =	sld [smem:$0x3FAB]  }
0x30: {  	s3 =	sld [smem:$0x3FAE]  }
0x31: {  	[smem:$0x3FB7] =	sst s10  }
0x32: {  	s10 =	sld [smem:$0x3FB5];
	_ =	sdelay $0x3  }
0x33: {  	p0 =	seq.s32 s10, $0x1;
	s10 =	sld [smem:$0x3FB7];
	_ =	sdelay $0x3  }
0x34: {  	[smem:$0x3FB7] =	sst s10  }
0x35: {  	s10 =	sld [smem:$0x3FB6];
	_ =	sdelay $0x3  }
0x36: {  	p1 =	seq.s32 s10, $0x1;
	s10 =	sld [smem:$0x3FB7];
	_ =	sdelay $0x3  }
0x37: {  	[smem:$0x3FB7] =	sst s10  }
0x38: {  	s10 =	sld [smem:$0x3FB8]  }
0x39: {  	_ = 	snop;
	(pc) =	sbr.ind lr, $3  }
0x3a: {  	_ = 	snop  }
0x3b: {  	_ = 	snop  }
0x3c: {  	p2 =	seq.s32 s10, $0x1;
	s10 =	sld [smem:$0x3FB7]  }
0x3d: {  	_ =	shalt  }
0x3e: {  	_ =	shalt  }
0x3f: {  	_ =	shalt  }
0x40: {  	_ =	shalt  }
0x41: {  	_ =	shalt  }
0x42: {  	_ =	shalt  }
0x43: {  	_ =	shalt  }
0x44: {  	_ =	shalt  }
0x45: {  	_ =	shalt  }
0x46: {  	_ =	shalt  }
0x47: {  	_ =	shalt  }
0x48: {  	_ =	shalt  }
0x49: {  	_ =	shalt  }
0x4a: {  	_ =	shalt  }
0x4b: {  	_ =	shalt  }
0x4c: {  	_ =	shalt  }
0x4d: {  	_ =	shalt  }
0x4e: {  	_ =	shalt  }
0x4f: {  	_ =	shalt  }
0x50: {  	_ =	shalt  }
0x51: {  	_ =	shalt  }
0x52: {  	_ =	shalt  }
0x53: {  	_ =	shalt  }
0x54: {  	_ =	shalt  }
0x55: {  	_ =	shalt  }
0x56: {  	_ =	shalt  }
0x57: {  	_ =	shalt  }
0x58: {  	_ =	shalt  }
0x59: {  	_ =	shalt  }
0x5a: {  	_ =	shalt  }
0x5b: {  	_ =	shalt  }
0x5c: {  	_ =	shalt  }
0x5d: {  	_ =	shalt  }
0x5e: {  	_ =	shalt  }
0x5f: {  	_ =	shalt  }
0x60: {  	_ =	shalt  }
0x61: {  	_ =	shalt  }
0x62: {  	_ =	shalt  }
0x63: {  	_ =	shalt  }
0x64: {  	_ =	shalt  }
0x65: {  	_ =	shalt  }
0x66: {  	_ =	shalt  }
0x67: {  	_ =	shalt  }
0x68: {  	_ =	shalt  }
0x69: {  	_ =	shalt  }
0x6a: {  	_ =	shalt  }
0x6b: {  	_ =	shalt  }
0x6c: {  	_ =	shalt  }
0x6d: {  	_ =	shalt  }
0x6e: {  	_ =	shalt  }
0x6f: {  	_ =	shalt  }
0x70: {  	_ =	shalt  }
0x71: {  	_ =	shalt  }
0x72: {  	_ =	shalt  }
0x73: {  	_ =	shalt  }
0x74: {  	_ =	shalt  }
0x75: {  	_ =	shalt  }
0x76: {  	_ =	shalt  }
0x77: {  	_ =	shalt  }
0x78: {  	_ =	shalt  }
0x79: {  	_ =	shalt  }
0x7a: {  	_ =	shalt  }
0x7b: {  	_ =	shalt  }
0x7c: {  	_ =	shalt  }
0x7d: {  	_ =	shalt  }
0x7e: {  	_ =	shalt  }
0x7f: {  	_ =	shalt  }
0x80: {  	_ =	shalt  }
0x81: {  	_ =	shalt  }
0x82: {  	_ =	shalt  }
0x83: {  	_ =	shalt  }
0x84: {  	_ =	shalt  }
0x85: {  	_ =	shalt  }
0x86: {  	_ =	shalt  }
0x87: {  	_ =	shalt  }
.Lfunc_end0:
.L_simem_size_0:
called_computation.1_lowered:
.L_overlay_start_0:
0x88: {  	s2 =	sld [smem:$0x3FD9]  }
0x89: {  	s3 =	sld [smem:$0x3FFE];
	_ =	sdelay $0x1  }
0x8a: {  	s1 =	srdreg.scid  }
0x8b: {  	s0 =	sand.u32 $0x1, s1  }
0x8c: {  	s17 =	sshll.u32 s0, $0xA;
	s2 =	sadd.s32 s3, s2  }
0x8d: {  	s2 =	sadd.s32 s2, s17  }
0x8e: {  	[smem:$0x3FC3] =	sst s2  }
0x8f: {  	_ = 	snop  }
0x90: {  	s2 =	sld [smem:$0x3FD0];
	(tm) =	ssettm $0x1  }
0x91: {  	s18 =	sld [smem:$0x3FFB];
	_ =	sdelay $0x3  }
0x92: {  	_ =	strace s18  }
0x93: {  	s3 =	sld [smem:$0x3FFC];
	_ =	sdelay $0x3  }
0x94: {  	_ =	strace s3  }
0x95: {  	s3 =	sld [smem:$0x3FFD];
	_ =	sdelay $0x3  }
0x96: {  	_ =	strace s3  }
0x97: {  	_ =	strace $0x8FFFFFFF  }
0x98: {  	s19 =	sld [smem:$0x3FDB];
	_ =	sdelay $0x1  }
0x99: {  	s4 =	simm.s32 $_scs_section_size  }
0x9a: {  	s5 =	simm.s32 $_size__tile_overlayer_lowered;
	s6 =	simm.s32 $_tile_overlayer_lowered  }
0x9b: {  	s22 =	simm.s32 $0x1BFF;
	s21 =	sshll.u32 s6, $0x1;
	s3 =	sadd.s32 s4, s19  }
0x9c: {  	s7 =	simm.s32 $0x0;
	s20 =	sshll.u32 s5, $0x1;
	s5 =	sadd.s32 s21, s3  }
0x9d: {  	[timem:s7], [sflag:s22] =	dma.local [hbm:s5], s20  }
0x9e: {  	_ =	swait.ge [sflag:s22], s20  }
0x9f: {  	s4 =	ssub.s32 $0x0, s20;
	[sflag:s22] =	ssyncset.done $0x0  }
0xa0: {  	[sflag:s22] =	ssyncadd.s32 s4;
	_ =	sdelay $0x1  }
0xa1: {  	s23 =	simm.s32 $0x1B8B  }
0xa2: {  	_ =	swait.ge [sflag:s23], $0x1  }
0xa3: {  	[sflag:s23] =	ssyncset.done $0x0  }
0xa4: {  	s25 =	simm.s32 $0x1B8E;
	s24 =	sld [smem:$0x3FFE];
	[sflag:s23] =	ssyncadd.s32 $0xFFFFFFFF  }
0xa5: {  	s26 =	simm.s32 $execute0_lowered;
	[smem:$0x3FD2] =	sst s25  }
0xa6: {  	s5 =	sshll.u32 s26, $0x1;
	_ =	strace $0x80000049;
	[dreg:$0x1] =	wrdreg $0xFFFFFFFF  }
0xa7: {  	s28 =	simm.s32 $_size_execute0_lowered;
	s3 =	sadd.s32 s3, s5;
	[dreg:$0x0] =	wrdreg $0x0  }
0xa8: {  	s5 =	sshll.u32 s28, $0x1;
	[dreg:$0x2] =	wrdreg s3  }
0xa9: {  	[dreg:$0x3] =	wrdreg s5  }
0xaa: {  	[dreg:$0x4] =	wrdreg $0xC0  }
0xab: {  	_ =	task [dreg:s7], $0x5FFFF  }
0xac: {  	[dreg:$0x1] =	wrdreg $0xFFFFFFFF  }
0xad: {  	[dreg:$0x0] =	wrdreg $0x60  }
0xae: {  	[dreg:$0x2] =	wrdreg s24  }
0xaf: {  	[dreg:$0x3] =	wrdreg s2  }
0xb0: {  	[dreg:$0x4] =	wrdreg $0x0  }
0xb1: {  	[dreg:$0x5] =	wrdreg $0x9  }
0xb2: {  	_ =	task.clear_ibuf [dreg:s7], $0x6FFFF;
	_ =	strace $0x90000049  }
0xb3: {  	s29 =	simm.s32 $0x9;
	_ =	strace $0x8000004B  }
0xb4: {  	_ =	swait.ge [sflag:s29], $0x1  }
0xb5: {  	[sflag:s29] =	ssyncadd.s32 $0xFFFFFFFF  }
0xb6: {  	_ =	strace $0x9000004B  }
0xb7: {  	_ =	sfence  }
0xb8: {  	s30 =	sld [smem:$0x0];
	_ =	sdelay $0x2  }
0xb9: {  	s31 =	sshll.u32 s1, $0xD;
	s1 =	sshrl.u32 s1, $0x2  }
0xba: {  	s3 =	sand.u32 $0x4000, s31;
	s1 =	sadd.s32 s1, s30  }
0xbb: {  	s0 =	sor.u32 s3, s0;
	s1 =	sshll.u32 s1, $0x11  }
0xbc: {  	s0 =	sor.u32 s1, s0  }
0xbd: {  	s0 =	sadd.s32 $0x8F2B, s0  }
0xbe: {  	[sflag:s0] =	ssyncadd.remote.s32 $0x1  }
0xbf: {  	_ =	sfence.sel $0xFFFF  }
0xc0: {  	[dreg:$0x0] =	wrdreg $0xFFFFFFFF;
	(pc) =	sbr.abs _section_cstart, $3  }
0xc1: {  	[dreg:$0x1] =	wrdreg $0xFFFFFFFF  }
0xc2: {  	_ =	task.clear_ibuf [dreg:s7], $0x2FFFF;
	_ =	strace $0x9FFFFFFF  }
0xc3: {  	(tm) =	ssettm $0x7FFFFFFF  }
tec
execute0_lowered:
.L_overlay_start_1:
0x0: {  	(tag) =	ssettag $0x1  }
0x1: {  	s0 =	rddreg [dreg:$0x0]  }
0x2: {  	s1 =	rddreg [dreg:$0x1]  }
0x3: {  	s2 =	rddreg [dreg:$0x2];
	s4 =	srdreg.scid  }
0x4: {  	s11 =	stileid.u32;
	s3 =	simm.s32 $0x0;
	s12 =	simm.s32 $0xB  }
0x5: {  	s13 =	simm.s32 $0x1;
	s14 =	simm.s32 $0x2;
	s15 =	simm.s32 $0x28  }
0x6: {  	s16 =	simm.s32 $0x18E20;
	s18 =	simm.s32 $0x1A220;
	s20 =	simm.s32 $0x1B620  }
0x7: {  	s22 =	simm.s32 $0x1CA20;
	s29 =	simm.s32 $0x6;
	s31 =	simm.s32 $0x3  }
0x8: {  	s21 =	simm.s32 $0x4;
	s30 =	simm.s32 $0x5;
	s19 =	simm.s32 $0x9  }
0x9: {  	s28 =	simm.s32 $0xA;
	s5 =	sand.u32 $0x1, s4;
	s10 =	smul.u32 $0x50000, s11  }
0xa: {  	s24 =	sshll.u32 s11, $0x1;
	[smem:$0x7FF] =	sst s3;
	s11 =	smul.u32 $0x14000, s11  }
0xb: {  	s4 =	sor.u32 s5, s24;
	_ =	strace $0x8000004A;
	s7 =	smul.u32 $0x28000, s5  }
0xc: {  	s5 =	ssub.s32 $0x2, s5;
	s24 =	simm.s32 $0x8;
	s6 =	smul.u32 $0x4E2, s4  }
0xd: {  	s4 =	sadd.s32 $0x10200, s0;
	s9 =	sshrl.u32 s5, $0x1;
	s25 =	sshrl.u32 s10, $0x2  }
0xe: {  	s26 =	sshrl.u32 s11, $0x3;
	s17 =	sadd.s32 s11, s2;
	s10 =	simm.s32 $0x16710  }
0xf: {  	s11 =	simm.s32 $0x1F220;
	s9 =	ssub.s32 s5, s9;
	s8 =	sadd.s32 s6, s0  }
0x10: {  	s0 =	sadd.s32 s7, s0;
	s1 =	sadd.s32 s1, s6;
	s7 =	sadd.s32 s25, s2  }
0x11: {  	s25 =	sshrl.u32 s17, $0x3;
	s17 =	simm.s32 $0x7;
	[dreg:$0x4] =	wrdreg s1  }
0x12: {  	s6 =	sadd.s32 $0x1400, s8;
	s0 =	sadd.s32 $0x38200, s0;
	s8 =	smax.u32 s9, $0x1  }
0x13: {  	v0 =	vimm.f32 $0.0e+00;
	s9 =	simm.s32 $0x14000;
	s23 =	sadd.s32 s26, s0;
	s26 =	simm.s32 $0x1DE20  }
.LBB2_1:
0x14: {  	s0 =	simm.s32 $0x0;
	s1 =	simm.s32 $0x200  }
.LBB2_2:
0x15: {  	p0 =	sne.s32 s1, $0x1E00;
	[tilespmem:s0+$0x1F290] =	vst v0  }
0x16: {  	[tilespmem:s0+$0x1F220] =	vst v0  }
0x17: {  	[tilespmem:s0+$0x1F230] =	vst v0  }
.Ltmp0:
0x18: {  	[tilespmem:s0+$0x1F240] =	vst v0;
	(pc) =	sbr.rel @p0 .LBB2_2-.Ltmp0, $4  }
0x19: {  	[tilespmem:s0+$0x1F250] =	vst v0  }
0x1a: {  	[tilespmem:s0+$0x1F260] =	vst v0  }
0x1b: {  	[tilespmem:s0+$0x1F270] =	vst v0  }
0x1c: {  	[tilespmem:s0+$0x1F280] =	vst v0;
	s0 =	sshra.s32 s1, $0x2;
	s1 =	sadd.s32 $0x200, s1  }
0x1d: {  	[tilespmem:s0+$0x1F290] =	vst v0  }
0x1e: {  	[tilespmem:s0+$0x1F220] =	vst v0  }
0x1f: {  	[tilespmem:s0+$0x1F230] =	vst v0  }
0x20: {  	[tilespmem:s0+$0x1F240] =	vst v0  }
0x21: {  	[tilespmem:s0+$0x1F250] =	vst v0  }
0x22: {  	[tilespmem:s0+$0x1F260] =	vst v0  }
0x23: {  	[tilespmem:s0+$0x1F270] =	vst v0  }
0x24: {  	[tilespmem:s0+$0x1F280] =	vst v0;
	s5 =	simm.s32 $0x0;
	s1 =	rddreg [dreg:$0x4]  }
0x25: {  	[tilespmem:s9], [sflag:$0x1] =	stream.linear.gather [hbm4b:s1+s5], $0x2710, $0x38;
	[tilespmem:$0x1FA20] =	vst v63  }
0x26: {  	_ = 	snop  }
0x27: {  	[tilespmem:s10], [sflag:$0x2] =	stream.linear.gather [hbm4b:s6+s5], $0x2710, $0x38;
	[tilespmem:$0x1FA20] =	vst v63  }
0x28: {  	s5 =	sadd.s32 $0x0, s7  }
0x29: {  	[spmem:s5] =	stream.linear.scatter [tilespmem:s11], [sflag:$0xB], $0x800, $0x38;
	[tilespmem:$0x1FA20] =	vst v63  }
0x2a: {  	s0 =	simm.s32 $0x2000;
	_ =	swait.ge [sflag:s12], $0x800  }
.LBB2_4:
0x2b: {  	s1 =	sshra.s32 s0, $0x2;
	[sflag:s12] =	ssyncset.done $0x0;
	p0 =	sne.s32 s0, $0x4E000  }
.Ltmp1:
0x2c: {  	s1 =	sadd.s32 s1, s7;
	[sflag:s12] =	ssyncadd.s32 $0xFFFFF800;
	(pc) =	sbr.rel @p0 .LBB2_4-.Ltmp1, $3  }
0x2d: {  	[spmem:s1] =	stream.linear.scatter [tilespmem:s11], [sflag:$0xB], $0x800, $0x38;
	[tilespmem:$0x1FA20] =	vst v63  }
0x2e: {  	s0 =	sadd.s32 $0x2000, s0;
	_ =	sdelay $0x1  }
0x2f: {  	_ =	swait.ge [sflag:s12], $0x800  }
0x30: {  	[sflag:s12] =	ssyncset.done $0x0  }
0x31: {  	[sflag:s12] =	ssyncadd.s32 $0xFFFFF800  }
0x32: {  	_ =	swait.ge [sflag:s13], $0x2710  }
0x33: {  	[sflag:s13] =	ssyncset.done $0x0  }
0x34: {  	[sflag:s13] =	ssyncadd.s32 $0xFFFFD8F0  }
0x35: {  	_ =	swait.ge [sflag:s14], $0x2710  }
0x36: {  	[sflag:s14] =	ssyncset.done $0x0  }
0x37: {  	[sflag:s14] =	ssyncadd.s32 $0xFFFFD8F0  }
0x38: {  	[bflag:$0x0] =	sbarrier.arrive $0xFFFF  }
0x39: {  	[tilespmem:s16], [sflag:$0x1] =	stream.indirect.gather [hbm4b:s4+s15], $0x80, s9, s15, $0xb8;
	[tilespmem:$0x1FA20] =	vst v63  }
0x3a: {  	s0 =	simm.s32 $0x14028  }
0x3b: {  	[tilespmem:s18], [sflag:$0x2] =	stream.indirect.gather [hbm4b:s4+s15], $0x80, s0, s15, $0xb8;
	[tilespmem:$0x1FA20] =	vst v63  }
0x3c: {  	s1 =	simm.s32 $0x14050  }
0x3d: {  	[tilespmem:s20], [sflag:$0x3] =	stream.indirect.gather [hbm4b:s4+s15], $0x80, s1, s15, $0xb8;
	[tilespmem:$0x1FA20] =	vst v63  }
0x3e: {  	s5 =	simm.s32 $0x14078  }
0x3f: {  	[tilespmem:s22], [sflag:$0x4] =	stream.indirect.gather [hbm4b:s4+s15], $0x80, s5, s15, $0xb8;
	[tilespmem:$0x1FA20] =	vst v63  }
0x40: {  	_ =	swait.ge [sflag:s13], $0x1400  }
0x41: {  	[sflag:s13] =	ssyncset.done $0x0  }
0x42: {  	[sflag:s13] =	ssyncadd.s32 $0xFFFFEC00  }
0x43: {  	[spmem:s2] =	stream.indirect.scatter.add.f32 [tilespmem:s16], [sflag:$0x6], $0x80, s10, s15, $0xb8;
	[tilespmem:$0x1FA20] =	vst v63  }
0x44: {  	s1 =	simm.s32 $0x140A0  }
0x45: {  	[tilespmem:s26], [sflag:$0x5] =	stream.indirect.gather [hbm4b:s4+s15], $0x80, s1, s15, $0xb8;
	[tilespmem:$0x1FA20] =	vst v63  }
0x46: {  	_ =	swait.ge [sflag:s14], $0x1400  }
0x47: {  	[sflag:s14] =	ssyncset.done $0x0  }
0x48: {  	s5 =	simm.s32 $0x16738;
	[sflag:s14] =	ssyncadd.s32 $0xFFFFEC00  }
0x49: {  	[spmem:s2] =	stream.indirect.scatter.add.f32 [tilespmem:s18], [sflag:$0x7], $0x80, s5, s15, $0xb8;
	[tilespmem:$0x1FA20] =	vst v63  }
0x4a: {  	_ =	swait.ge [sflag:s29], $0x1400  }
0x4b: {  	[sflag:s29] =	ssyncset.done $0x0  }
0x4c: {  	s1 =	simm.s32 $0x140C8;
	[sflag:s29] =	ssyncadd.s32 $0xFFFFEC00  }
0x4d: {  	[tilespmem:s16], [sflag:$0x1] =	stream.indirect.gather [hbm4b:s4+s15], $0x80, s1, s15, $0xb8;
	[tilespmem:$0x1FA20] =	vst v63  }
0x4e: {  	_ =	swait.ge [sflag:s31], $0x1400  }
0x4f: {  	[sflag:s31] =	ssyncset.done $0x0  }
0x50: {  	s5 =	simm.s32 $0x16760;
	[sflag:s31] =	ssyncadd.s32 $0xFFFFEC00  }
0x51: {  	[spmem:s2] =	stream.indirect.scatter.add.f32 [tilespmem:s20], [sflag:$0x8], $0x80, s5, s15, $0xb8;
	[tilespmem:$0x1FA20] =	vst v63  }
0x52: {  	_ =	swait.ge [sflag:s17], $0x1400  }
0x53: {  	[sflag:s17] =	ssyncset.done $0x0  }
0x54: {  	s1 =	simm.s32 $0x140F0;
	[sflag:s17] =	ssyncadd.s32 $0xFFFFEC00  }
0x55: {  	[tilespmem:s18], [sflag:$0x2] =	stream.indirect.gather [hbm4b:s4+s15], $0x80, s1, s15, $0xb8;
	[tilespmem:$0x1FA20] =	vst v63  }
0x56: {  	_ =	swait.ge [sflag:s21], $0x1400  }
0x57: {  	[sflag:s21] =	ssyncset.done $0x0  }
0x58: {  	s5 =	simm.s32 $0x16788;
	[sflag:s21] =	ssyncadd.s32 $0xFFFFEC00  }
0x59: {  	[spmem:s2] =	stream.indirect.scatter.add.f32 [tilespmem:s22], [sflag:$0x9], $0x80, s5, s15, $0xb8;
	[tilespmem:$0x1FA20] =	vst v63  }
0x5a: {  	_ =	swait.ge [sflag:s24], $0x1400  }
0x5b: {  	[sflag:s24] =	ssyncset.done $0x0  }
0x5c: {  	s1 =	simm.s32 $0x14118;
	[sflag:s24] =	ssyncadd.s32 $0xFFFFEC00  }
0x5d: {  	[tilespmem:s20], [sflag:$0x3] =	stream.indirect.gather [hbm4b:s4+s15], $0x80, s1, s15, $0xb8;
	[tilespmem:$0x1FA20] =	vst v63  }
0x5e: {  	_ =	swait.ge [sflag:s30], $0x1400  }
0x5f: {  	[sflag:s30] =	ssyncset.done $0x0  }
0x60: {  	s5 =	simm.s32 $0x167B0;
	[sflag:s30] =	ssyncadd.s32 $0xFFFFEC00  }
0x61: {  	[spmem:s2] =	stream.indirect.scatter.add.f32 [tilespmem:s26], [sflag:$0xA], $0x80, s5, s15, $0xb8;
	[tilespmem:$0x1FA20] =	vst v63  }
0x62: {  	_ =	swait.ge [sflag:s19], $0x1400  }
0x63: {  	[sflag:s19] =	ssyncset.done $0x0  }
0x64: {  	s1 =	simm.s32 $0x14140;
	[sflag:s19] =	ssyncadd.s32 $0xFFFFEC00  }
0x65: {  	[tilespmem:s22], [sflag:$0x4] =	stream.indirect.gather [hbm4b:s4+s15], $0x80, s1, s15, $0xb8;
	[tilespmem:$0x1FA20] =	vst v63  }
0x66: {  	_ =	swait.ge [sflag:s13], $0x1400  }
0x67: {  	[sflag:s13] =	ssyncset.done $0x0  }
0x68: {  	s5 =	simm.s32 $0x167D8;
	[sflag:s13] =	ssyncadd.s32 $0xFFFFEC00  }
0x69: {  	[spmem:s2] =	stream.indirect.scatter.add.f32 [tilespmem:s16], [sflag:$0x6], $0x80, s5, s15, $0xb8;
	[tilespmem:$0x1FA20] =	vst v63  }
0x6a: {  	_ =	swait.ge [sflag:s28], $0x1400  }
0x6b: {  	[sflag:s28] =	ssyncset.done $0x0  }
0x6c: {  	s1 =	simm.s32 $0x14168;
	[sflag:s28] =	ssyncadd.s32 $0xFFFFEC00  }
0x6d: {  	[tilespmem:s26], [sflag:$0x5] =	stream.indirect.gather [hbm4b:s4+s15], $0x80, s1, s15, $0xb8;
	[tilespmem:$0x1FA20] =	vst v63  }
0x6e: {  	_ =	swait.ge [sflag:s14], $0x1400  }
0x6f: {  	[sflag:s14] =	ssyncset.done $0x0  }
0x70: {  	s5 =	simm.s32 $0x16800;
	[sflag:s14] =	ssyncadd.s32 $0xFFFFEC00  }
0x71: {  	[spmem:s2] =	stream.indirect.scatter.add.f32 [tilespmem:s18], [sflag:$0x7], $0x80, s5, s15, $0xb8;
	[tilespmem:$0x1FA20] =	vst v63  }
0x72: {  	_ =	swait.ge [sflag:s29], $0x1400  }
0x73: {  	[sflag:s29] =	ssyncset.done $0x0  }
0x74: {  	s1 =	simm.s32 $0x14190;
	[sflag:s29] =	ssyncadd.s32 $0xFFFFEC00  }
0x75: {  	[tilespmem:s16], [sflag:$0x1] =	stream.indirect.gather [hbm4b:s4+s15], $0x80, s1, s15, $0xb8;
	[tilespmem:$0x1FA20] =	vst v63  }
0x76: {  	_ =	swait.ge [sflag:s31], $0x1400  }
0x77: {  	[sflag:s31] =	ssyncset.done $0x0  }
0x78: {  	s5 =	simm.s32 $0x16828;
	[sflag:s31] =	ssyncadd.s32 $0xFFFFEC00  }
0x79: {  	[spmem:s2] =	stream.indirect.scatter.add.f32 [tilespmem:s20], [sflag:$0x8], $0x80, s5, s15, $0xb8;
	[tilespmem:$0x1FA20] =	vst v63  }
0x7a: {  	_ =	swait.ge [sflag:s17], $0x1400  }
0x7b: {  	[sflag:s17] =	ssyncset.done $0x0  }
0x7c: {  	s1 =	simm.s32 $0x141B8;
	[sflag:s17] =	ssyncadd.s32 $0xFFFFEC00  }
0x7d: {  	[tilespmem:s18], [sflag:$0x2] =	stream.indirect.gather [hbm4b:s4+s15], $0x80, s1, s15, $0xb8;
	[tilespmem:$0x1FA20] =	vst v63  }
0x7e: {  	_ =	swait.ge [sflag:s21], $0x1400  }
0x7f: {  	[sflag:s21] =	ssyncset.done $0x0  }
0x80: {  	s5 =	simm.s32 $0x16850;
	[sflag:s21] =	ssyncadd.s32 $0xFFFFEC00  }
0x81: {  	[spmem:s2] =	stream.indirect.scatter.add.f32 [tilespmem:s22], [sflag:$0x9], $0x80, s5, s15, $0xb8;
	[tilespmem:$0x1FA20] =	vst v63  }
0x82: {  	_ =	swait.ge [sflag:s24], $0x1400  }
0x83: {  	[sflag:s24] =	ssyncset.done $0x0  }
0x84: {  	s1 =	simm.s32 $0x141E0;
	[sflag:s24] =	ssyncadd.s32 $0xFFFFEC00  }
0x85: {  	[tilespmem:s20], [sflag:$0x3] =	stream.indirect.gather [hbm4b:s4+s15], $0x80, s1, s15, $0xb8;
	[tilespmem:$0x1FA20] =	vst v63  }
0x86: {  	_ =	swait.ge [sflag:s30], $0x1400  }
0x87: {  	[sflag:s30] =	ssyncset.done $0x0  }
0x88: {  	s5 =	simm.s32 $0x16878;
	[sflag:s30] =	ssyncadd.s32 $0xFFFFEC00  }
0x89: {  	[spmem:s2] =	stream.indirect.scatter.add.f32 [tilespmem:s26], [sflag:$0xA], $0x80, s5, s15, $0xb8;
	[tilespmem:$0x1FA20] =	vst v63  }
0x8a: {  	_ =	swait.ge [sflag:s19], $0x1400  }
0x8b: {  	[sflag:s19] =	ssyncset.done $0x0  }
0x8c: {  	s0 =	simm.s32 $0x320;
	s1 =	simm.s32 $0x14208;
	[sflag:s19] =	ssyncadd.s32 $0xFFFFEC00  }
.LBB2_6:
0x8d: {  	[tilespmem:s22], [sflag:$0x4] =	stream.indirect.gather [hbm4b:s4+s15], $0x80, s1, s15, $0xb8;
	[tilespmem:$0x1FA20] =	vst v63  }
0x8e: {  	s1 =	smov.u32 s0  }
0x8f: {  	p0 =	sne.s32 s0, $0x92E0;
	s0 =	sadd.s32 $0x320, s0;
	_ =	swait.ge [sflag:s13], $0x1400  }
0x90: {  	s1 =	sshra.s32 s1, $0x2;
	[sflag:s13] =	ssyncset.done $0x0  }
0x91: {  	s5 =	sadd.s32 $0x167D8, s1;
	[sflag:s13] =	ssyncadd.s32 $0xFFFFEC00  }
0x92: {  	[spmem:s2] =	stream.indirect.scatter.add.f32 [tilespmem:s16], [sflag:$0x6], $0x80, s5, s15, $0xb8;
	[tilespmem:$0x1FA20] =	vst v63  }
0x93: {  	_ =	swait.ge [sflag:s28], $0x1400  }
0x94: {  	[sflag:s28] =	ssyncset.done $0x0  }
0x95: {  	s5 =	sadd.s32 $0x14168, s1;
	[sflag:s28] =	ssyncadd.s32 $0xFFFFEC00  }
0x96: {  	[tilespmem:s26], [sflag:$0x5] =	stream.indirect.gather [hbm4b:s4+s15], $0x80, s5, s15, $0xb8;
	[tilespmem:$0x1FA20] =	vst v63  }
0x97: {  	_ =	swait.ge [sflag:s14], $0x1400  }
0x98: {  	[sflag:s14] =	ssyncset.done $0x0  }
0x99: {  	s5 =	sadd.s32 $0x16800, s1;
	[sflag:s14] =	ssyncadd.s32 $0xFFFFEC00  }
0x9a: {  	[spmem:s2] =	stream.indirect.scatter.add.f32 [tilespmem:s18], [sflag:$0x7], $0x80, s5, s15, $0xb8;
	[tilespmem:$0x1FA20] =	vst v63  }
0x9b: {  	_ =	swait.ge [sflag:s29], $0x1400  }
0x9c: {  	[sflag:s29] =	ssyncset.done $0x0  }
0x9d: {  	s5 =	sadd.s32 $0x14190, s1;
	[sflag:s29] =	ssyncadd.s32 $0xFFFFEC00  }
0x9e: {  	[tilespmem:s16], [sflag:$0x1] =	stream.indirect.gather [hbm4b:s4+s15], $0x80, s5, s15, $0xb8;
	[tilespmem:$0x1FA20] =	vst v63  }
0x9f: {  	_ =	swait.ge [sflag:s31], $0x1400  }
0xa0: {  	[sflag:s31] =	ssyncset.done $0x0  }
0xa1: {  	s5 =	sadd.s32 $0x16828, s1;
	[sflag:s31] =	ssyncadd.s32 $0xFFFFEC00  }
0xa2: {  	[spmem:s2] =	stream.indirect.scatter.add.f32 [tilespmem:s20], [sflag:$0x8], $0x80, s5, s15, $0xb8;
	[tilespmem:$0x1FA20] =	vst v63  }
0xa3: {  	_ =	swait.ge [sflag:s17], $0x1400  }
0xa4: {  	[sflag:s17] =	ssyncset.done $0x0  }
0xa5: {  	s5 =	sadd.s32 $0x141B8, s1;
	[sflag:s17] =	ssyncadd.s32 $0xFFFFEC00  }
0xa6: {  	[tilespmem:s18], [sflag:$0x2] =	stream.indirect.gather [hbm4b:s4+s15], $0x80, s5, s15, $0xb8;
	[tilespmem:$0x1FA20] =	vst v63  }
0xa7: {  	_ =	swait.ge [sflag:s21], $0x1400  }
0xa8: {  	[sflag:s21] =	ssyncset.done $0x0  }
0xa9: {  	s5 =	sadd.s32 $0x16850, s1;
	[sflag:s21] =	ssyncadd.s32 $0xFFFFEC00  }
0xaa: {  	[spmem:s2] =	stream.indirect.scatter.add.f32 [tilespmem:s22], [sflag:$0x9], $0x80, s5, s15, $0xb8;
	[tilespmem:$0x1FA20] =	vst v63  }
0xab: {  	_ =	swait.ge [sflag:s24], $0x1400  }
0xac: {  	[sflag:s24] =	ssyncset.done $0x0  }
0xad: {  	s5 =	sadd.s32 $0x141E0, s1;
	[sflag:s24] =	ssyncadd.s32 $0xFFFFEC00  }
0xae: {  	[tilespmem:s20], [sflag:$0x3] =	stream.indirect.gather [hbm4b:s4+s15], $0x80, s5, s15, $0xb8;
	[tilespmem:$0x1FA20] =	vst v63  }
0xaf: {  	_ =	swait.ge [sflag:s30], $0x1400  }
0xb0: {  	[sflag:s30] =	ssyncset.done $0x0  }
.Ltmp2:
0xb1: {  	s5 =	sadd.s32 $0x16878, s1;
	[sflag:s30] =	ssyncadd.s32 $0xFFFFEC00;
	(pc) =	sbr.rel @p0 .LBB2_6-.Ltmp2, $4  }
0xb2: {  	[spmem:s2] =	stream.indirect.scatter.add.f32 [tilespmem:s26], [sflag:$0xA], $0x80, s5, s15, $0xb8;
	[tilespmem:$0x1FA20] =	vst v63  }
0xb3: {  	_ =	swait.ge [sflag:s19], $0x1400  }
0xb4: {  	[sflag:s19] =	ssyncset.done $0x0  }
0xb5: {  	s1 =	sadd.s32 $0x14208, s1;
	[sflag:s19] =	ssyncadd.s32 $0xFFFFEC00  }
0xb6: {  	[tilespmem:s22], [sflag:$0x4] =	stream.indirect.gather [hbm4b:s4+s15], $0x80, s1, s15, $0xb8;
	[tilespmem:$0x1FA20] =	vst v63  }
0xb7: {  	_ =	swait.ge [sflag:s13], $0x1400  }
0xb8: {  	[sflag:s13] =	ssyncset.done $0x0  }
0xb9: {  	s0 =	simm.s32 $0x18D58;
	[sflag:s13] =	ssyncadd.s32 $0xFFFFEC00  }
0xba: {  	[spmem:s2] =	stream.indirect.scatter.add.f32 [tilespmem:s16], [sflag:$0x6], $0x80, s0, s15, $0xb8;
	[tilespmem:$0x1FA20] =	vst v63  }
0xbb: {  	_ =	swait.ge [sflag:s28], $0x1400  }
0xbc: {  	[sflag:s28] =	ssyncset.done $0x0  }
0xbd: {  	s1 =	simm.s32 $0x166E8;
	[sflag:s28] =	ssyncadd.s32 $0xFFFFEC00  }
0xbe: {  	[tilespmem:s26], [sflag:$0x5] =	stream.indirect.gather [hbm4b:s4+s15], $0x80, s1, s15, $0xb8;
	[tilespmem:$0x1FA20] =	vst v63  }
0xbf: {  	_ =	swait.ge [sflag:s14], $0x1400  }
0xc0: {  	[sflag:s14] =	ssyncset.done $0x0  }
0xc1: {  	s5 =	simm.s32 $0x18D80;
	[sflag:s14] =	ssyncadd.s32 $0xFFFFEC00  }
0xc2: {  	[spmem:s2] =	stream.indirect.scatter.add.f32 [tilespmem:s18], [sflag:$0x7], $0x80, s5, s15, $0xb8;
	[tilespmem:$0x1FA20] =	vst v63  }
0xc3: {  	_ =	swait.ge [sflag:s29], $0x1400  }
0xc4: {  	[sflag:s29] =	ssyncset.done $0x0  }
0xc5: {  	[sflag:s29] =	ssyncadd.s32 $0xFFFFEC00  }
0xc6: {  	_ =	swait.ge [sflag:s31], $0x1400  }
0xc7: {  	[sflag:s31] =	ssyncset.done $0x0  }
0xc8: {  	s1 =	simm.s32 $0x18DA8;
	[sflag:s31] =	ssyncadd.s32 $0xFFFFEC00  }
0xc9: {  	[spmem:s2] =	stream.indirect.scatter.add.f32 [tilespmem:s20], [sflag:$0x8], $0x80, s1, s15, $0xb8;
	[tilespmem:$0x1FA20] =	vst v63  }
0xca: {  	_ =	swait.ge [sflag:s17], $0x1400  }
0xcb: {  	[sflag:s17] =	ssyncset.done $0x0  }
0xcc: {  	[sflag:s17] =	ssyncadd.s32 $0xFFFFEC00  }
0xcd: {  	_ =	swait.ge [sflag:s21], $0x1400  }
0xce: {  	[sflag:s21] =	ssyncset.done $0x0  }
0xcf: {  	s5 =	simm.s32 $0x18DD0;
	[sflag:s21] =	ssyncadd.s32 $0xFFFFEC00  }
0xd0: {  	[spmem:s2] =	stream.indirect.scatter.add.f32 [tilespmem:s22], [sflag:$0x9], $0x80, s5, s15, $0xb8;
	[tilespmem:$0x1FA20] =	vst v63  }
0xd1: {  	_ =	swait.ge [sflag:s24], $0x1400  }
0xd2: {  	[sflag:s24] =	ssyncset.done $0x0  }
0xd3: {  	[sflag:s24] =	ssyncadd.s32 $0xFFFFEC00  }
0xd4: {  	_ =	swait.ge [sflag:s30], $0x1400  }
0xd5: {  	[sflag:s30] =	ssyncset.done $0x0  }
0xd6: {  	s1 =	simm.s32 $0x18DF8;
	[sflag:s30] =	ssyncadd.s32 $0xFFFFEC00  }
0xd7: {  	[spmem:s2] =	stream.indirect.scatter.add.f32 [tilespmem:s26], [sflag:$0xA], $0x80, s1, s15, $0xb8;
	[tilespmem:$0x1FA20] =	vst v63  }
0xd8: {  	_ =	swait.ge [sflag:s19], $0x1400  }
0xd9: {  	[sflag:s19] =	ssyncset.done $0x0  }
0xda: {  	[sflag:s19] =	ssyncadd.s32 $0xFFFFEC00  }
0xdb: {  	_ =	swait.ge [sflag:s28], $0x1400  }
0xdc: {  	s3 =	sadd.s32 $0x1, s3;
	s5 =	stileid.u32;
	[sflag:s28] =	ssyncset.done $0x0  }
0xdd: {  	p0 =	sne.s32 s3, s8;
	s0 =	sshll.u32 s5, $0x6;
	[sflag:s28] =	ssyncadd.s32 $0xFFFFEC00  }
.Ltmp3:
0xde: {  	s0 =	sor.u32 $0x1C0B, s0;
	[bflag:$0x0] =	sbarrier.arrive $0xFFFF;
	(pc) =	sbr.rel @p0 .LBB2_1-.Ltmp3, $4  }
0xdf: {  	[hbm:s23], [sflag:s0] =	dma.local [spmem:s25], $0x2800  }
0xe0: {  	_ =	swait.ge [sflag:s12], $0x2800  }
0xe1: {  	[sflag:s12] =	ssyncset.done $0x0  }
0xe2: {  	[sflag:s12] =	ssyncadd.s32 $0xFFFFD800  }
0xe3: {  	_ =	sfence.sel $0x180000  }
0xe4: {  	[bflag:$0x0] =	sbarrier.arrive $0xFFFF  }
0xe5: {  	_ =	strace $0x9000004A  }
0xe6: {  	s0 =	stileid.u32;
	[bflag:$0x2] =	sbarrier.arrive $0xFFFF  }
0xe7: {  	p0 =	sne.s32 s0, $0x0;
	s0 =	rddreg [dreg:$0x3]  }
0xe8: {  	s0 =	sadd.s32 @!p0 $0x100000, s0  }
0xe9: {  	[sflag:s0] =	ssyncadd.tile.s32 @!p0 $0x1;
	_ =	shalt  }
.Lfunc_end2:
_tile_overlayer_lowered:
.L_overlay_start_2:
0xea: {  	(tag) =	ssettag $0x2  }
0xeb: {  	s0 =	rddreg [dreg:$0x0];
	s2 =	stileid.u32  }
0xec: {  	s1 =	rddreg [dreg:$0x1];
	p0 =	sne.s32 s2, $0x0  }
0xed: {  	s3 =	rddreg [dreg:$0x2];
	[bflag:$0x3] =	sbarrier.arrive $0xFFFF;
	s2 =	simm.s32 @!p0 $0x1C0B  }
0xee: {  	[timem:s3], [sflag:s2] =	dma.local @!p0 [hbm:s0], s1  }
0xef: {  	s0 =	simm.s32 @!p0 $0xB  }
0xf0: {  	_ =	swait.ge @!p0 [sflag:s0], s1  }
0xf1: {  	s1 =	ssub.s32 @!p0 $0x0, s1;
	[sflag:s0] =	ssyncset.done @!p0 $0x0  }
0xf2: {  	[sflag:s0] =	ssyncadd.s32 @!p0 s1  }
0xf3: {  	[bflag:$0x3] =	sbarrier.arrive $0xFFFF  }
0xf4: {  	_ =	shalt  }

</sc_bundles>
